<compile_context>
chip_gen: v7x
topology: tpu7x:2x2x1
jax: 0.10.2.dev20260603
libtpu: 0.0.44.dev20260713+nightly
codegen_flags: <defaults>
</compile_context>

<pallas_src>
import functools

import jax
import jax.numpy as jnp
from jax import lax
from jax.experimental import pallas as pl
from jax.experimental.pallas import tpu as pltpu
from jax.experimental.pallas import tpu_sc as plsc

_B = 1000
_BPAD = 1024
_TA = 1024
_TS = 512
_NW = 32
_ACC = _BPAD * 32


def _decompose_mlp_body(x_ref, lnw_ref, lnb_ref, w1_ref, b1_ref, w2_ref,
                        b2_ref, cf_ref):
    xs = [x_ref[e] for e in range(9)]
    m = (xs[0] + xs[4] + xs[8]) * (1.0 / 3.0)
    d1 = xs[1] - xs[3]
    d2 = xs[2] - xs[6]
    d5 = xs[5] - xs[7]
    na = 0.5 * (d1 * d1 + d2 * d2 + d5 * d5)
    s1 = xs[1] + xs[3]
    s2 = xs[2] + xs[6]
    s5 = xs[5] + xs[7]
    t0 = xs[0] - m
    t4 = xs[4] - m
    t8 = xs[8] - m
    ns = t0 * t0 + t4 * t4 + t8 * t8 + 0.5 * (s1 * s1 + s2 * s2 + s5 * s5)
    ssum = (jnp.sum(m, axis=1, keepdims=True)
            + jnp.sum(na, axis=1, keepdims=True)
            + jnp.sum(ns, axis=1, keepdims=True))
    mu = ssum * (1.0 / 384.0)
    dm = m - mu
    dna = na - mu
    dns = ns - mu
    var = (jnp.sum(dm * dm, axis=1, keepdims=True)
           + jnp.sum(dna * dna, axis=1, keepdims=True)
           + jnp.sum(dns * dns, axis=1, keepdims=True)) * (1.0 / 384.0)
    inv = lax.rsqrt(var + 1e-5)
    g0 = dm * inv * lnw_ref[0:1, :] + lnb_ref[0:1, :]
    g1 = dna * inv * lnw_ref[1:2, :] + lnb_ref[1:2, :]
    g2 = dns * inv * lnw_ref[2:3, :] + lnb_ref[2:3, :]
    h = (jnp.dot(g0, w1_ref[0], preferred_element_type=jnp.float32)
         + jnp.dot(g1, w1_ref[1], preferred_element_type=jnp.float32)
         + jnp.dot(g2, w1_ref[2], preferred_element_type=jnp.float32)
         + b1_ref[0:1, :])
    h = h * (1.0 / (1.0 + jnp.exp(-h)))
    cf = jnp.dot(h, w2_ref[...], preferred_element_type=jnp.float32)
    cf = cf + b2_ref[0:1, :]
    lane = lax.broadcasted_iota(jnp.int32, cf.shape, 1)
    cf_ref[...] = jnp.where(lane >= 16, cf * cf, cf)


def _stage_a(xp, lnw, lnb, w1, b1, w2, b2, npad):
    ntiles = npad // _TA
    return pl.pallas_call(
        _decompose_mlp_body,
        grid=(ntiles,),
        in_specs=[
            pl.BlockSpec((9, _TA, 128), lambda i: (0, i, 0)),
            pl.BlockSpec((3, 128), lambda i: (0, 0)),
            pl.BlockSpec((3, 128), lambda i: (0, 0)),
            pl.BlockSpec((3, 128, 128), lambda i: (0, 0, 0)),
            pl.BlockSpec((1, 128), lambda i: (0, 0)),
            pl.BlockSpec((128, 32), lambda i: (0, 0)),
            pl.BlockSpec((1, 32), lambda i: (0, 0)),
        ],
        out_specs=pl.BlockSpec((_TA, 32), lambda i: (i, 0)),
        out_shape=jax.ShapeDtypeStruct((npad, 32), jnp.float32),
    )(xp, lnw, lnb, w1, b1, w2, b2)


def _make_seg_sum(npad):
    ntiles = npad // _TS
    mesh = plsc.VectorSubcoreMesh(core_axis_name="c", subcore_axis_name="s")
    stripe_w = _ACC // 16

    @functools.partial(
        pl.kernel,
        mesh=mesh,
        out_type=jax.ShapeDtypeStruct((2 * _ACC,), jnp.float32),
        scratch_types=[
            pltpu.VMEM((_ACC,), jnp.float32),
            pltpu.VMEM((_TS * 32,), jnp.float32),
            pltpu.VMEM((_TS + 16,), jnp.int32),
            pltpu.VMEM((stripe_w,), jnp.float32),
            pltpu.VMEM((stripe_w,), jnp.float32),
            pltpu.VMEM_SHARED((16 * _ACC,), jnp.float32),
        ],
    )
    def seg_sum(cf_hbm, bat_hbm, part_hbm,
                acc_v, cf_v, bat_v, racc_v, rbuf_v, slots_sh):
        c = lax.axis_index("c")
        s = lax.axis_index("s")
        w = s * 2 + c
        zero16 = jnp.zeros((16,), jnp.float32)

        def _z(j, carry):
            acc_v[pl.ds(j * 16, 16)] = zero16
            return carry
        lax.fori_loop(0, _ACC // 16, _z, 0)

        cnt = ((ntiles - 1) - w) // _NW + 1

        def _tile(k, carry):
            tile = w + k * _NW
            pltpu.sync_copy(cf_hbm.at[pl.ds(tile * (_TS * 32), _TS * 32)],
                            cf_v.at[pl.ds(0, _TS * 32)])
            pltpu.sync_copy(bat_hbm.at[pl.ds(tile * _TS, _TS)],
                            bat_v.at[pl.ds(0, _TS)])

            def _atom(i, carry2):
                b = bat_v[pl.ds(i, 16)][0] * 32
                cvals = cf_v[pl.ds(i * 32, 16)]
                fvals = cf_v[pl.ds(i * 32 + 16, 16)]
                acc_v[pl.ds(b, 16)] = acc_v[pl.ds(b, 16)] + cvals
                acc_v[pl.ds(b + 16, 16)] = acc_v[pl.ds(b + 16, 16)] + fvals
                return carry2
            lax.fori_loop(0, _TS, _atom, 0, unroll=8)
            return carry
        lax.fori_loop(0, cnt, _tile, 0)

        pltpu.sync_copy(acc_v, slots_sh.at[pl.ds(s * _ACC, _ACC)])
        plsc.subcore_barrier()
        stripe = s * stripe_w
        pltpu.sync_copy(slots_sh.at[pl.ds(stripe, stripe_w)], racc_v)
        for k in range(1, 16):
            pltpu.sync_copy(slots_sh.at[pl.ds(k * _ACC + stripe, stripe_w)],
                            rbuf_v)

            def _add(j, carry):
                racc_v[pl.ds(j * 16, 16)] = (racc_v[pl.ds(j * 16, 16)]
                                             + rbuf_v[pl.ds(j * 16, 16)])
                return carry
            lax.fori_loop(0, stripe_w // 16, _add, 0)
        pltpu.sync_copy(racc_v, part_hbm.at[pl.ds(c * _ACC + stripe, stripe_w)])

    return seg_sum


def _make_combine(npad):
    ntiles = npad // _TS
    mesh = plsc.VectorSubcoreMesh(core_axis_name="c", subcore_axis_name="s")

    @functools.partial(
        pl.kernel,
        mesh=mesh,
        out_type=jax.ShapeDtypeStruct((npad * 16,), jnp.float32),
        scratch_types=[
            pltpu.VMEM((_ACC,), jnp.float32),
            pltpu.VMEM((_ACC,), jnp.float32),
            pltpu.VMEM((_TS * 32,), jnp.float32),
            pltpu.VMEM((_TS + 16,), jnp.int32),
            pltpu.VMEM((_TS + 16,), jnp.float32),
            pltpu.VMEM((_TS * 16,), jnp.float32),
        ],
    )
    def combine(cf_hbm, bat_hbm, q_hbm, part_hbm, out_hbm,
                sum_v, buf_v, cf_v, bat_v, q_v, out_v):
        c = lax.axis_index("c")
        s = lax.axis_index("s")
        w = s * 2 + c
        pltpu.sync_copy(part_hbm.at[pl.ds(0, _ACC)], sum_v)
        pltpu.sync_copy(part_hbm.at[pl.ds(_ACC, _ACC)], buf_v)

        def _add(j, carry):
            sum_v[pl.ds(j * 16, 16)] = (sum_v[pl.ds(j * 16, 16)]
                                        + buf_v[pl.ds(j * 16, 16)])
            return carry
        lax.fori_loop(0, _ACC // 16, _add, 0)

        cnt = ((ntiles - 1) - w) // _NW + 1

        def _tile(k, carry):
            tile = w + k * _NW
            base = tile * _TS
            pltpu.sync_copy(cf_hbm.at[pl.ds(base * 32, _TS * 32)], cf_v)
            pltpu.sync_copy(bat_hbm.at[pl.ds(base, _TS)],
                            bat_v.at[pl.ds(0, _TS)])
            pltpu.sync_copy(q_hbm.at[pl.ds(base, _TS)],
                            q_v.at[pl.ds(0, _TS)])

            def _atom(i, carry2):
                b = bat_v[pl.ds(i, 16)][0] * 32
                qu = sum_v[pl.ds(b, 16)]
                big_f = sum_v[pl.ds(b + 16, 16)]
                qs = q_v[pl.ds(i, 16)][0]
                ch = cf_v[pl.ds(i * 32, 16)]
                fu = cf_v[pl.ds(i * 32 + 16, 16)]
                out_v[pl.ds(i * 16, 16)] = (
                    ch + fu / (big_f + 1e-6) * (qs - qu))
                return carry2
            lax.fori_loop(0, _TS, _atom, 0, unroll=8)
            pltpu.sync_copy(out_v, out_hbm.at[pl.ds(base * 16, _TS * 16)])
            return carry
        lax.fori_loop(0, cnt, _tile, 0)

    return combine


def kernel(X, batch, Q, ln_w, ln_b, W1, b1, W2, b2):
    n, h = X.shape[0], X.shape[1]
    ntiles = -(-n // _TA)
    npad = ntiles * _TA
    xp = jnp.transpose(X.reshape(n, h, 9), (2, 0, 1))
    cf = _stage_a(xp, ln_w.reshape(3, h), ln_b.reshape(3, h),
                  W1.reshape(3, h, h), b1.reshape(1, h), W2,
                  b2.reshape(1, 32), npad)
    cf_flat = cf.reshape(-1)
    bat = jnp.pad(batch.astype(jnp.int32), (0, npad - n),
                  constant_values=_B)
    qpad = jnp.pad(Q, (0, npad - n))
    partials = _make_seg_sum(npad)(cf_flat, bat)
    out = _make_combine(npad)(cf_flat, bat, qpad, partials)
    return out.reshape(npad, 16)[:n]

# --- scband reference (transcript-rebuilt; emitter-appended) ---
"""Pipeline reference for scband-charge-predict-61924838474266 (READ-ONLY COPY).

The authoritative reference and input builder live on the scoring server;
editing this copy changes nothing except your own understanding.
"""

import jax, jax.numpy as jnp
import numpy as np

N = 50000
H = 128
QD = 16
B = 1000

def setup_inputs(seed: int = 0) -> dict:
    key = jax.random.key(seed)
    ks = jax.random.split(key, 8)
    X = jax.random.normal(ks[0], (N, H, 3, 3), dtype=jnp.float32)
    batch = jnp.sort(jax.random.randint(ks[1], (N,), 0, B, dtype=jnp.int64))
    Q = jax.random.normal(ks[2], (N,), dtype=jnp.float32)
    ln_w = jnp.ones((3 * H,), dtype=jnp.float32)
    ln_b = jnp.zeros((3 * H,), dtype=jnp.float32)
    W1 = jax.random.normal(ks[3], (3 * H, H), dtype=jnp.float32) * 0.02
    b1 = jnp.zeros((H,), dtype=jnp.float32)
    W2 = jax.random.normal(ks[4], (H, 2 * QD), dtype=jnp.float32) * 0.02
    b2 = jnp.zeros((2 * QD,), dtype=jnp.float32)
    return {"X": X, "batch": batch, "Q": Q, "ln_w": ln_w, "ln_b": ln_b, "W1": W1, "b1": b1, "W2": W2, "b2": b2}

def decompose_tensor(X):
    diag_mean = jnp.trace(X, axis1=-2, axis2=-1) / 3.0  # [N, H] scalar (trace) part
    eye = jnp.eye(3, dtype=X.dtype)
    I_full = diag_mean[..., None, None] * eye
    Xt = jnp.swapaxes(X, -1, -2)
    A = 0.5 * (X - Xt)
    S = 0.5 * (X + Xt) - I_full
    return diag_mean, A, S

def tensor_norm(T):
    return (T ** 2).sum((-2, -1))

def layer_norm(x, w, b, eps=1e-5):
    mu = x.mean(-1, keepdims=True)
    var = jnp.var(x, axis=-1, keepdims=True)
    return (x - mu) / jnp.sqrt(var + eps) * w + b

def mol_sum(x, batch):
    return jax.ops.segment_sum(x, batch, num_segments=B)

def reference(X, batch, Q, ln_w, ln_b, W1, b1, W2, b2):
    I, A, S = decompose_tensor(X)
    feat = jnp.concatenate((I, tensor_norm(A), tensor_norm(S)), axis=-1)  # [N, 3H]
    h = layer_norm(feat, ln_w, ln_b)
    h = jax.nn.silu(h @ W1 + b1)
    charges_f = h @ W2 + b2  # [N, 2*QD]
    charges = charges_f[:, :QD]
    f = charges_f[:, QD:]
    f_u = f ** 2
    epsilon = 1e-6
    F_u = mol_sum(f_u, batch) + epsilon        # [B, QD]
    Q_u = mol_sum(charges, batch)              # [B, QD]
    dQ = Q[:, None] - Q_u[batch]               # gather back per atom
    F_ub = F_u[batch]
    _f = f_u / F_ub
    new_charges = charges + _f * dQ
    return new_charges

if __name__ == "__main__":
    import jax
    _d = setup_inputs()
    print(jax.jit(kernel)(*tuple(_d.values())))

</pallas_src>

<mosaic_0001>
#map = affine_map<(d0, d1) -> (0)>
module attributes {stable_mosaic.version = 14 : i64} {
  func.func @seg_sum(%arg0: i32, %arg1: i32, %arg2: memref<1605632xf32, #tpu.memory_space<hbm>>, %arg3: memref<50176xi32, #tpu.memory_space<hbm>>, %arg4: memref<65536xf32, #tpu.memory_space<hbm>>, %arg5: memref<32768xf32, #tpu.memory_space<vmem>>, %arg6: memref<16384xf32, #tpu.memory_space<vmem>>, %arg7: memref<528xi32, #tpu.memory_space<vmem>>, %arg8: memref<2048xf32, #tpu.memory_space<vmem>>, %arg9: memref<2048xf32, #tpu.memory_space<vmem>>, %arg10: memref<524288xf32, #tpu.memory_space<vmem_shared>>) attributes {dimension_semantics = [#tpu.dimension_semantics<core_parallel>, #tpu.dimension_semantics<subcore_parallel>], iteration_bounds = array<i64: 2, 16>, scalar_prefetch = 0 : i64, scratch_operands = 6 : i64, tpu.core_type = #tpu.core_type<sc_vector_subcore>, window_params = [{transform_indices = #map}, {transform_indices = #map}, {transform_indices = #map}]} {
    %mul3A = arith.constant 2 : i32
    %mul3A_0 = arith.muli %arg1, %mul3A : i32
    %add3A = arith.addi %mul3A_0, %arg0 : i32
    %broadcast_in_dim3A = arith.constant 0.000000e+00 : f32
    %broadcast_in_dim3A_1 = vector.broadcast %broadcast_in_dim3A : f32 to vector<16xf32>
    %scan3A = arith.constant 0 : i32
    %scan3A_2 = arith.constant 0 : i32
    %scan3A_3 = arith.constant 2048 : i32
    %scan3A_4 = arith.addi %scan3A_2, %scan3A_3 : i32
    %scan3A_5 = arith.constant 1 : i32
    scf.for %scan3A_163 = %scan3A_2 to %scan3A_4 step %scan3A_5  : i32 {
      %mul3A_164 = arith.constant 16 : i32
      %mul3A_165 = arith.muli %scan3A_163, %mul3A_164 : i32
      %swap3A = arith.index_cast %mul3A_165 : i32 to index
      %swap3A_166 = tpu.vector_load %arg5[%swap3A] {strides = array<i32>} : memref<32768xf32, #tpu.memory_space<vmem>>, vector<16xf32>,
      %swap3A_167 = vector.shape_cast %swap3A_166 : vector<16xf32> to vector<16xf32>
      %swap3A_168 = vector.shape_cast %broadcast_in_dim3A_1 : vector<16xf32> to vector<16xf32>
      tpu.vector_store %arg5[%swap3A], %swap3A_168 {strides = array<i32>} : memref<32768xf32, #tpu.memory_space<vmem>>, vector<16xf32>,
    }
    %scan3A_6 = arith.constant 2048 : i32
    %sub3A = arith.constant 97 : i32
    %sub3A_7 = arith.subi %sub3A, %add3A : i32
    %jit3A = arith.constant 32 : i32
    %div3A = arith.divsi %sub3A_7, %jit3A : i32
    %sign3A = arith.constant 0 : i32
    %sign3A_8 = arith.cmpi sgt, %sub3A_7, %sign3A : i32
    %sign3A_9 = arith.extui %sign3A_8 : i1 to i32
    %sign3A_10 = arith.constant 0 : i32
    %sign3A_11 = arith.cmpi slt, %sub3A_7, %sign3A_10 : i32
    %sign3A_12 = arith.extui %sign3A_11 : i1 to i32
    %sign3A_13 = arith.subi %sign3A_9, %sign3A_12 : i32
    %sign3A_14 = arith.constant 0 : i32
    %sign3A_15 = arith.cmpi sgt, %jit3A, %sign3A_14 : i32
    %sign3A_16 = arith.extui %sign3A_15 : i1 to i32
    %sign3A_17 = arith.constant 0 : i32
    %sign3A_18 = arith.cmpi slt, %jit3A, %sign3A_17 : i32
    %sign3A_19 = arith.extui %sign3A_18 : i1 to i32
    %sign3A_20 = arith.subi %sign3A_16, %sign3A_19 : i32
    %ne3A = arith.cmpi ne, %sign3A_13, %sign3A_20 : i32
    %rem3A = arith.remsi %sub3A_7, %jit3A : i32
    %ne3A_21 = arith.constant 0 : i32
    %ne3A_22 = arith.cmpi ne, %rem3A, %ne3A_21 : i32
    %and3A = arith.andi %ne3A, %ne3A_22 : i1
    %sub3A_23 = arith.constant 1 : i32
    %sub3A_24 = arith.subi %div3A, %sub3A_23 : i32
    %select_n3A = arith.select %and3A, %sub3A_24, %div3A : i32
    %add3A_25 = arith.constant 1 : i32
    %add3A_26 = arith.addi %select_n3A, %add3A_25 : i32
    %while3A = arith.constant 0 : i32
    %while3A_27 = arith.constant 0 : i32
    %while3A_28 = arith.subi %add3A_26, %while3A_27 : i32
    %while3A_29 = arith.addi %while3A_27, %while3A_28 : i32
    %while3A_30 = arith.constant 1 : i32
    %while3A_31 = arith.divsi %while3A_28, %while3A_30 : i32
    %while3A_32 = arith.muli %while3A_31, %while3A_30 : i32
    %while3A_33 = arith.addi %while3A_27, %while3A_32 : i32
    %while3A_34 = arith.constant 1 : i32
    scf.for %while3A_163 = %while3A_27 to %while3A_33 step %while3A_34  : i32 {
      %mul3A_164 = arith.constant 32 : i32
      %mul3A_165 = arith.muli %while3A_163, %mul3A_164 : i32
      %add3A_166 = arith.addi %add3A, %mul3A_165 : i32
      %mul3A_167 = arith.constant 16384 : i32
      %mul3A_168 = arith.muli %add3A_166, %mul3A_167 : i32
      "tpu.region"() ({
        %run_scoped3A = tpu.sem_alloc : memref<!tpu.dma_semaphore, #tpu.memory_space<semaphore_mem>>
        %dma_start3A = arith.constant 0 : i32
        %dma_start3A_177 = tpu.memref_slice %arg6[%dma_start3A] : memref<16384xf32, #tpu.memory_space<vmem>> -> memref<16384xf32, #tpu.memory_space<vmem>>
        %dma_start3A_178 = tpu.memref_slice %arg2[%mul3A_168] : memref<1605632xf32, #tpu.memory_space<hbm>> -> memref<16384xf32, #tpu.memory_space<hbm>>
        %dma_start3A_179 = arith.constant 0 : i32
        %dma_start3A_180 = tpu.memref_slice %arg6[%dma_start3A_179] : memref<16384xf32, #tpu.memory_space<vmem>> -> memref<16384xf32, #tpu.memory_space<vmem>>
        %dma_start3A_181 = tpu.memref_slice %arg2[%mul3A_168] : memref<1605632xf32, #tpu.memory_space<hbm>> -> memref<16384xf32, #tpu.memory_space<hbm>>
        tpu.enqueue_dma source(%dma_start3A_181 : memref<16384xf32, #tpu.memory_space<hbm>>) target(%dma_start3A_180 : memref<16384xf32, #tpu.memory_space<vmem>>) target_semaphore(%run_scoped3A : memref<!tpu.dma_semaphore, #tpu.memory_space<semaphore_mem>>)
        %dma_wait3A = arith.constant 0 : i32
        %dma_wait3A_182 = tpu.memref_slice %arg6[%dma_wait3A] : memref<16384xf32, #tpu.memory_space<vmem>> -> memref<16384xf32, #tpu.memory_space<vmem>>
        %dma_wait3A_183 = tpu.memref_slice %arg2[%mul3A_168] : memref<1605632xf32, #tpu.memory_space<hbm>> -> memref<16384xf32, #tpu.memory_space<hbm>>
        %dma_wait3A_184 = arith.constant 0 : i32
        %dma_wait3A_185 = tpu.memref_slice %arg6[%dma_wait3A_184] : memref<16384xf32, #tpu.memory_space<vmem>> -> memref<16384xf32, #tpu.memory_space<vmem>>
        %dma_wait3A_186 = tpu.memref_slice %arg2[%mul3A_168] : memref<1605632xf32, #tpu.memory_space<hbm>> -> memref<16384xf32, #tpu.memory_space<hbm>>
        tpu.wait_dma2 semaphore(%run_scoped3A : memref<!tpu.dma_semaphore, #tpu.memory_space<semaphore_mem>>) src(%dma_wait3A_186 : memref<16384xf32, #tpu.memory_space<hbm>>) dst(%dma_wait3A_185 : memref<16384xf32, #tpu.memory_space<vmem>>)
        tpu.yield
      }) : () -> ()
      %mul3A_169 = arith.constant 512 : i32
      %mul3A_170 = arith.muli %add3A_166, %mul3A_169 : i32
      "tpu.region"() ({
        %run_scoped3A = tpu.sem_alloc : memref<!tpu.dma_semaphore, #tpu.memory_space<semaphore_mem>>
        %dma_start3A = arith.constant 0 : i32
        %dma_start3A_177 = tpu.memref_slice %arg7[%dma_start3A] : memref<528xi32, #tpu.memory_space<vmem>> -> memref<512xi32, #tpu.memory_space<vmem>>
        %dma_start3A_178 = tpu.memref_slice %arg3[%mul3A_170] : memref<50176xi32, #tpu.memory_space<hbm>> -> memref<512xi32, #tpu.memory_space<hbm>>
        %dma_start3A_179 = arith.constant 0 : i32
        %dma_start3A_180 = tpu.memref_slice %arg7[%dma_start3A_179] : memref<528xi32, #tpu.memory_space<vmem>> -> memref<512xi32, #tpu.memory_space<vmem>>
        %dma_start3A_181 = tpu.memref_slice %arg3[%mul3A_170] : memref<50176xi32, #tpu.memory_space<hbm>> -> memref<512xi32, #tpu.memory_space<hbm>>
        tpu.enqueue_dma source(%dma_start3A_181 : memref<512xi32, #tpu.memory_space<hbm>>) target(%dma_start3A_180 : memref<512xi32, #tpu.memory_space<vmem>>) target_semaphore(%run_scoped3A : memref<!tpu.dma_semaphore, #tpu.memory_space<semaphore_mem>>)
        %dma_wait3A = arith.constant 0 : i32
        %dma_wait3A_182 = tpu.memref_slice %arg7[%dma_wait3A] : memref<528xi32, #tpu.memory_space<vmem>> -> memref<512xi32, #tpu.memory_space<vmem>>
        %dma_wait3A_183 = tpu.memref_slice %arg3[%mul3A_170] : memref<50176xi32, #tpu.memory_space<hbm>> -> memref<512xi32, #tpu.memory_space<hbm>>
        %dma_wait3A_184 = arith.constant 0 : i32
        %dma_wait3A_185 = tpu.memref_slice %arg7[%dma_wait3A_184] : memref<528xi32, #tpu.memory_space<vmem>> -> memref<512xi32, #tpu.memory_space<vmem>>
        %dma_wait3A_186 = tpu.memref_slice %arg3[%mul3A_170] : memref<50176xi32, #tpu.memory_space<hbm>> -> memref<512xi32, #tpu.memory_space<hbm>>
        tpu.wait_dma2 semaphore(%run_scoped3A : memref<!tpu.dma_semaphore, #tpu.memory_space<semaphore_mem>>) src(%dma_wait3A_186 : memref<512xi32, #tpu.memory_space<hbm>>) dst(%dma_wait3A_185 : memref<512xi32, #tpu.memory_space<vmem>>)
        tpu.yield
      }) : () -> ()
      %scan3A_171 = arith.constant 0 : i32
      %scan3A_172 = arith.constant 0 : i32
      %scan3A_173 = arith.constant 512 : i32
      %scan3A_174 = arith.addi %scan3A_172, %scan3A_173 : i32
      %scan3A_175 = arith.constant 8 : i32
      scf.for %scan3A_177 = %scan3A_172 to %scan3A_174 step %scan3A_175  : i32 {
        %get3A = arith.index_cast %scan3A_177 : i32 to index
        %get3A_178 = tpu.vector_load %arg7[%get3A] {strides = array<i32>} : memref<528xi32, #tpu.memory_space<vmem>>, vector<16xi32>,
        %get3A_179 = vector.shape_cast %get3A_178 : vector<16xi32> to vector<16xi32>
        %slice3A = vector.extract_strided_slice %get3A_179 {offsets = [0], sizes = [1], strides = [1]} : vector<16xi32> to vector<1xi32>
        %squeeze3A = vector.extract %slice3A[0] : i32 from vector<1xi32>
        %mul3A_180 = arith.constant 32 : i32
        %mul3A_181 = arith.muli %squeeze3A, %mul3A_180 : i32
        %mul3A_182 = arith.constant 32 : i32
        %mul3A_183 = arith.muli %scan3A_177, %mul3A_182 : i32
        %get3A_184 = arith.index_cast %mul3A_183 : i32 to index
        %get3A_185 = tpu.vector_load %arg6[%get3A_184] {strides = array<i32>} : memref<16384xf32, #tpu.memory_space<vmem>>, vector<16xf32>,
        %get3A_186 = vector.shape_cast %get3A_185 : vector<16xf32> to vector<16xf32>
        %mul3A_187 = arith.constant 32 : i32
        %mul3A_188 = arith.muli %scan3A_177, %mul3A_187 : i32
        %add3A_189 = arith.constant 16 : i32
        %add3A_190 = arith.addi %mul3A_188, %add3A_189 : i32
        %get3A_191 = arith.index_cast %add3A_190 : i32 to index
        %get3A_192 = tpu.vector_load %arg6[%get3A_191] {strides = array<i32>} : memref<16384xf32, #tpu.memory_space<vmem>>, vector<16xf32>,
        %get3A_193 = vector.shape_cast %get3A_192 : vector<16xf32> to vector<16xf32>
        %get3A_194 = arith.index_cast %mul3A_181 : i32 to index
        %get3A_195 = tpu.vector_load %arg5[%get3A_194] {strides = array<i32>} : memref<32768xf32, #tpu.memory_space<vmem>>, vector<16xf32>,
        %get3A_196 = vector.shape_cast %get3A_195 : vector<16xf32> to vector<16xf32>
        %add3A_197 = arith.addf %get3A_196, %get3A_186 : vector<16xf32>
        %swap3A = arith.index_cast %mul3A_181 : i32 to index
        %swap3A_198 = tpu.vector_load %arg5[%swap3A] {strides = array<i32>} : memref<32768xf32, #tpu.memory_space<vmem>>, vector<16xf32>,
        %swap3A_199 = vector.shape_cast %swap3A_198 : vector<16xf32> to vector<16xf32>
        %swap3A_200 = vector.shape_cast %add3A_197 : vector<16xf32> to vector<16xf32>
        tpu.vector_store %arg5[%swap3A], %swap3A_200 {strides = array<i32>} : memref<32768xf32, #tpu.memory_space<vmem>>, vector<16xf32>,
        %add3A_201 = arith.constant 16 : i32
        %add3A_202 = arith.addi %mul3A_181, %add3A_201 : i32
        %get3A_203 = arith.index_cast %add3A_202 : i32 to index
        %get3A_204 = tpu.vector_load %arg5[%get3A_203] {strides = array<i32>} : memref<32768xf32, #tpu.memory_space<vmem>>, vector<16xf32>,
        %get3A_205 = vector.shape_cast %get3A_204 : vector<16xf32> to vector<16xf32>
        %add3A_206 = arith.addf %get3A_205, %get3A_193 : vector<16xf32>
        %add3A_207 = arith.constant 16 : i32
        %add3A_208 = arith.addi %mul3A_181, %add3A_207 : i32
        %swap3A_209 = arith.index_cast %add3A_208 : i32 to index
        %swap3A_210 = tpu.vector_load %arg5[%swap3A_209] {strides = array<i32>} : memref<32768xf32, #tpu.memory_space<vmem>>, vector<16xf32>,
        %swap3A_211 = vector.shape_cast %swap3A_210 : vector<16xf32> to vector<16xf32>
        %swap3A_212 = vector.shape_cast %add3A_206 : vector<16xf32> to vector<16xf32>
        tpu.vector_store %arg5[%swap3A_209], %swap3A_212 {strides = array<i32>} : memref<32768xf32, #tpu.memory_space<vmem>>, vector<16xf32>,
        %scan3A_213 = arith.constant 1 : i32
        %scan3A_214 = arith.addi %scan3A_177, %scan3A_213 : i32
        %get3A_215 = arith.index_cast %scan3A_214 : i32 to index
        %get3A_216 = tpu.vector_load %arg7[%get3A_215] {strides = array<i32>} : memref<528xi32, #tpu.memory_space<vmem>>, vector<16xi32>,
        %get3A_217 = vector.shape_cast %get3A_216 : vector<16xi32> to vector<16xi32>
        %slice3A_218 = vector.extract_strided_slice %get3A_217 {offsets = [0], sizes = [1], strides = [1]} : vector<16xi32> to vector<1xi32>
        %squeeze3A_219 = vector.extract %slice3A_218[0] : i32 from vector<1xi32>
        %mul3A_220 = arith.constant 32 : i32
        %mul3A_221 = arith.muli %squeeze3A_219, %mul3A_220 : i32
        %mul3A_222 = arith.constant 32 : i32
        %mul3A_223 = arith.muli %scan3A_214, %mul3A_222 : i32
        %get3A_224 = arith.index_cast %mul3A_223 : i32 to index
        %get3A_225 = tpu.vector_load %arg6[%get3A_224] {strides = array<i32>} : memref<16384xf32, #tpu.memory_space<vmem>>, vector<16xf32>,
        %get3A_226 = vector.shape_cast %get3A_225 : vector<16xf32> to vector<16xf32>
        %mul3A_227 = arith.constant 32 : i32
        %mul3A_228 = arith.muli %scan3A_214, %mul3A_227 : i32
        %add3A_229 = arith.constant 16 : i32
        %add3A_230 = arith.addi %mul3A_228, %add3A_229 : i32
        %get3A_231 = arith.index_cast %add3A_230 : i32 to index
        %get3A_232 = tpu.vector_load %arg6[%get3A_231] {strides = array<i32>} : memref<16384xf32, #tpu.memory_space<vmem>>, vector<16xf32>,
        %get3A_233 = vector.shape_cast %get3A_232 : vector<16xf32> to vector<16xf32>
        %get3A_234 = arith.index_cast %mul3A_221 : i32 to index
        %get3A_235 = tpu.vector_load %arg5[%get3A_234] {strides = array<i32>} : memref<32768xf32, #tpu.memory_space<vmem>>, vector<16xf32>,
        %get3A_236 = vector.shape_cast %get3A_235 : vector<16xf32> to vector<16xf32>
        %add3A_237 = arith.addf %get3A_236, %get3A_226 : vector<16xf32>
        %swap3A_238 = arith.index_cast %mul3A_221 : i32 to index
        %swap3A_239 = tpu.vector_load %arg5[%swap3A_238] {strides = array<i32>} : memref<32768xf32, #tpu.memory_space<vmem>>, vector<16xf32>,
        %swap3A_240 = vector.shape_cast %swap3A_239 : vector<16xf32> to vector<16xf32>
        %swap3A_241 = vector.shape_cast %add3A_237 : vector<16xf32> to vector<16xf32>
        tpu.vector_store %arg5[%swap3A_238], %swap3A_241 {strides = array<i32>} : memref<32768xf32, #tpu.memory_space<vmem>>, vector<16xf32>,
        %add3A_242 = arith.constant 16 : i32
        %add3A_243 = arith.addi %mul3A_221, %add3A_242 : i32
        %get3A_244 = arith.index_cast %add3A_243 : i32 to index
        %get3A_245 = tpu.vector_load %arg5[%get3A_244] {strides = array<i32>} : memref<32768xf32, #tpu.memory_space<vmem>>, vector<16xf32>,
        %get3A_246 = vector.shape_cast %get3A_245 : vector<16xf32> to vector<16xf32>
        %add3A_247 = arith.addf %get3A_246, %get3A_233 : vector<16xf32>
        %add3A_248 = arith.constant 16 : i32
        %add3A_249 = arith.addi %mul3A_221, %add3A_248 : i32
        %swap3A_250 = arith.index_cast %add3A_249 : i32 to index
        %swap3A_251 = tpu.vector_load %arg5[%swap3A_250] {strides = array<i32>} : memref<32768xf32, #tpu.memory_space<vmem>>, vector<16xf32>,
        %swap3A_252 = vector.shape_cast %swap3A_251 : vector<16xf32> to vector<16xf32>
        %swap3A_253 = vector.shape_cast %add3A_247 : vector<16xf32> to vector<16xf32>
        tpu.vector_store %arg5[%swap3A_250], %swap3A_253 {strides = array<i32>} : memref<32768xf32, #tpu.memory_space<vmem>>, vector<16xf32>,
        %scan3A_254 = arith.constant 2 : i32
        %scan3A_255 = arith.addi %scan3A_177, %scan3A_254 : i32
        %get3A_256 = arith.index_cast %scan3A_255 : i32 to index
        %get3A_257 = tpu.vector_load %arg7[%get3A_256] {strides = array<i32>} : memref<528xi32, #tpu.memory_space<vmem>>, vector<16xi32>,
        %get3A_258 = vector.shape_cast %get3A_257 : vector<16xi32> to vector<16xi32>
        %slice3A_259 = vector.extract_strided_slice %get3A_258 {offsets = [0], sizes = [1], strides = [1]} : vector<16xi32> to vector<1xi32>
        %squeeze3A_260 = vector.extract %slice3A_259[0] : i32 from vector<1xi32>
        %mul3A_261 = arith.constant 32 : i32
        %mul3A_262 = arith.muli %squeeze3A_260, %mul3A_261 : i32
        %mul3A_263 = arith.constant 32 : i32
        %mul3A_264 = arith.muli %scan3A_255, %mul3A_263 : i32
        %get3A_265 = arith.index_cast %mul3A_264 : i32 to index
        %get3A_266 = tpu.vector_load %arg6[%get3A_265] {strides = array<i32>} : memref<16384xf32, #tpu.memory_space<vmem>>, vector<16xf32>,
        %get3A_267 = vector.shape_cast %get3A_266 : vector<16xf32> to vector<16xf32>
        %mul3A_268 = arith.constant 32 : i32
        %mul3A_269 = arith.muli %scan3A_255, %mul3A_268 : i32
        %add3A_270 = arith.constant 16 : i32
        %add3A_271 = arith.addi %mul3A_269, %add3A_270 : i32
        %get3A_272 = arith.index_cast %add3A_271 : i32 to index
        %get3A_273 = tpu.vector_load %arg6[%get3A_272] {strides = array<i32>} : memref<16384xf32, #tpu.memory_space<vmem>>, vector<16xf32>,
        %get3A_274 = vector.shape_cast %get3A_273 : vector<16xf32> to vector<16xf32>
        %get3A_275 = arith.index_cast %mul3A_262 : i32 to index
        %get3A_276 = tpu.vector_load %arg5[%get3A_275] {strides = array<i32>} : memref<32768xf32, #tpu.memory_space<vmem>>, vector<16xf32>,
        %get3A_277 = vector.shape_cast %get3A_276 : vector<16xf32> to vector<16xf32>
        %add3A_278 = arith.addf %get3A_277, %get3A_267 : vector<16xf32>
        %swap3A_279 = arith.index_cast %mul3A_262 : i32 to index
        %swap3A_280 = tpu.vector_load %arg5[%swap3A_279] {strides = array<i32>} : memref<32768xf32, #tpu.memory_space<vmem>>, vector<16xf32>,
        %swap3A_281 = vector.shape_cast %swap3A_280 : vector<16xf32> to vector<16xf32>
        %swap3A_282 = vector.shape_cast %add3A_278 : vector<16xf32> to vector<16xf32>
        tpu.vector_store %arg5[%swap3A_279], %swap3A_282 {strides = array<i32>} : memref<32768xf32, #tpu.memory_space<vmem>>, vector<16xf32>,
        %add3A_283 = arith.constant 16 : i32
        %add3A_284 = arith.addi %mul3A_262, %add3A_283 : i32
        %get3A_285 = arith.index_cast %add3A_284 : i32 to index
        %get3A_286 = tpu.vector_load %arg5[%get3A_285] {strides = array<i32>} : memref<32768xf32, #tpu.memory_space<vmem>>, vector<16xf32>,
        %get3A_287 = vector.shape_cast %get3A_286 : vector<16xf32> to vector<16xf32>
        %add3A_288 = arith.addf %get3A_287, %get3A_274 : vector<16xf32>
        %add3A_289 = arith.constant 16 : i32
        %add3A_290 = arith.addi %mul3A_262, %add3A_289 : i32
        %swap3A_291 = arith.index_cast %add3A_290 : i32 to index
        %swap3A_292 = tpu.vector_load %arg5[%swap3A_291] {strides = array<i32>} : memref<32768xf32, #tpu.memory_space<vmem>>, vector<16xf32>,
        %swap3A_293 = vector.shape_cast %swap3A_292 : vector<16xf32> to vector<16xf32>
        %swap3A_294 = vector.shape_cast %add3A_288 : vector<16xf32> to vector<16xf32>
        tpu.vector_store %arg5[%swap3A_291], %swap3A_294 {strides = array<i32>} : memref<32768xf32, #tpu.memory_space<vmem>>, vector<16xf32>,
        %scan3A_295 = arith.constant 3 : i32
        %scan3A_296 = arith.addi %scan3A_177, %scan3A_295 : i32
        %get3A_297 = arith.index_cast %scan3A_296 : i32 to index
        %get3A_298 = tpu.vector_load %arg7[%get3A_297] {strides = array<i32>} : memref<528xi32, #tpu.memory_space<vmem>>, vector<16xi32>,
        %get3A_299 = vector.shape_cast %get3A_298 : vector<16xi32> to vector<16xi32>
        %slice3A_300 = vector.extract_strided_slice %get3A_299 {offsets = [0], sizes = [1], strides = [1]} : vector<16xi32> to vector<1xi32>
        %squeeze3A_301 = vector.extract %slice3A_300[0] : i32 from vector<1xi32>
        %mul3A_302 = arith.constant 32 : i32
        %mul3A_303 = arith.muli %squeeze3A_301, %mul3A_302 : i32
        %mul3A_304 = arith.constant 32 : i32
        %mul3A_305 = arith.muli %scan3A_296, %mul3A_304 : i32
        %get3A_306 = arith.index_cast %mul3A_305 : i32 to index
        %get3A_307 = tpu.vector_load %arg6[%get3A_306] {strides = array<i32>} : memref<16384xf32, #tpu.memory_space<vmem>>, vector<16xf32>,
        %get3A_308 = vector.shape_cast %get3A_307 : vector<16xf32> to vector<16xf32>
        %mul3A_309 = arith.constant 32 : i32
        %mul3A_310 = arith.muli %scan3A_296, %mul3A_309 : i32
        %add3A_311 = arith.constant 16 : i32
        %add3A_312 = arith.addi %mul3A_310, %add3A_311 : i32
        %get3A_313 = arith.index_cast %add3A_312 : i32 to index
        %get3A_314 = tpu.vector_load %arg6[%get3A_313] {strides = array<i32>} : memref<16384xf32, #tpu.memory_space<vmem>>, vector<16xf32>,
        %get3A_315 = vector.shape_cast %get3A_314 : vector<16xf32> to vector<16xf32>
        %get3A_316 = arith.index_cast %mul3A_303 : i32 to index
        %get3A_317 = tpu.vector_load %arg5[%get3A_316] {strides = array<i32>} : memref<32768xf32, #tpu.memory_space<vmem>>, vector<16xf32>,
        %get3A_318 = vector.shape_cast %get3A_317 : vector<16xf32> to vector<16xf32>
        %add3A_319 = arith.addf %get3A_318, %get3A_308 : vector<16xf32>
        %swap3A_320 = arith.index_cast %mul3A_303 : i32 to index
        %swap3A_321 = tpu.vector_load %arg5[%swap3A_320] {strides = array<i32>} : memref<32768xf32, #tpu.memory_space<vmem>>, vector<16xf32>,
        %swap3A_322 = vector.shape_cast %swap3A_321 : vector<16xf32> to vector<16xf32>
        %swap3A_323 = vector.shape_cast %add3A_319 : vector<16xf32> to vector<16xf32>
        tpu.vector_store %arg5[%swap3A_320], %swap3A_323 {strides = array<i32>} : memref<32768xf32, #tpu.memory_space<vmem>>, vector<16xf32>,
        %add3A_324 = arith.constant 16 : i32
        %add3A_325 = arith.addi %mul3A_303, %add3A_324 : i32
        %get3A_326 = arith.index_cast %add3A_325 : i32 to index
        %get3A_327 = tpu.vector_load %arg5[%get3A_326] {strides = array<i32>} : memref<32768xf32, #tpu.memory_space<vmem>>, vector<16xf32>,
        %get3A_328 = vector.shape_cast %get3A_327 : vector<16xf32> to vector<16xf32>
        %add3A_329 = arith.addf %get3A_328, %get3A_315 : vector<16xf32>
        %add3A_330 = arith.constant 16 : i32
        %add3A_331 = arith.addi %mul3A_303, %add3A_330 : i32
        %swap3A_332 = arith.index_cast %add3A_331 : i32 to index
        %swap3A_333 = tpu.vector_load %arg5[%swap3A_332] {strides = array<i32>} : memref<32768xf32, #tpu.memory_space<vmem>>, vector<16xf32>,
        %swap3A_334 = vector.shape_cast %swap3A_333 : vector<16xf32> to vector<16xf32>
        %swap3A_335 = vector.shape_cast %add3A_329 : vector<16xf32> to vector<16xf32>
        tpu.vector_store %arg5[%swap3A_332], %swap3A_335 {strides = array<i32>} : memref<32768xf32, #tpu.memory_space<vmem>>, vector<16xf32>,
        %scan3A_336 = arith.constant 4 : i32
        %scan3A_337 = arith.addi %scan3A_177, %scan3A_336 : i32
        %get3A_338 = arith.index_cast %scan3A_337 : i32 to index
        %get3A_339 = tpu.vector_load %arg7[%get3A_338] {strides = array<i32>} : memref<528xi32, #tpu.memory_space<vmem>>, vector<16xi32>,
        %get3A_340 = vector.shape_cast %get3A_339 : vector<16xi32> to vector<16xi32>
        %slice3A_341 = vector.extract_strided_slice %get3A_340 {offsets = [0], sizes = [1], strides = [1]} : vector<16xi32> to vector<1xi32>
        %squeeze3A_342 = vector.extract %slice3A_341[0] : i32 from vector<1xi32>
        %mul3A_343 = arith.constant 32 : i32
        %mul3A_344 = arith.muli %squeeze3A_342, %mul3A_343 : i32
        %mul3A_345 = arith.constant 32 : i32
        %mul3A_346 = arith.muli %scan3A_337, %mul3A_345 : i32
        %get3A_347 = arith.index_cast %mul3A_346 : i32 to index
        %get3A_348 = tpu.vector_load %arg6[%get3A_347] {strides = array<i32>} : memref<16384xf32, #tpu.memory_space<vmem>>, vector<16xf32>,
        %get3A_349 = vector.shape_cast %get3A_348 : vector<16xf32> to vector<16xf32>
        %mul3A_350 = arith.constant 32 : i32
        %mul3A_351 = arith.muli %scan3A_337, %mul3A_350 : i32
        %add3A_352 = arith.constant 16 : i32
        %add3A_353 = arith.addi %mul3A_351, %add3A_352 : i32
        %get3A_354 = arith.index_cast %add3A_353 : i32 to index
        %get3A_355 = tpu.vector_load %arg6[%get3A_354] {strides = array<i32>} : memref<16384xf32, #tpu.memory_space<vmem>>, vector<16xf32>,
        %get3A_356 = vector.shape_cast %get3A_355 : vector<16xf32> to vector<16xf32>
        %get3A_357 = arith.index_cast %mul3A_344 : i32 to index
        %get3A_358 = tpu.vector_load %arg5[%get3A_357] {strides = array<i32>} : memref<32768xf32, #tpu.memory_space<vmem>>, vector<16xf32>,
        %get3A_359 = vector.shape_cast %get3A_358 : vector<16xf32> to vector<16xf32>
        %add3A_360 = arith.addf %get3A_359, %get3A_349 : vector<16xf32>
        %swap3A_361 = arith.index_cast %mul3A_344 : i32 to index
        %swap3A_362 = tpu.vector_load %arg5[%swap3A_361] {strides = array<i32>} : memref<32768xf32, #tpu.memory_space<vmem>>, vector<16xf32>,
        %swap3A_363 = vector.shape_cast %swap3A_362 : vector<16xf32> to vector<16xf32>
        %swap3A_364 = vector.shape_cast %add3A_360 : vector<16xf32> to vector<16xf32>
        tpu.vector_store %arg5[%swap3A_361], %swap3A_364 {strides = array<i32>} : memref<32768xf32, #tpu.memory_space<vmem>>, vector<16xf32>,
        %add3A_365 = arith.constant 16 : i32
        %add3A_366 = arith.addi %mul3A_344, %add3A_365 : i32
        %get3A_367 = arith.index_cast %add3A_366 : i32 to index
        %get3A_368 = tpu.vector_load %arg5[%get3A_367] {strides = array<i32>} : memref<32768xf32, #tpu.memory_space<vmem>>, vector<16xf32>,
        %get3A_369 = vector.shape_cast %get3A_368 : vector<16xf32> to vector<16xf32>
        %add3A_370 = arith.addf %get3A_369, %get3A_356 : vector<16xf32>
        %add3A_371 = arith.constant 16 : i32
        %add3A_372 = arith.addi %mul3A_344, %add3A_371 : i32
        %swap3A_373 = arith.index_cast %add3A_372 : i32 to index
        %swap3A_374 = tpu.vector_load %arg5[%swap3A_373] {strides = array<i32>} : memref<32768xf32, #tpu.memory_space<vmem>>, vector<16xf32>,
        %swap3A_375 = vector.shape_cast %swap3A_374 : vector<16xf32> to vector<16xf32>
        %swap3A_376 = vector.shape_cast %add3A_370 : vector<16xf32> to vector<16xf32>
        tpu.vector_store %arg5[%swap3A_373], %swap3A_376 {strides = array<i32>} : memref<32768xf32, #tpu.memory_space<vmem>>, vector<16xf32>,
        %scan3A_377 = arith.constant 5 : i32
        %scan3A_378 = arith.addi %scan3A_177, %scan3A_377 : i32
        %get3A_379 = arith.index_cast %scan3A_378 : i32 to index
        %get3A_380 = tpu.vector_load %arg7[%get3A_379] {strides = array<i32>} : memref<528xi32, #tpu.memory_space<vmem>>, vector<16xi32>,
        %get3A_381 = vector.shape_cast %get3A_380 : vector<16xi32> to vector<16xi32>
        %slice3A_382 = vector.extract_strided_slice %get3A_381 {offsets = [0], sizes = [1], strides = [1]} : vector<16xi32> to vector<1xi32>
        %squeeze3A_383 = vector.extract %slice3A_382[0] : i32 from vector<1xi32>
        %mul3A_384 = arith.constant 32 : i32
        %mul3A_385 = arith.muli %squeeze3A_383, %mul3A_384 : i32
        %mul3A_386 = arith.constant 32 : i32
        %mul3A_387 = arith.muli %scan3A_378, %mul3A_386 : i32
        %get3A_388 = arith.index_cast %mul3A_387 : i32 to index
        %get3A_389 = tpu.vector_load %arg6[%get3A_388] {strides = array<i32>} : memref<16384xf32, #tpu.memory_space<vmem>>, vector<16xf32>,
        %get3A_390 = vector.shape_cast %get3A_389 : vector<16xf32> to vector<16xf32>
        %mul3A_391 = arith.constant 32 : i32
        %mul3A_392 = arith.muli %scan3A_378, %mul3A_391 : i32
        %add3A_393 = arith.constant 16 : i32
        %add3A_394 = arith.addi %mul3A_392, %add3A_393 : i32
        %get3A_395 = arith.index_cast %add3A_394 : i32 to index
        %get3A_396 = tpu.vector_load %arg6[%get3A_395] {strides = array<i32>} : memref<16384xf32, #tpu.memory_space<vmem>>, vector<16xf32>,
        %get3A_397 = vector.shape_cast %get3A_396 : vector<16xf32> to vector<16xf32>
        %get3A_398 = arith.index_cast %mul3A_385 : i32 to index
        %get3A_399 = tpu.vector_load %arg5[%get3A_398] {strides = array<i32>} : memref<32768xf32, #tpu.memory_space<vmem>>, vector<16xf32>,
        %get3A_400 = vector.shape_cast %get3A_399 : vector<16xf32> to vector<16xf32>
        %add3A_401 = arith.addf %get3A_400, %get3A_390 : vector<16xf32>
        %swap3A_402 = arith.index_cast %mul3A_385 : i32 to index
        %swap3A_403 = tpu.vector_load %arg5[%swap3A_402] {strides = array<i32>} : memref<32768xf32, #tpu.memory_space<vmem>>, vector<16xf32>,
        %swap3A_404 = vector.shape_cast %swap3A_403 : vector<16xf32> to vector<16xf32>
        %swap3A_405 = vector.shape_cast %add3A_401 : vector<16xf32> to vector<16xf32>
        tpu.vector_store %arg5[%swap3A_402], %swap3A_405 {strides = array<i32>} : memref<32768xf32, #tpu.memory_space<vmem>>, vector<16xf32>,
        %add3A_406 = arith.constant 16 : i32
        %add3A_407 = arith.addi %mul3A_385, %add3A_406 : i32
        %get3A_408 = arith.index_cast %add3A_407 : i32 to index
        %get3A_409 = tpu.vector_load %arg5[%get3A_408] {strides = array<i32>} : memref<32768xf32, #tpu.memory_space<vmem>>, vector<16xf32>,
        %get3A_410 = vector.shape_cast %get3A_409 : vector<16xf32> to vector<16xf32>
        %add3A_411 = arith.addf %get3A_410, %get3A_397 : vector<16xf32>
        %add3A_412 = arith.constant 16 : i32
        %add3A_413 = arith.addi %mul3A_385, %add3A_412 : i32
        %swap3A_414 = arith.index_cast %add3A_413 : i32 to index
        %swap3A_415 = tpu.vector_load %arg5[%swap3A_414] {strides = array<i32>} : memref<32768xf32, #tpu.memory_space<vmem>>, vector<16xf32>,
        %swap3A_416 = vector.shape_cast %swap3A_415 : vector<16xf32> to vector<16xf32>
        %swap3A_417 = vector.shape_cast %add3A_411 : vector<16xf32> to vector<16xf32>
        tpu.vector_store %arg5[%swap3A_414], %swap3A_417 {strides = array<i32>} : memref<32768xf32, #tpu.memory_space<vmem>>, vector<16xf32>,
        %scan3A_418 = arith.constant 6 : i32
        %scan3A_419 = arith.addi %scan3A_177, %scan3A_418 : i32
        %get3A_420 = arith.index_cast %scan3A_419 : i32 to index
        %get3A_421 = tpu.vector_load %arg7[%get3A_420] {strides = array<i32>} : memref<528xi32, #tpu.memory_space<vmem>>, vector<16xi32>,
        %get3A_422 = vector.shape_cast %get3A_421 : vector<16xi32> to vector<16xi32>
        %slice3A_423 = vector.extract_strided_slice %get3A_422 {offsets = [0], sizes = [1], strides = [1]} : vector<16xi32> to vector<1xi32>
        %squeeze3A_424 = vector.extract %slice3A_423[0] : i32 from vector<1xi32>
        %mul3A_425 = arith.constant 32 : i32
        %mul3A_426 = arith.muli %squeeze3A_424, %mul3A_425 : i32
        %mul3A_427 = arith.constant 32 : i32
        %mul3A_428 = arith.muli %scan3A_419, %mul3A_427 : i32
        %get3A_429 = arith.index_cast %mul3A_428 : i32 to index
        %get3A_430 = tpu.vector_load %arg6[%get3A_429] {strides = array<i32>} : memref<16384xf32, #tpu.memory_space<vmem>>, vector<16xf32>,
        %get3A_431 = vector.shape_cast %get3A_430 : vector<16xf32> to vector<16xf32>
        %mul3A_432 = arith.constant 32 : i32
        %mul3A_433 = arith.muli %scan3A_419, %mul3A_432 : i32
        %add3A_434 = arith.constant 16 : i32
        %add3A_435 = arith.addi %mul3A_433, %add3A_434 : i32
        %get3A_436 = arith.index_cast %add3A_435 : i32 to index
        %get3A_437 = tpu.vector_load %arg6[%get3A_436] {strides = array<i32>} : memref<16384xf32, #tpu.memory_space<vmem>>, vector<16xf32>,
        %get3A_438 = vector.shape_cast %get3A_437 : vector<16xf32> to vector<16xf32>
        %get3A_439 = arith.index_cast %mul3A_426 : i32 to index
        %get3A_440 = tpu.vector_load %arg5[%get3A_439] {strides = array<i32>} : memref<32768xf32, #tpu.memory_space<vmem>>, vector<16xf32>,
        %get3A_441 = vector.shape_cast %get3A_440 : vector<16xf32> to vector<16xf32>
        %add3A_442 = arith.addf %get3A_441, %get3A_431 : vector<16xf32>
        %swap3A_443 = arith.index_cast %mul3A_426 : i32 to index
        %swap3A_444 = tpu.vector_load %arg5[%swap3A_443] {strides = array<i32>} : memref<32768xf32, #tpu.memory_space<vmem>>, vector<16xf32>,
        %swap3A_445 = vector.shape_cast %swap3A_444 : vector<16xf32> to vector<16xf32>
        %swap3A_446 = vector.shape_cast %add3A_442 : vector<16xf32> to vector<16xf32>
        tpu.vector_store %arg5[%swap3A_443], %swap3A_446 {strides = array<i32>} : memref<32768xf32, #tpu.memory_space<vmem>>, vector<16xf32>,
        %add3A_447 = arith.constant 16 : i32
        %add3A_448 = arith.addi %mul3A_426, %add3A_447 : i32
        %get3A_449 = arith.index_cast %add3A_448 : i32 to index
        %get3A_450 = tpu.vector_load %arg5[%get3A_449] {strides = array<i32>} : memref<32768xf32, #tpu.memory_space<vmem>>, vector<16xf32>,
        %get3A_451 = vector.shape_cast %get3A_450 : vector<16xf32> to vector<16xf32>
        %add3A_452 = arith.addf %get3A_451, %get3A_438 : vector<16xf32>
        %add3A_453 = arith.constant 16 : i32
        %add3A_454 = arith.addi %mul3A_426, %add3A_453 : i32
        %swap3A_455 = arith.index_cast %add3A_454 : i32 to index
        %swap3A_456 = tpu.vector_load %arg5[%swap3A_455] {strides = array<i32>} : memref<32768xf32, #tpu.memory_space<vmem>>, vector<16xf32>,
        %swap3A_457 = vector.shape_cast %swap3A_456 : vector<16xf32> to vector<16xf32>
        %swap3A_458 = vector.shape_cast %add3A_452 : vector<16xf32> to vector<16xf32>
        tpu.vector_store %arg5[%swap3A_455], %swap3A_458 {strides = array<i32>} : memref<32768xf32, #tpu.memory_space<vmem>>, vector<16xf32>,
        %scan3A_459 = arith.constant 7 : i32
        %scan3A_460 = arith.addi %scan3A_177, %scan3A_459 : i32
        %get3A_461 = arith.index_cast %scan3A_460 : i32 to index
        %get3A_462 = tpu.vector_load %arg7[%get3A_461] {strides = array<i32>} : memref<528xi32, #tpu.memory_space<vmem>>, vector<16xi32>,
        %get3A_463 = vector.shape_cast %get3A_462 : vector<16xi32> to vector<16xi32>
        %slice3A_464 = vector.extract_strided_slice %get3A_463 {offsets = [0], sizes = [1], strides = [1]} : vector<16xi32> to vector<1xi32>
        %squeeze3A_465 = vector.extract %slice3A_464[0] : i32 from vector<1xi32>
        %mul3A_466 = arith.constant 32 : i32
        %mul3A_467 = arith.muli %squeeze3A_465, %mul3A_466 : i32
        %mul3A_468 = arith.constant 32 : i32
        %mul3A_469 = arith.muli %scan3A_460, %mul3A_468 : i32
        %get3A_470 = arith.index_cast %mul3A_469 : i32 to index
        %get3A_471 = tpu.vector_load %arg6[%get3A_470] {strides = array<i32>} : memref<16384xf32, #tpu.memory_space<vmem>>, vector<16xf32>,
        %get3A_472 = vector.shape_cast %get3A_471 : vector<16xf32> to vector<16xf32>
        %mul3A_473 = arith.constant 32 : i32
        %mul3A_474 = arith.muli %scan3A_460, %mul3A_473 : i32
        %add3A_475 = arith.constant 16 : i32
        %add3A_476 = arith.addi %mul3A_474, %add3A_475 : i32
        %get3A_477 = arith.index_cast %add3A_476 : i32 to index
        %get3A_478 = tpu.vector_load %arg6[%get3A_477] {strides = array<i32>} : memref<16384xf32, #tpu.memory_space<vmem>>, vector<16xf32>,
        %get3A_479 = vector.shape_cast %get3A_478 : vector<16xf32> to vector<16xf32>
        %get3A_480 = arith.index_cast %mul3A_467 : i32 to index
        %get3A_481 = tpu.vector_load %arg5[%get3A_480] {strides = array<i32>} : memref<32768xf32, #tpu.memory_space<vmem>>, vector<16xf32>,
        %get3A_482 = vector.shape_cast %get3A_481 : vector<16xf32> to vector<16xf32>
        %add3A_483 = arith.addf %get3A_482, %get3A_472 : vector<16xf32>
        %swap3A_484 = arith.index_cast %mul3A_467 : i32 to index
        %swap3A_485 = tpu.vector_load %arg5[%swap3A_484] {strides = array<i32>} : memref<32768xf32, #tpu.memory_space<vmem>>, vector<16xf32>,
        %swap3A_486 = vector.shape_cast %swap3A_485 : vector<16xf32> to vector<16xf32>
        %swap3A_487 = vector.shape_cast %add3A_483 : vector<16xf32> to vector<16xf32>
        tpu.vector_store %arg5[%swap3A_484], %swap3A_487 {strides = array<i32>} : memref<32768xf32, #tpu.memory_space<vmem>>, vector<16xf32>,
        %add3A_488 = arith.constant 16 : i32
        %add3A_489 = arith.addi %mul3A_467, %add3A_488 : i32
        %get3A_490 = arith.index_cast %add3A_489 : i32 to index
        %get3A_491 = tpu.vector_load %arg5[%get3A_490] {strides = array<i32>} : memref<32768xf32, #tpu.memory_space<vmem>>, vector<16xf32>,
        %get3A_492 = vector.shape_cast %get3A_491 : vector<16xf32> to vector<16xf32>
        %add3A_493 = arith.addf %get3A_492, %get3A_479 : vector<16xf32>
        %add3A_494 = arith.constant 16 : i32
        %add3A_495 = arith.addi %mul3A_467, %add3A_494 : i32
        %swap3A_496 = arith.index_cast %add3A_495 : i32 to index
        %swap3A_497 = tpu.vector_load %arg5[%swap3A_496] {strides = array<i32>} : memref<32768xf32, #tpu.memory_space<vmem>>, vector<16xf32>,
        %swap3A_498 = vector.shape_cast %swap3A_497 : vector<16xf32> to vector<16xf32>
        %swap3A_499 = vector.shape_cast %add3A_493 : vector<16xf32> to vector<16xf32>
        tpu.vector_store %arg5[%swap3A_496], %swap3A_499 {strides = array<i32>} : memref<32768xf32, #tpu.memory_space<vmem>>, vector<16xf32>,
      }
      %scan3A_176 = arith.constant 512 : i32
    }
    %while3A_35 = arith.constant 1 : i32
    scf.for %while3A_163 = %while3A_33 to %while3A_29 step %while3A_35  : i32 {
      %mul3A_164 = arith.constant 32 : i32
      %mul3A_165 = arith.muli %while3A_163, %mul3A_164 : i32
      %add3A_166 = arith.addi %add3A, %mul3A_165 : i32
      %mul3A_167 = arith.constant 16384 : i32
      %mul3A_168 = arith.muli %add3A_166, %mul3A_167 : i32
      "tpu.region"() ({
        %run_scoped3A = tpu.sem_alloc : memref<!tpu.dma_semaphore, #tpu.memory_space<semaphore_mem>>
        %dma_start3A = arith.constant 0 : i32
        %dma_start3A_177 = tpu.memref_slice %arg6[%dma_start3A] : memref<16384xf32, #tpu.memory_space<vmem>> -> memref<16384xf32, #tpu.memory_space<vmem>>
        %dma_start3A_178 = tpu.memref_slice %arg2[%mul3A_168] : memref<1605632xf32, #tpu.memory_space<hbm>> -> memref<16384xf32, #tpu.memory_space<hbm>>
        %dma_start3A_179 = arith.constant 0 : i32
        %dma_start3A_180 = tpu.memref_slice %arg6[%dma_start3A_179] : memref<16384xf32, #tpu.memory_space<vmem>> -> memref<16384xf32, #tpu.memory_space<vmem>>
        %dma_start3A_181 = tpu.memref_slice %arg2[%mul3A_168] : memref<1605632xf32, #tpu.memory_space<hbm>> -> memref<16384xf32, #tpu.memory_space<hbm>>
        tpu.enqueue_dma source(%dma_start3A_181 : memref<16384xf32, #tpu.memory_space<hbm>>) target(%dma_start3A_180 : memref<16384xf32, #tpu.memory_space<vmem>>) target_semaphore(%run_scoped3A : memref<!tpu.dma_semaphore, #tpu.memory_space<semaphore_mem>>)
        %dma_wait3A = arith.constant 0 : i32
        %dma_wait3A_182 = tpu.memref_slice %arg6[%dma_wait3A] : memref<16384xf32, #tpu.memory_space<vmem>> -> memref<16384xf32, #tpu.memory_space<vmem>>
        %dma_wait3A_183 = tpu.memref_slice %arg2[%mul3A_168] : memref<1605632xf32, #tpu.memory_space<hbm>> -> memref<16384xf32, #tpu.memory_space<hbm>>
        %dma_wait3A_184 = arith.constant 0 : i32
        %dma_wait3A_185 = tpu.memref_slice %arg6[%dma_wait3A_184] : memref<16384xf32, #tpu.memory_space<vmem>> -> memref<16384xf32, #tpu.memory_space<vmem>>
        %dma_wait3A_186 = tpu.memref_slice %arg2[%mul3A_168] : memref<1605632xf32, #tpu.memory_space<hbm>> -> memref<16384xf32, #tpu.memory_space<hbm>>
        tpu.wait_dma2 semaphore(%run_scoped3A : memref<!tpu.dma_semaphore, #tpu.memory_space<semaphore_mem>>) src(%dma_wait3A_186 : memref<16384xf32, #tpu.memory_space<hbm>>) dst(%dma_wait3A_185 : memref<16384xf32, #tpu.memory_space<vmem>>)
        tpu.yield
      }) : () -> ()
      %mul3A_169 = arith.constant 512 : i32
      %mul3A_170 = arith.muli %add3A_166, %mul3A_169 : i32
      "tpu.region"() ({
        %run_scoped3A = tpu.sem_alloc : memref<!tpu.dma_semaphore, #tpu.memory_space<semaphore_mem>>
        %dma_start3A = arith.constant 0 : i32
        %dma_start3A_177 = tpu.memref_slice %arg7[%dma_start3A] : memref<528xi32, #tpu.memory_space<vmem>> -> memref<512xi32, #tpu.memory_space<vmem>>
        %dma_start3A_178 = tpu.memref_slice %arg3[%mul3A_170] : memref<50176xi32, #tpu.memory_space<hbm>> -> memref<512xi32, #tpu.memory_space<hbm>>
        %dma_start3A_179 = arith.constant 0 : i32
        %dma_start3A_180 = tpu.memref_slice %arg7[%dma_start3A_179] : memref<528xi32, #tpu.memory_space<vmem>> -> memref<512xi32, #tpu.memory_space<vmem>>
        %dma_start3A_181 = tpu.memref_slice %arg3[%mul3A_170] : memref<50176xi32, #tpu.memory_space<hbm>> -> memref<512xi32, #tpu.memory_space<hbm>>
        tpu.enqueue_dma source(%dma_start3A_181 : memref<512xi32, #tpu.memory_space<hbm>>) target(%dma_start3A_180 : memref<512xi32, #tpu.memory_space<vmem>>) target_semaphore(%run_scoped3A : memref<!tpu.dma_semaphore, #tpu.memory_space<semaphore_mem>>)
        %dma_wait3A = arith.constant 0 : i32
        %dma_wait3A_182 = tpu.memref_slice %arg7[%dma_wait3A] : memref<528xi32, #tpu.memory_space<vmem>> -> memref<512xi32, #tpu.memory_space<vmem>>
        %dma_wait3A_183 = tpu.memref_slice %arg3[%mul3A_170] : memref<50176xi32, #tpu.memory_space<hbm>> -> memref<512xi32, #tpu.memory_space<hbm>>
        %dma_wait3A_184 = arith.constant 0 : i32
        %dma_wait3A_185 = tpu.memref_slice %arg7[%dma_wait3A_184] : memref<528xi32, #tpu.memory_space<vmem>> -> memref<512xi32, #tpu.memory_space<vmem>>
        %dma_wait3A_186 = tpu.memref_slice %arg3[%mul3A_170] : memref<50176xi32, #tpu.memory_space<hbm>> -> memref<512xi32, #tpu.memory_space<hbm>>
        tpu.wait_dma2 semaphore(%run_scoped3A : memref<!tpu.dma_semaphore, #tpu.memory_space<semaphore_mem>>) src(%dma_wait3A_186 : memref<512xi32, #tpu.memory_space<hbm>>) dst(%dma_wait3A_185 : memref<512xi32, #tpu.memory_space<vmem>>)
        tpu.yield
      }) : () -> ()
      %scan3A_171 = arith.constant 0 : i32
      %scan3A_172 = arith.constant 0 : i32
      %scan3A_173 = arith.constant 512 : i32
      %scan3A_174 = arith.addi %scan3A_172, %scan3A_173 : i32
      %scan3A_175 = arith.constant 8 : i32
      scf.for %scan3A_177 = %scan3A_172 to %scan3A_174 step %scan3A_175  : i32 {
        %get3A = arith.index_cast %scan3A_177 : i32 to index
        %get3A_178 = tpu.vector_load %arg7[%get3A] {strides = array<i32>} : memref<528xi32, #tpu.memory_space<vmem>>, vector<16xi32>,
        %get3A_179 = vector.shape_cast %get3A_178 : vector<16xi32> to vector<16xi32>
        %slice3A = vector.extract_strided_slice %get3A_179 {offsets = [0], sizes = [1], strides = [1]} : vector<16xi32> to vector<1xi32>
        %squeeze3A = vector.extract %slice3A[0] : i32 from vector<1xi32>
        %mul3A_180 = arith.constant 32 : i32
        %mul3A_181 = arith.muli %squeeze3A, %mul3A_180 : i32
        %mul3A_182 = arith.constant 32 : i32
        %mul3A_183 = arith.muli %scan3A_177, %mul3A_182 : i32
        %get3A_184 = arith.index_cast %mul3A_183 : i32 to index
        %get3A_185 = tpu.vector_load %arg6[%get3A_184] {strides = array<i32>} : memref<16384xf32, #tpu.memory_space<vmem>>, vector<16xf32>,
        %get3A_186 = vector.shape_cast %get3A_185 : vector<16xf32> to vector<16xf32>
        %mul3A_187 = arith.constant 32 : i32
        %mul3A_188 = arith.muli %scan3A_177, %mul3A_187 : i32
        %add3A_189 = arith.constant 16 : i32
        %add3A_190 = arith.addi %mul3A_188, %add3A_189 : i32
        %get3A_191 = arith.index_cast %add3A_190 : i32 to index
        %get3A_192 = tpu.vector_load %arg6[%get3A_191] {strides = array<i32>} : memref<16384xf32, #tpu.memory_space<vmem>>, vector<16xf32>,
        %get3A_193 = vector.shape_cast %get3A_192 : vector<16xf32> to vector<16xf32>
        %get3A_194 = arith.index_cast %mul3A_181 : i32 to index
        %get3A_195 = tpu.vector_load %arg5[%get3A_194] {strides = array<i32>} : memref<32768xf32, #tpu.memory_space<vmem>>, vector<16xf32>,
        %get3A_196 = vector.shape_cast %get3A_195 : vector<16xf32> to vector<16xf32>
        %add3A_197 = arith.addf %get3A_196, %get3A_186 : vector<16xf32>
        %swap3A = arith.index_cast %mul3A_181 : i32 to index
        %swap3A_198 = tpu.vector_load %arg5[%swap3A] {strides = array<i32>} : memref<32768xf32, #tpu.memory_space<vmem>>, vector<16xf32>,
        %swap3A_199 = vector.shape_cast %swap3A_198 : vector<16xf32> to vector<16xf32>
        %swap3A_200 = vector.shape_cast %add3A_197 : vector<16xf32> to vector<16xf32>
        tpu.vector_store %arg5[%swap3A], %swap3A_200 {strides = array<i32>} : memref<32768xf32, #tpu.memory_space<vmem>>, vector<16xf32>,
        %add3A_201 = arith.constant 16 : i32
        %add3A_202 = arith.addi %mul3A_181, %add3A_201 : i32
        %get3A_203 = arith.index_cast %add3A_202 : i32 to index
        %get3A_204 = tpu.vector_load %arg5[%get3A_203] {strides = array<i32>} : memref<32768xf32, #tpu.memory_space<vmem>>, vector<16xf32>,
        %get3A_205 = vector.shape_cast %get3A_204 : vector<16xf32> to vector<16xf32>
        %add3A_206 = arith.addf %get3A_205, %get3A_193 : vector<16xf32>
        %add3A_207 = arith.constant 16 : i32
        %add3A_208 = arith.addi %mul3A_181, %add3A_207 : i32
        %swap3A_209 = arith.index_cast %add3A_208 : i32 to index
        %swap3A_210 = tpu.vector_load %arg5[%swap3A_209] {strides = array<i32>} : memref<32768xf32, #tpu.memory_space<vmem>>, vector<16xf32>,
        %swap3A_211 = vector.shape_cast %swap3A_210 : vector<16xf32> to vector<16xf32>
        %swap3A_212 = vector.shape_cast %add3A_206 : vector<16xf32> to vector<16xf32>
        tpu.vector_store %arg5[%swap3A_209], %swap3A_212 {strides = array<i32>} : memref<32768xf32, #tpu.memory_space<vmem>>, vector<16xf32>,
        %scan3A_213 = arith.constant 1 : i32
        %scan3A_214 = arith.addi %scan3A_177, %scan3A_213 : i32
        %get3A_215 = arith.index_cast %scan3A_214 : i32 to index
        %get3A_216 = tpu.vector_load %arg7[%get3A_215] {strides = array<i32>} : memref<528xi32, #tpu.memory_space<vmem>>, vector<16xi32>,
        %get3A_217 = vector.shape_cast %get3A_216 : vector<16xi32> to vector<16xi32>
        %slice3A_218 = vector.extract_strided_slice %get3A_217 {offsets = [0], sizes = [1], strides = [1]} : vector<16xi32> to vector<1xi32>
        %squeeze3A_219 = vector.extract %slice3A_218[0] : i32 from vector<1xi32>
        %mul3A_220 = arith.constant 32 : i32
        %mul3A_221 = arith.muli %squeeze3A_219, %mul3A_220 : i32
        %mul3A_222 = arith.constant 32 : i32
        %mul3A_223 = arith.muli %scan3A_214, %mul3A_222 : i32
        %get3A_224 = arith.index_cast %mul3A_223 : i32 to index
        %get3A_225 = tpu.vector_load %arg6[%get3A_224] {strides = array<i32>} : memref<16384xf32, #tpu.memory_space<vmem>>, vector<16xf32>,
        %get3A_226 = vector.shape_cast %get3A_225 : vector<16xf32> to vector<16xf32>
        %mul3A_227 = arith.constant 32 : i32
        %mul3A_228 = arith.muli %scan3A_214, %mul3A_227 : i32
        %add3A_229 = arith.constant 16 : i32
        %add3A_230 = arith.addi %mul3A_228, %add3A_229 : i32
        %get3A_231 = arith.index_cast %add3A_230 : i32 to index
        %get3A_232 = tpu.vector_load %arg6[%get3A_231] {strides = array<i32>} : memref<16384xf32, #tpu.memory_space<vmem>>, vector<16xf32>,
        %get3A_233 = vector.shape_cast %get3A_232 : vector<16xf32> to vector<16xf32>
        %get3A_234 = arith.index_cast %mul3A_221 : i32 to index
        %get3A_235 = tpu.vector_load %arg5[%get3A_234] {strides = array<i32>} : memref<32768xf32, #tpu.memory_space<vmem>>, vector<16xf32>,
        %get3A_236 = vector.shape_cast %get3A_235 : vector<16xf32> to vector<16xf32>
        %add3A_237 = arith.addf %get3A_236, %get3A_226 : vector<16xf32>
        %swap3A_238 = arith.index_cast %mul3A_221 : i32 to index
        %swap3A_239 = tpu.vector_load %arg5[%swap3A_238] {strides = array<i32>} : memref<32768xf32, #tpu.memory_space<vmem>>, vector<16xf32>,
        %swap3A_240 = vector.shape_cast %swap3A_239 : vector<16xf32> to vector<16xf32>
        %swap3A_241 = vector.shape_cast %add3A_237 : vector<16xf32> to vector<16xf32>
        tpu.vector_store %arg5[%swap3A_238], %swap3A_241 {strides = array<i32>} : memref<32768xf32, #tpu.memory_space<vmem>>, vector<16xf32>,
        %add3A_242 = arith.constant 16 : i32
        %add3A_243 = arith.addi %mul3A_221, %add3A_242 : i32
        %get3A_244 = arith.index_cast %add3A_243 : i32 to index
        %get3A_245 = tpu.vector_load %arg5[%get3A_244] {strides = array<i32>} : memref<32768xf32, #tpu.memory_space<vmem>>, vector<16xf32>,
        %get3A_246 = vector.shape_cast %get3A_245 : vector<16xf32> to vector<16xf32>
        %add3A_247 = arith.addf %get3A_246, %get3A_233 : vector<16xf32>
        %add3A_248 = arith.constant 16 : i32
        %add3A_249 = arith.addi %mul3A_221, %add3A_248 : i32
        %swap3A_250 = arith.index_cast %add3A_249 : i32 to index
        %swap3A_251 = tpu.vector_load %arg5[%swap3A_250] {strides = array<i32>} : memref<32768xf32, #tpu.memory_space<vmem>>, vector<16xf32>,
        %swap3A_252 = vector.shape_cast %swap3A_251 : vector<16xf32> to vector<16xf32>
        %swap3A_253 = vector.shape_cast %add3A_247 : vector<16xf32> to vector<16xf32>
        tpu.vector_store %arg5[%swap3A_250], %swap3A_253 {strides = array<i32>} : memref<32768xf32, #tpu.memory_space<vmem>>, vector<16xf32>,
        %scan3A_254 = arith.constant 2 : i32
        %scan3A_255 = arith.addi %scan3A_177, %scan3A_254 : i32
        %get3A_256 = arith.index_cast %scan3A_255 : i32 to index
        %get3A_257 = tpu.vector_load %arg7[%get3A_256] {strides = array<i32>} : memref<528xi32, #tpu.memory_space<vmem>>, vector<16xi32>,
        %get3A_258 = vector.shape_cast %get3A_257 : vector<16xi32> to vector<16xi32>
        %slice3A_259 = vector.extract_strided_slice %get3A_258 {offsets = [0], sizes = [1], strides = [1]} : vector<16xi32> to vector<1xi32>
        %squeeze3A_260 = vector.extract %slice3A_259[0] : i32 from vector<1xi32>
        %mul3A_261 = arith.constant 32 : i32
        %mul3A_262 = arith.muli %squeeze3A_260, %mul3A_261 : i32
        %mul3A_263 = arith.constant 32 : i32
        %mul3A_264 = arith.muli %scan3A_255, %mul3A_263 : i32
        %get3A_265 = arith.index_cast %mul3A_264 : i32 to index
        %get3A_266 = tpu.vector_load %arg6[%get3A_265] {strides = array<i32>} : memref<16384xf32, #tpu.memory_space<vmem>>, vector<16xf32>,
        %get3A_267 = vector.shape_cast %get3A_266 : vector<16xf32> to vector<16xf32>
        %mul3A_268 = arith.constant 32 : i32
        %mul3A_269 = arith.muli %scan3A_255, %mul3A_268 : i32
        %add3A_270 = arith.constant 16 : i32
        %add3A_271 = arith.addi %mul3A_269, %add3A_270 : i32
        %get3A_272 = arith.index_cast %add3A_271 : i32 to index
        %get3A_273 = tpu.vector_load %arg6[%get3A_272] {strides = array<i32>} : memref<16384xf32, #tpu.memory_space<vmem>>, vector<16xf32>,
        %get3A_274 = vector.shape_cast %get3A_273 : vector<16xf32> to vector<16xf32>
        %get3A_275 = arith.index_cast %mul3A_262 : i32 to index
        %get3A_276 = tpu.vector_load %arg5[%get3A_275] {strides = array<i32>} : memref<32768xf32, #tpu.memory_space<vmem>>, vector<16xf32>,
        %get3A_277 = vector.shape_cast %get3A_276 : vector<16xf32> to vector<16xf32>
        %add3A_278 = arith.addf %get3A_277, %get3A_267 : vector<16xf32>
        %swap3A_279 = arith.index_cast %mul3A_262 : i32 to index
        %swap3A_280 = tpu.vector_load %arg5[%swap3A_279] {strides = array<i32>} : memref<32768xf32, #tpu.memory_space<vmem>>, vector<16xf32>,
        %swap3A_281 = vector.shape_cast %swap3A_280 : vector<16xf32> to vector<16xf32>
        %swap3A_282 = vector.shape_cast %add3A_278 : vector<16xf32> to vector<16xf32>
        tpu.vector_store %arg5[%swap3A_279], %swap3A_282 {strides = array<i32>} : memref<32768xf32, #tpu.memory_space<vmem>>, vector<16xf32>,
        %add3A_283 = arith.constant 16 : i32
        %add3A_284 = arith.addi %mul3A_262, %add3A_283 : i32
        %get3A_285 = arith.index_cast %add3A_284 : i32 to index
        %get3A_286 = tpu.vector_load %arg5[%get3A_285] {strides = array<i32>} : memref<32768xf32, #tpu.memory_space<vmem>>, vector<16xf32>,
        %get3A_287 = vector.shape_cast %get3A_286 : vector<16xf32> to vector<16xf32>
        %add3A_288 = arith.addf %get3A_287, %get3A_274 : vector<16xf32>
        %add3A_289 = arith.constant 16 : i32
        %add3A_290 = arith.addi %mul3A_262, %add3A_289 : i32
        %swap3A_291 = arith.index_cast %add3A_290 : i32 to index
        %swap3A_292 = tpu.vector_load %arg5[%swap3A_291] {strides = array<i32>} : memref<32768xf32, #tpu.memory_space<vmem>>, vector<16xf32>,
        %swap3A_293 = vector.shape_cast %swap3A_292 : vector<16xf32> to vector<16xf32>
        %swap3A_294 = vector.shape_cast %add3A_288 : vector<16xf32> to vector<16xf32>
        tpu.vector_store %arg5[%swap3A_291], %swap3A_294 {strides = array<i32>} : memref<32768xf32, #tpu.memory_space<vmem>>, vector<16xf32>,
        %scan3A_295 = arith.constant 3 : i32
        %scan3A_296 = arith.addi %scan3A_177, %scan3A_295 : i32
        %get3A_297 = arith.index_cast %scan3A_296 : i32 to index
        %get3A_298 = tpu.vector_load %arg7[%get3A_297] {strides = array<i32>} : memref<528xi32, #tpu.memory_space<vmem>>, vector<16xi32>,
        %get3A_299 = vector.shape_cast %get3A_298 : vector<16xi32> to vector<16xi32>
        %slice3A_300 = vector.extract_strided_slice %get3A_299 {offsets = [0], sizes = [1], strides = [1]} : vector<16xi32> to vector<1xi32>
        %squeeze3A_301 = vector.extract %slice3A_300[0] : i32 from vector<1xi32>
        %mul3A_302 = arith.constant 32 : i32
        %mul3A_303 = arith.muli %squeeze3A_301, %mul3A_302 : i32
        %mul3A_304 = arith.constant 32 : i32
        %mul3A_305 = arith.muli %scan3A_296, %mul3A_304 : i32
        %get3A_306 = arith.index_cast %mul3A_305 : i32 to index
        %get3A_307 = tpu.vector_load %arg6[%get3A_306] {strides = array<i32>} : memref<16384xf32, #tpu.memory_space<vmem>>, vector<16xf32>,
        %get3A_308 = vector.shape_cast %get3A_307 : vector<16xf32> to vector<16xf32>
        %mul3A_309 = arith.constant 32 : i32
        %mul3A_310 = arith.muli %scan3A_296, %mul3A_309 : i32
        %add3A_311 = arith.constant 16 : i32
        %add3A_312 = arith.addi %mul3A_310, %add3A_311 : i32
        %get3A_313 = arith.index_cast %add3A_312 : i32 to index
        %get3A_314 = tpu.vector_load %arg6[%get3A_313] {strides = array<i32>} : memref<16384xf32, #tpu.memory_space<vmem>>, vector<16xf32>,
        %get3A_315 = vector.shape_cast %get3A_314 : vector<16xf32> to vector<16xf32>
        %get3A_316 = arith.index_cast %mul3A_303 : i32 to index
        %get3A_317 = tpu.vector_load %arg5[%get3A_316] {strides = array<i32>} : memref<32768xf32, #tpu.memory_space<vmem>>, vector<16xf32>,
        %get3A_318 = vector.shape_cast %get3A_317 : vector<16xf32> to vector<16xf32>
        %add3A_319 = arith.addf %get3A_318, %get3A_308 : vector<16xf32>
        %swap3A_320 = arith.index_cast %mul3A_303 : i32 to index
        %swap3A_321 = tpu.vector_load %arg5[%swap3A_320] {strides = array<i32>} : memref<32768xf32, #tpu.memory_space<vmem>>, vector<16xf32>,
        %swap3A_322 = vector.shape_cast %swap3A_321 : vector<16xf32> to vector<16xf32>
        %swap3A_323 = vector.shape_cast %add3A_319 : vector<16xf32> to vector<16xf32>
        tpu.vector_store %arg5[%swap3A_320], %swap3A_323 {strides = array<i32>} : memref<32768xf32, #tpu.memory_space<vmem>>, vector<16xf32>,
        %add3A_324 = arith.constant 16 : i32
        %add3A_325 = arith.addi %mul3A_303, %add3A_324 : i32
        %get3A_326 = arith.index_cast %add3A_325 : i32 to index
        %get3A_327 = tpu.vector_load %arg5[%get3A_326] {strides = array<i32>} : memref<32768xf32, #tpu.memory_space<vmem>>, vector<16xf32>,
        %get3A_328 = vector.shape_cast %get3A_327 : vector<16xf32> to vector<16xf32>
        %add3A_329 = arith.addf %get3A_328, %get3A_315 : vector<16xf32>
        %add3A_330 = arith.constant 16 : i32
        %add3A_331 = arith.addi %mul3A_303, %add3A_330 : i32
        %swap3A_332 = arith.index_cast %add3A_331 : i32 to index
        %swap3A_333 = tpu.vector_load %arg5[%swap3A_332] {strides = array<i32>} : memref<32768xf32, #tpu.memory_space<vmem>>, vector<16xf32>,
        %swap3A_334 = vector.shape_cast %swap3A_333 : vector<16xf32> to vector<16xf32>
        %swap3A_335 = vector.shape_cast %add3A_329 : vector<16xf32> to vector<16xf32>
        tpu.vector_store %arg5[%swap3A_332], %swap3A_335 {strides = array<i32>} : memref<32768xf32, #tpu.memory_space<vmem>>, vector<16xf32>,
        %scan3A_336 = arith.constant 4 : i32
        %scan3A_337 = arith.addi %scan3A_177, %scan3A_336 : i32
        %get3A_338 = arith.index_cast %scan3A_337 : i32 to index
        %get3A_339 = tpu.vector_load %arg7[%get3A_338] {strides = array<i32>} : memref<528xi32, #tpu.memory_space<vmem>>, vector<16xi32>,
        %get3A_340 = vector.shape_cast %get3A_339 : vector<16xi32> to vector<16xi32>
        %slice3A_341 = vector.extract_strided_slice %get3A_340 {offsets = [0], sizes = [1], strides = [1]} : vector<16xi32> to vector<1xi32>
        %squeeze3A_342 = vector.extract %slice3A_341[0] : i32 from vector<1xi32>
        %mul3A_343 = arith.constant 32 : i32
        %mul3A_344 = arith.muli %squeeze3A_342, %mul3A_343 : i32
        %mul3A_345 = arith.constant 32 : i32
        %mul3A_346 = arith.muli %scan3A_337, %mul3A_345 : i32
        %get3A_347 = arith.index_cast %mul3A_346 : i32 to index
        %get3A_348 = tpu.vector_load %arg6[%get3A_347] {strides = array<i32>} : memref<16384xf32, #tpu.memory_space<vmem>>, vector<16xf32>,
        %get3A_349 = vector.shape_cast %get3A_348 : vector<16xf32> to vector<16xf32>
        %mul3A_350 = arith.constant 32 : i32
        %mul3A_351 = arith.muli %scan3A_337, %mul3A_350 : i32
        %add3A_352 = arith.constant 16 : i32
        %add3A_353 = arith.addi %mul3A_351, %add3A_352 : i32
        %get3A_354 = arith.index_cast %add3A_353 : i32 to index
        %get3A_355 = tpu.vector_load %arg6[%get3A_354] {strides = array<i32>} : memref<16384xf32, #tpu.memory_space<vmem>>, vector<16xf32>,
        %get3A_356 = vector.shape_cast %get3A_355 : vector<16xf32> to vector<16xf32>
        %get3A_357 = arith.index_cast %mul3A_344 : i32 to index
        %get3A_358 = tpu.vector_load %arg5[%get3A_357] {strides = array<i32>} : memref<32768xf32, #tpu.memory_space<vmem>>, vector<16xf32>,
        %get3A_359 = vector.shape_cast %get3A_358 : vector<16xf32> to vector<16xf32>
        %add3A_360 = arith.addf %get3A_359, %get3A_349 : vector<16xf32>
        %swap3A_361 = arith.index_cast %mul3A_344 : i32 to index
        %swap3A_362 = tpu.vector_load %arg5[%swap3A_361] {strides = array<i32>} : memref<32768xf32, #tpu.memory_space<vmem>>, vector<16xf32>,
        %swap3A_363 = vector.shape_cast %swap3A_362 : vector<16xf32> to vector<16xf32>
        %swap3A_364 = vector.shape_cast %add3A_360 : vector<16xf32> to vector<16xf32>
        tpu.vector_store %arg5[%swap3A_361], %swap3A_364 {strides = array<i32>} : memref<32768xf32, #tpu.memory_space<vmem>>, vector<16xf32>,
        %add3A_365 = arith.constant 16 : i32
        %add3A_366 = arith.addi %mul3A_344, %add3A_365 : i32
        %get3A_367 = arith.index_cast %add3A_366 : i32 to index
        %get3A_368 = tpu.vector_load %arg5[%get3A_367] {strides = array<i32>} : memref<32768xf32, #tpu.memory_space<vmem>>, vector<16xf32>,
        %get3A_369 = vector.shape_cast %get3A_368 : vector<16xf32> to vector<16xf32>
        %add3A_370 = arith.addf %get3A_369, %get3A_356 : vector<16xf32>
        %add3A_371 = arith.constant 16 : i32
        %add3A_372 = arith.addi %mul3A_344, %add3A_371 : i32
        %swap3A_373 = arith.index_cast %add3A_372 : i32 to index
        %swap3A_374 = tpu.vector_load %arg5[%swap3A_373] {strides = array<i32>} : memref<32768xf32, #tpu.memory_space<vmem>>, vector<16xf32>,
        %swap3A_375 = vector.shape_cast %swap3A_374 : vector<16xf32> to vector<16xf32>
        %swap3A_376 = vector.shape_cast %add3A_370 : vector<16xf32> to vector<16xf32>
        tpu.vector_store %arg5[%swap3A_373], %swap3A_376 {strides = array<i32>} : memref<32768xf32, #tpu.memory_space<vmem>>, vector<16xf32>,
        %scan3A_377 = arith.constant 5 : i32
        %scan3A_378 = arith.addi %scan3A_177, %scan3A_377 : i32
        %get3A_379 = arith.index_cast %scan3A_378 : i32 to index
        %get3A_380 = tpu.vector_load %arg7[%get3A_379] {strides = array<i32>} : memref<528xi32, #tpu.memory_space<vmem>>, vector<16xi32>,
        %get3A_381 = vector.shape_cast %get3A_380 : vector<16xi32> to vector<16xi32>
        %slice3A_382 = vector.extract_strided_slice %get3A_381 {offsets = [0], sizes = [1], strides = [1]} : vector<16xi32> to vector<1xi32>
        %squeeze3A_383 = vector.extract %slice3A_382[0] : i32 from vector<1xi32>
        %mul3A_384 = arith.constant 32 : i32
        %mul3A_385 = arith.muli %squeeze3A_383, %mul3A_384 : i32
        %mul3A_386 = arith.constant 32 : i32
        %mul3A_387 = arith.muli %scan3A_378, %mul3A_386 : i32
        %get3A_388 = arith.index_cast %mul3A_387 : i32 to index
        %get3A_389 = tpu.vector_load %arg6[%get3A_388] {strides = array<i32>} : memref<16384xf32, #tpu.memory_space<vmem>>, vector<16xf32>,
        %get3A_390 = vector.shape_cast %get3A_389 : vector<16xf32> to vector<16xf32>
        %mul3A_391 = arith.constant 32 : i32
        %mul3A_392 = arith.muli %scan3A_378, %mul3A_391 : i32
        %add3A_393 = arith.constant 16 : i32
        %add3A_394 = arith.addi %mul3A_392, %add3A_393 : i32
        %get3A_395 = arith.index_cast %add3A_394 : i32 to index
        %get3A_396 = tpu.vector_load %arg6[%get3A_395] {strides = array<i32>} : memref<16384xf32, #tpu.memory_space<vmem>>, vector<16xf32>,
        %get3A_397 = vector.shape_cast %get3A_396 : vector<16xf32> to vector<16xf32>
        %get3A_398 = arith.index_cast %mul3A_385 : i32 to index
        %get3A_399 = tpu.vector_load %arg5[%get3A_398] {strides = array<i32>} : memref<32768xf32, #tpu.memory_space<vmem>>, vector<16xf32>,
        %get3A_400 = vector.shape_cast %get3A_399 : vector<16xf32> to vector<16xf32>
        %add3A_401 = arith.addf %get3A_400, %get3A_390 : vector<16xf32>
        %swap3A_402 = arith.index_cast %mul3A_385 : i32 to index
        %swap3A_403 = tpu.vector_load %arg5[%swap3A_402] {strides = array<i32>} : memref<32768xf32, #tpu.memory_space<vmem>>, vector<16xf32>,
        %swap3A_404 = vector.shape_cast %swap3A_403 : vector<16xf32> to vector<16xf32>
        %swap3A_405 = vector.shape_cast %add3A_401 : vector<16xf32> to vector<16xf32>
        tpu.vector_store %arg5[%swap3A_402], %swap3A_405 {strides = array<i32>} : memref<32768xf32, #tpu.memory_space<vmem>>, vector<16xf32>,
        %add3A_406 = arith.constant 16 : i32
        %add3A_407 = arith.addi %mul3A_385, %add3A_406 : i32
        %get3A_408 = arith.index_cast %add3A_407 : i32 to index
        %get3A_409 = tpu.vector_load %arg5[%get3A_408] {strides = array<i32>} : memref<32768xf32, #tpu.memory_space<vmem>>, vector<16xf32>,
        %get3A_410 = vector.shape_cast %get3A_409 : vector<16xf32> to vector<16xf32>
        %add3A_411 = arith.addf %get3A_410, %get3A_397 : vector<16xf32>
        %add3A_412 = arith.constant 16 : i32
        %add3A_413 = arith.addi %mul3A_385, %add3A_412 : i32
        %swap3A_414 = arith.index_cast %add3A_413 : i32 to index
        %swap3A_415 = tpu.vector_load %arg5[%swap3A_414] {strides = array<i32>} : memref<32768xf32, #tpu.memory_space<vmem>>, vector<16xf32>,
        %swap3A_416 = vector.shape_cast %swap3A_415 : vector<16xf32> to vector<16xf32>
        %swap3A_417 = vector.shape_cast %add3A_411 : vector<16xf32> to vector<16xf32>
        tpu.vector_store %arg5[%swap3A_414], %swap3A_417 {strides = array<i32>} : memref<32768xf32, #tpu.memory_space<vmem>>, vector<16xf32>,
        %scan3A_418 = arith.constant 6 : i32
        %scan3A_419 = arith.addi %scan3A_177, %scan3A_418 : i32
        %get3A_420 = arith.index_cast %scan3A_419 : i32 to index
        %get3A_421 = tpu.vector_load %arg7[%get3A_420] {strides = array<i32>} : memref<528xi32, #tpu.memory_space<vmem>>, vector<16xi32>,
        %get3A_422 = vector.shape_cast %get3A_421 : vector<16xi32> to vector<16xi32>
        %slice3A_423 = vector.extract_strided_slice %get3A_422 {offsets = [0], sizes = [1], strides = [1]} : vector<16xi32> to vector<1xi32>
        %squeeze3A_424 = vector.extract %slice3A_423[0] : i32 from vector<1xi32>
        %mul3A_425 = arith.constant 32 : i32
        %mul3A_426 = arith.muli %squeeze3A_424, %mul3A_425 : i32
        %mul3A_427 = arith.constant 32 : i32
        %mul3A_428 = arith.muli %scan3A_419, %mul3A_427 : i32
        %get3A_429 = arith.index_cast %mul3A_428 : i32 to index
        %get3A_430 = tpu.vector_load %arg6[%get3A_429] {strides = array<i32>} : memref<16384xf32, #tpu.memory_space<vmem>>, vector<16xf32>,
        %get3A_431 = vector.shape_cast %get3A_430 : vector<16xf32> to vector<16xf32>
        %mul3A_432 = arith.constant 32 : i32
        %mul3A_433 = arith.muli %scan3A_419, %mul3A_432 : i32
        %add3A_434 = arith.constant 16 : i32
        %add3A_435 = arith.addi %mul3A_433, %add3A_434 : i32
        %get3A_436 = arith.index_cast %add3A_435 : i32 to index
        %get3A_437 = tpu.vector_load %arg6[%get3A_436] {strides = array<i32>} : memref<16384xf32, #tpu.memory_space<vmem>>, vector<16xf32>,
        %get3A_438 = vector.shape_cast %get3A_437 : vector<16xf32> to vector<16xf32>
        %get3A_439 = arith.index_cast %mul3A_426 : i32 to index
        %get3A_440 = tpu.vector_load %arg5[%get3A_439] {strides = array<i32>} : memref<32768xf32, #tpu.memory_space<vmem>>, vector<16xf32>,
        %get3A_441 = vector.shape_cast %get3A_440 : vector<16xf32> to vector<16xf32>
        %add3A_442 = arith.addf %get3A_441, %get3A_431 : vector<16xf32>
        %swap3A_443 = arith.index_cast %mul3A_426 : i32 to index
        %swap3A_444 = tpu.vector_load %arg5[%swap3A_443] {strides = array<i32>} : memref<32768xf32, #tpu.memory_space<vmem>>, vector<16xf32>,
        %swap3A_445 = vector.shape_cast %swap3A_444 : vector<16xf32> to vector<16xf32>
        %swap3A_446 = vector.shape_cast %add3A_442 : vector<16xf32> to vector<16xf32>
        tpu.vector_store %arg5[%swap3A_443], %swap3A_446 {strides = array<i32>} : memref<32768xf32, #tpu.memory_space<vmem>>, vector<16xf32>,
        %add3A_447 = arith.constant 16 : i32
        %add3A_448 = arith.addi %mul3A_426, %add3A_447 : i32
        %get3A_449 = arith.index_cast %add3A_448 : i32 to index
        %get3A_450 = tpu.vector_load %arg5[%get3A_449] {strides = array<i32>} : memref<32768xf32, #tpu.memory_space<vmem>>, vector<16xf32>,
        %get3A_451 = vector.shape_cast %get3A_450 : vector<16xf32> to vector<16xf32>
        %add3A_452 = arith.addf %get3A_451, %get3A_438 : vector<16xf32>
        %add3A_453 = arith.constant 16 : i32
        %add3A_454 = arith.addi %mul3A_426, %add3A_453 : i32
        %swap3A_455 = arith.index_cast %add3A_454 : i32 to index
        %swap3A_456 = tpu.vector_load %arg5[%swap3A_455] {strides = array<i32>} : memref<32768xf32, #tpu.memory_space<vmem>>, vector<16xf32>,
        %swap3A_457 = vector.shape_cast %swap3A_456 : vector<16xf32> to vector<16xf32>
        %swap3A_458 = vector.shape_cast %add3A_452 : vector<16xf32> to vector<16xf32>
        tpu.vector_store %arg5[%swap3A_455], %swap3A_458 {strides = array<i32>} : memref<32768xf32, #tpu.memory_space<vmem>>, vector<16xf32>,
        %scan3A_459 = arith.constant 7 : i32
        %scan3A_460 = arith.addi %scan3A_177, %scan3A_459 : i32
        %get3A_461 = arith.index_cast %scan3A_460 : i32 to index
        %get3A_462 = tpu.vector_load %arg7[%get3A_461] {strides = array<i32>} : memref<528xi32, #tpu.memory_space<vmem>>, vector<16xi32>,
        %get3A_463 = vector.shape_cast %get3A_462 : vector<16xi32> to vector<16xi32>
        %slice3A_464 = vector.extract_strided_slice %get3A_463 {offsets = [0], sizes = [1], strides = [1]} : vector<16xi32> to vector<1xi32>
        %squeeze3A_465 = vector.extract %slice3A_464[0] : i32 from vector<1xi32>
        %mul3A_466 = arith.constant 32 : i32
        %mul3A_467 = arith.muli %squeeze3A_465, %mul3A_466 : i32
        %mul3A_468 = arith.constant 32 : i32
        %mul3A_469 = arith.muli %scan3A_460, %mul3A_468 : i32
        %get3A_470 = arith.index_cast %mul3A_469 : i32 to index
        %get3A_471 = tpu.vector_load %arg6[%get3A_470] {strides = array<i32>} : memref<16384xf32, #tpu.memory_space<vmem>>, vector<16xf32>,
        %get3A_472 = vector.shape_cast %get3A_471 : vector<16xf32> to vector<16xf32>
        %mul3A_473 = arith.constant 32 : i32
        %mul3A_474 = arith.muli %scan3A_460, %mul3A_473 : i32
        %add3A_475 = arith.constant 16 : i32
        %add3A_476 = arith.addi %mul3A_474, %add3A_475 : i32
        %get3A_477 = arith.index_cast %add3A_476 : i32 to index
        %get3A_478 = tpu.vector_load %arg6[%get3A_477] {strides = array<i32>} : memref<16384xf32, #tpu.memory_space<vmem>>, vector<16xf32>,
        %get3A_479 = vector.shape_cast %get3A_478 : vector<16xf32> to vector<16xf32>
        %get3A_480 = arith.index_cast %mul3A_467 : i32 to index
        %get3A_481 = tpu.vector_load %arg5[%get3A_480] {strides = array<i32>} : memref<32768xf32, #tpu.memory_space<vmem>>, vector<16xf32>,
        %get3A_482 = vector.shape_cast %get3A_481 : vector<16xf32> to vector<16xf32>
        %add3A_483 = arith.addf %get3A_482, %get3A_472 : vector<16xf32>
        %swap3A_484 = arith.index_cast %mul3A_467 : i32 to index
        %swap3A_485 = tpu.vector_load %arg5[%swap3A_484] {strides = array<i32>} : memref<32768xf32, #tpu.memory_space<vmem>>, vector<16xf32>,
        %swap3A_486 = vector.shape_cast %swap3A_485 : vector<16xf32> to vector<16xf32>
        %swap3A_487 = vector.shape_cast %add3A_483 : vector<16xf32> to vector<16xf32>
        tpu.vector_store %arg5[%swap3A_484], %swap3A_487 {strides = array<i32>} : memref<32768xf32, #tpu.memory_space<vmem>>, vector<16xf32>,
        %add3A_488 = arith.constant 16 : i32
        %add3A_489 = arith.addi %mul3A_467, %add3A_488 : i32
        %get3A_490 = arith.index_cast %add3A_489 : i32 to index
        %get3A_491 = tpu.vector_load %arg5[%get3A_490] {strides = array<i32>} : memref<32768xf32, #tpu.memory_space<vmem>>, vector<16xf32>,
        %get3A_492 = vector.shape_cast %get3A_491 : vector<16xf32> to vector<16xf32>
        %add3A_493 = arith.addf %get3A_492, %get3A_479 : vector<16xf32>
        %add3A_494 = arith.constant 16 : i32
        %add3A_495 = arith.addi %mul3A_467, %add3A_494 : i32
        %swap3A_496 = arith.index_cast %add3A_495 : i32 to index
        %swap3A_497 = tpu.vector_load %arg5[%swap3A_496] {strides = array<i32>} : memref<32768xf32, #tpu.memory_space<vmem>>, vector<16xf32>,
        %swap3A_498 = vector.shape_cast %swap3A_497 : vector<16xf32> to vector<16xf32>
        %swap3A_499 = vector.shape_cast %add3A_493 : vector<16xf32> to vector<16xf32>
        tpu.vector_store %arg5[%swap3A_496], %swap3A_499 {strides = array<i32>} : memref<32768xf32, #tpu.memory_space<vmem>>, vector<16xf32>,
      }
      %scan3A_176 = arith.constant 512 : i32
    }
    %mul3A_36 = arith.constant 32768 : i32
    %mul3A_37 = arith.muli %arg1, %mul3A_36 : i32
    "tpu.region"() ({
      %run_scoped3A = tpu.sem_alloc : memref<!tpu.dma_semaphore, #tpu.memory_space<semaphore_mem>>
      %dma_start3A = tpu.memref_slice %arg10[%mul3A_37] : memref<524288xf32, #tpu.memory_space<vmem_shared>> -> memref<32768xf32, #tpu.memory_space<vmem_shared>>
      %dma_start3A_163 = tpu.memref_slice %arg10[%mul3A_37] : memref<524288xf32, #tpu.memory_space<vmem_shared>> -> memref<32768xf32, #tpu.memory_space<vmem_shared>>
      tpu.enqueue_dma source(%arg5 : memref<32768xf32, #tpu.memory_space<vmem>>) target(%dma_start3A_163 : memref<32768xf32, #tpu.memory_space<vmem_shared>>) target_semaphore(%run_scoped3A : memref<!tpu.dma_semaphore, #tpu.memory_space<semaphore_mem>>)
      %dma_wait3A = tpu.memref_slice %arg10[%mul3A_37] : memref<524288xf32, #tpu.memory_space<vmem_shared>> -> memref<32768xf32, #tpu.memory_space<vmem_shared>>
      %dma_wait3A_164 = tpu.memref_slice %arg10[%mul3A_37] : memref<524288xf32, #tpu.memory_space<vmem_shared>> -> memref<32768xf32, #tpu.memory_space<vmem_shared>>
      tpu.wait_dma2 semaphore(%run_scoped3A : memref<!tpu.dma_semaphore, #tpu.memory_space<semaphore_mem>>) src(%arg5 : memref<32768xf32, #tpu.memory_space<vmem>>) dst(%dma_wait3A_164 : memref<32768xf32, #tpu.memory_space<vmem_shared>>)
      tpu.yield
    }) : () -> ()
    %barrier3A = arith.constant 0 : index
    tpu.barrier barrier_id(%barrier3A)
    %mul3A_38 = arith.constant 2048 : i32
    %mul3A_39 = arith.muli %arg1, %mul3A_38 : i32
    "tpu.region"() ({
      %run_scoped3A = tpu.sem_alloc : memref<!tpu.dma_semaphore, #tpu.memory_space<semaphore_mem>>
      %dma_start3A = tpu.memref_slice %arg10[%mul3A_39] : memref<524288xf32, #tpu.memory_space<vmem_shared>> -> memref<2048xf32, #tpu.memory_space<vmem_shared>>
      %dma_start3A_163 = tpu.memref_slice %arg10[%mul3A_39] : memref<524288xf32, #tpu.memory_space<vmem_shared>> -> memref<2048xf32, #tpu.memory_space<vmem_shared>>
      tpu.enqueue_dma source(%dma_start3A_163 : memref<2048xf32, #tpu.memory_space<vmem_shared>>) target(%arg8 : memref<2048xf32, #tpu.memory_space<vmem>>) target_semaphore(%run_scoped3A : memref<!tpu.dma_semaphore, #tpu.memory_space<semaphore_mem>>)
      %dma_wait3A = tpu.memref_slice %arg10[%mul3A_39] : memref<524288xf32, #tpu.memory_space<vmem_shared>> -> memref<2048xf32, #tpu.memory_space<vmem_shared>>
      %dma_wait3A_164 = tpu.memref_slice %arg10[%mul3A_39] : memref<524288xf32, #tpu.memory_space<vmem_shared>> -> memref<2048xf32, #tpu.memory_space<vmem_shared>>
      tpu.wait_dma2 semaphore(%run_scoped3A : memref<!tpu.dma_semaphore, #tpu.memory_space<semaphore_mem>>) src(%dma_wait3A_164 : memref<2048xf32, #tpu.memory_space<vmem_shared>>) dst(%arg8 : memref<2048xf32, #tpu.memory_space<vmem>>)
      tpu.yield
    }) : () -> ()
    %add3A_40 = arith.constant 32768 : i32
    %add3A_41 = arith.addi %add3A_40, %mul3A_39 : i32
    "tpu.region"() ({
      %run_scoped3A = tpu.sem_alloc : memref<!tpu.dma_semaphore, #tpu.memory_space<semaphore_mem>>
      %dma_start3A = tpu.memref_slice %arg10[%add3A_41] : memref<524288xf32, #tpu.memory_space<vmem_shared>> -> memref<2048xf32, #tpu.memory_space<vmem_shared>>
      %dma_start3A_163 = tpu.memref_slice %arg10[%add3A_41] : memref<524288xf32, #tpu.memory_space<vmem_shared>> -> memref<2048xf32, #tpu.memory_space<vmem_shared>>
      tpu.enqueue_dma source(%dma_start3A_163 : memref<2048xf32, #tpu.memory_space<vmem_shared>>) target(%arg9 : memref<2048xf32, #tpu.memory_space<vmem>>) target_semaphore(%run_scoped3A : memref<!tpu.dma_semaphore, #tpu.memory_space<semaphore_mem>>)
      %dma_wait3A = tpu.memref_slice %arg10[%add3A_41] : memref<524288xf32, #tpu.memory_space<vmem_shared>> -> memref<2048xf32, #tpu.memory_space<vmem_shared>>
      %dma_wait3A_164 = tpu.memref_slice %arg10[%add3A_41] : memref<524288xf32, #tpu.memory_space<vmem_shared>> -> memref<2048xf32, #tpu.memory_space<vmem_shared>>
      tpu.wait_dma2 semaphore(%run_scoped3A : memref<!tpu.dma_semaphore, #tpu.memory_space<semaphore_mem>>) src(%dma_wait3A_164 : memref<2048xf32, #tpu.memory_space<vmem_shared>>) dst(%arg9 : memref<2048xf32, #tpu.memory_space<vmem>>)
      tpu.yield
    }) : () -> ()
    %scan3A_42 = arith.constant 0 : i32
    %scan3A_43 = arith.constant 0 : i32
    %scan3A_44 = arith.constant 128 : i32
    %scan3A_45 = arith.addi %scan3A_43, %scan3A_44 : i32
    %scan3A_46 = arith.constant 1 : i32
    scf.for %scan3A_163 = %scan3A_43 to %scan3A_45 step %scan3A_46  : i32 {
      %mul3A_164 = arith.constant 16 : i32
      %mul3A_165 = arith.muli %scan3A_163, %mul3A_164 : i32
      %get3A = arith.index_cast %mul3A_165 : i32 to index
      %get3A_166 = tpu.vector_load %arg8[%get3A] {strides = array<i32>} : memref<2048xf32, #tpu.memory_space<vmem>>, vector<16xf32>,
      %get3A_167 = vector.shape_cast %get3A_166 : vector<16xf32> to vector<16xf32>
      %mul3A_168 = arith.constant 16 : i32
      %mul3A_169 = arith.muli %scan3A_163, %mul3A_168 : i32
      %get3A_170 = arith.index_cast %mul3A_169 : i32 to index
      %get3A_171 = tpu.vector_load %arg9[%get3A_170] {strides = array<i32>} : memref<2048xf32, #tpu.memory_space<vmem>>, vector<16xf32>,
      %get3A_172 = vector.shape_cast %get3A_171 : vector<16xf32> to vector<16xf32>
      %add3A_173 = arith.addf %get3A_167, %get3A_172 : vector<16xf32>
      %mul3A_174 = arith.constant 16 : i32
      %mul3A_175 = arith.muli %scan3A_163, %mul3A_174 : i32
      %swap3A = arith.index_cast %mul3A_175 : i32 to index
      %swap3A_176 = tpu.vector_load %arg8[%swap3A] {strides = array<i32>} : memref<2048xf32, #tpu.memory_space<vmem>>, vector<16xf32>,
      %swap3A_177 = vector.shape_cast %swap3A_176 : vector<16xf32> to vector<16xf32>
      %swap3A_178 = vector.shape_cast %add3A_173 : vector<16xf32> to vector<16xf32>
      tpu.vector_store %arg8[%swap3A], %swap3A_178 {strides = array<i32>} : memref<2048xf32, #tpu.memory_space<vmem>>, vector<16xf32>,
    }
    %scan3A_47 = arith.constant 128 : i32
    %add3A_48 = arith.constant 65536 : i32
    %add3A_49 = arith.addi %add3A_48, %mul3A_39 : i32
    "tpu.region"() ({
      %run_scoped3A = tpu.sem_alloc : memref<!tpu.dma_semaphore, #tpu.memory_space<semaphore_mem>>
      %dma_start3A = tpu.memref_slice %arg10[%add3A_49] : memref<524288xf32, #tpu.memory_space<vmem_shared>> -> memref<2048xf32, #tpu.memory_space<vmem_shared>>
      %dma_start3A_163 = tpu.memref_slice %arg10[%add3A_49] : memref<524288xf32, #tpu.memory_space<vmem_shared>> -> memref<2048xf32, #tpu.memory_space<vmem_shared>>
      tpu.enqueue_dma source(%dma_start3A_163 : memref<2048xf32, #tpu.memory_space<vmem_shared>>) target(%arg9 : memref<2048xf32, #tpu.memory_space<vmem>>) target_semaphore(%run_scoped3A : memref<!tpu.dma_semaphore, #tpu.memory_space<semaphore_mem>>)
      %dma_wait3A = tpu.memref_slice %arg10[%add3A_49] : memref<524288xf32, #tpu.memory_space<vmem_shared>> -> memref<2048xf32, #tpu.memory_space<vmem_shared>>
      %dma_wait3A_164 = tpu.memref_slice %arg10[%add3A_49] : memref<524288xf32, #tpu.memory_space<vmem_shared>> -> memref<2048xf32, #tpu.memory_space<vmem_shared>>
      tpu.wait_dma2 semaphore(%run_scoped3A : memref<!tpu.dma_semaphore, #tpu.memory_space<semaphore_mem>>) src(%dma_wait3A_164 : memref<2048xf32, #tpu.memory_space<vmem_shared>>) dst(%arg9 : memref<2048xf32, #tpu.memory_space<vmem>>)
      tpu.yield
    }) : () -> ()
    %scan3A_50 = arith.constant 0 : i32
    %scan3A_51 = arith.constant 0 : i32
    %scan3A_52 = arith.constant 128 : i32
    %scan3A_53 = arith.addi %scan3A_51, %scan3A_52 : i32
    %scan3A_54 = arith.constant 1 : i32
    scf.for %scan3A_163 = %scan3A_51 to %scan3A_53 step %scan3A_54  : i32 {
      %mul3A_164 = arith.constant 16 : i32
      %mul3A_165 = arith.muli %scan3A_163, %mul3A_164 : i32
      %get3A = arith.index_cast %mul3A_165 : i32 to index
      %get3A_166 = tpu.vector_load %arg8[%get3A] {strides = array<i32>} : memref<2048xf32, #tpu.memory_space<vmem>>, vector<16xf32>,
      %get3A_167 = vector.shape_cast %get3A_166 : vector<16xf32> to vector<16xf32>
      %mul3A_168 = arith.constant 16 : i32
      %mul3A_169 = arith.muli %scan3A_163, %mul3A_168 : i32
      %get3A_170 = arith.index_cast %mul3A_169 : i32 to index
      %get3A_171 = tpu.vector_load %arg9[%get3A_170] {strides = array<i32>} : memref<2048xf32, #tpu.memory_space<vmem>>, vector<16xf32>,
      %get3A_172 = vector.shape_cast %get3A_171 : vector<16xf32> to vector<16xf32>
      %add3A_173 = arith.addf %get3A_167, %get3A_172 : vector<16xf32>
      %mul3A_174 = arith.constant 16 : i32
      %mul3A_175 = arith.muli %scan3A_163, %mul3A_174 : i32
      %swap3A = arith.index_cast %mul3A_175 : i32 to index
      %swap3A_176 = tpu.vector_load %arg8[%swap3A] {strides = array<i32>} : memref<2048xf32, #tpu.memory_space<vmem>>, vector<16xf32>,
      %swap3A_177 = vector.shape_cast %swap3A_176 : vector<16xf32> to vector<16xf32>
      %swap3A_178 = vector.shape_cast %add3A_173 : vector<16xf32> to vector<16xf32>
      tpu.vector_store %arg8[%swap3A], %swap3A_178 {strides = array<i32>} : memref<2048xf32, #tpu.memory_space<vmem>>, vector<16xf32>,
    }
    %scan3A_55 = arith.constant 128 : i32
    %add3A_56 = arith.constant 98304 : i32
    %add3A_57 = arith.addi %add3A_56, %mul3A_39 : i32
    "tpu.region"() ({
      %run_scoped3A = tpu.sem_alloc : memref<!tpu.dma_semaphore, #tpu.memory_space<semaphore_mem>>
      %dma_start3A = tpu.memref_slice %arg10[%add3A_57] : memref<524288xf32, #tpu.memory_space<vmem_shared>> -> memref<2048xf32, #tpu.memory_space<vmem_shared>>
      %dma_start3A_163 = tpu.memref_slice %arg10[%add3A_57] : memref<524288xf32, #tpu.memory_space<vmem_shared>> -> memref<2048xf32, #tpu.memory_space<vmem_shared>>
      tpu.enqueue_dma source(%dma_start3A_163 : memref<2048xf32, #tpu.memory_space<vmem_shared>>) target(%arg9 : memref<2048xf32, #tpu.memory_space<vmem>>) target_semaphore(%run_scoped3A : memref<!tpu.dma_semaphore, #tpu.memory_space<semaphore_mem>>)
      %dma_wait3A = tpu.memref_slice %arg10[%add3A_57] : memref<524288xf32, #tpu.memory_space<vmem_shared>> -> memref<2048xf32, #tpu.memory_space<vmem_shared>>
      %dma_wait3A_164 = tpu.memref_slice %arg10[%add3A_57] : memref<524288xf32, #tpu.memory_space<vmem_shared>> -> memref<2048xf32, #tpu.memory_space<vmem_shared>>
      tpu.wait_dma2 semaphore(%run_scoped3A : memref<!tpu.dma_semaphore, #tpu.memory_space<semaphore_mem>>) src(%dma_wait3A_164 : memref<2048xf32, #tpu.memory_space<vmem_shared>>) dst(%arg9 : memref<2048xf32, #tpu.memory_space<vmem>>)
      tpu.yield
    }) : () -> ()
    %scan3A_58 = arith.constant 0 : i32
    %scan3A_59 = arith.constant 0 : i32
    %scan3A_60 = arith.constant 128 : i32
    %scan3A_61 = arith.addi %scan3A_59, %scan3A_60 : i32
    %scan3A_62 = arith.constant 1 : i32
    scf.for %scan3A_163 = %scan3A_59 to %scan3A_61 step %scan3A_62  : i32 {
      %mul3A_164 = arith.constant 16 : i32
      %mul3A_165 = arith.muli %scan3A_163, %mul3A_164 : i32
      %get3A = arith.index_cast %mul3A_165 : i32 to index
      %get3A_166 = tpu.vector_load %arg8[%get3A] {strides = array<i32>} : memref<2048xf32, #tpu.memory_space<vmem>>, vector<16xf32>,
      %get3A_167 = vector.shape_cast %get3A_166 : vector<16xf32> to vector<16xf32>
      %mul3A_168 = arith.constant 16 : i32
      %mul3A_169 = arith.muli %scan3A_163, %mul3A_168 : i32
      %get3A_170 = arith.index_cast %mul3A_169 : i32 to index
      %get3A_171 = tpu.vector_load %arg9[%get3A_170] {strides = array<i32>} : memref<2048xf32, #tpu.memory_space<vmem>>, vector<16xf32>,
      %get3A_172 = vector.shape_cast %get3A_171 : vector<16xf32> to vector<16xf32>
      %add3A_173 = arith.addf %get3A_167, %get3A_172 : vector<16xf32>
      %mul3A_174 = arith.constant 16 : i32
      %mul3A_175 = arith.muli %scan3A_163, %mul3A_174 : i32
      %swap3A = arith.index_cast %mul3A_175 : i32 to index
      %swap3A_176 = tpu.vector_load %arg8[%swap3A] {strides = array<i32>} : memref<2048xf32, #tpu.memory_space<vmem>>, vector<16xf32>,
      %swap3A_177 = vector.shape_cast %swap3A_176 : vector<16xf32> to vector<16xf32>
      %swap3A_178 = vector.shape_cast %add3A_173 : vector<16xf32> to vector<16xf32>
      tpu.vector_store %arg8[%swap3A], %swap3A_178 {strides = array<i32>} : memref<2048xf32, #tpu.memory_space<vmem>>, vector<16xf32>,
    }
    %scan3A_63 = arith.constant 128 : i32
    %add3A_64 = arith.constant 131072 : i32
    %add3A_65 = arith.addi %add3A_64, %mul3A_39 : i32
    "tpu.region"() ({
      %run_scoped3A = tpu.sem_alloc : memref<!tpu.dma_semaphore, #tpu.memory_space<semaphore_mem>>
      %dma_start3A = tpu.memref_slice %arg10[%add3A_65] : memref<524288xf32, #tpu.memory_space<vmem_shared>> -> memref<2048xf32, #tpu.memory_space<vmem_shared>>
      %dma_start3A_163 = tpu.memref_slice %arg10[%add3A_65] : memref<524288xf32, #tpu.memory_space<vmem_shared>> -> memref<2048xf32, #tpu.memory_space<vmem_shared>>
      tpu.enqueue_dma source(%dma_start3A_163 : memref<2048xf32, #tpu.memory_space<vmem_shared>>) target(%arg9 : memref<2048xf32, #tpu.memory_space<vmem>>) target_semaphore(%run_scoped3A : memref<!tpu.dma_semaphore, #tpu.memory_space<semaphore_mem>>)
      %dma_wait3A = tpu.memref_slice %arg10[%add3A_65] : memref<524288xf32, #tpu.memory_space<vmem_shared>> -> memref<2048xf32, #tpu.memory_space<vmem_shared>>
      %dma_wait3A_164 = tpu.memref_slice %arg10[%add3A_65] : memref<524288xf32, #tpu.memory_space<vmem_shared>> -> memref<2048xf32, #tpu.memory_space<vmem_shared>>
      tpu.wait_dma2 semaphore(%run_scoped3A : memref<!tpu.dma_semaphore, #tpu.memory_space<semaphore_mem>>) src(%dma_wait3A_164 : memref<2048xf32, #tpu.memory_space<vmem_shared>>) dst(%arg9 : memref<2048xf32, #tpu.memory_space<vmem>>)
      tpu.yield
    }) : () -> ()
    %scan3A_66 = arith.constant 0 : i32
    %scan3A_67 = arith.constant 0 : i32
    %scan3A_68 = arith.constant 128 : i32
    %scan3A_69 = arith.addi %scan3A_67, %scan3A_68 : i32
    %scan3A_70 = arith.constant 1 : i32
    scf.for %scan3A_163 = %scan3A_67 to %scan3A_69 step %scan3A_70  : i32 {
      %mul3A_164 = arith.constant 16 : i32
      %mul3A_165 = arith.muli %scan3A_163, %mul3A_164 : i32
      %get3A = arith.index_cast %mul3A_165 : i32 to index
      %get3A_166 = tpu.vector_load %arg8[%get3A] {strides = array<i32>} : memref<2048xf32, #tpu.memory_space<vmem>>, vector<16xf32>,
      %get3A_167 = vector.shape_cast %get3A_166 : vector<16xf32> to vector<16xf32>
      %mul3A_168 = arith.constant 16 : i32
      %mul3A_169 = arith.muli %scan3A_163, %mul3A_168 : i32
      %get3A_170 = arith.index_cast %mul3A_169 : i32 to index
      %get3A_171 = tpu.vector_load %arg9[%get3A_170] {strides = array<i32>} : memref<2048xf32, #tpu.memory_space<vmem>>, vector<16xf32>,
      %get3A_172 = vector.shape_cast %get3A_171 : vector<16xf32> to vector<16xf32>
      %add3A_173 = arith.addf %get3A_167, %get3A_172 : vector<16xf32>
      %mul3A_174 = arith.constant 16 : i32
      %mul3A_175 = arith.muli %scan3A_163, %mul3A_174 : i32
      %swap3A = arith.index_cast %mul3A_175 : i32 to index
      %swap3A_176 = tpu.vector_load %arg8[%swap3A] {strides = array<i32>} : memref<2048xf32, #tpu.memory_space<vmem>>, vector<16xf32>,
      %swap3A_177 = vector.shape_cast %swap3A_176 : vector<16xf32> to vector<16xf32>
      %swap3A_178 = vector.shape_cast %add3A_173 : vector<16xf32> to vector<16xf32>
      tpu.vector_store %arg8[%swap3A], %swap3A_178 {strides = array<i32>} : memref<2048xf32, #tpu.memory_space<vmem>>, vector<16xf32>,
    }
    %scan3A_71 = arith.constant 128 : i32
    %add3A_72 = arith.constant 163840 : i32
    %add3A_73 = arith.addi %add3A_72, %mul3A_39 : i32
    "tpu.region"() ({
      %run_scoped3A = tpu.sem_alloc : memref<!tpu.dma_semaphore, #tpu.memory_space<semaphore_mem>>
      %dma_start3A = tpu.memref_slice %arg10[%add3A_73] : memref<524288xf32, #tpu.memory_space<vmem_shared>> -> memref<2048xf32, #tpu.memory_space<vmem_shared>>
      %dma_start3A_163 = tpu.memref_slice %arg10[%add3A_73] : memref<524288xf32, #tpu.memory_space<vmem_shared>> -> memref<2048xf32, #tpu.memory_space<vmem_shared>>
      tpu.enqueue_dma source(%dma_start3A_163 : memref<2048xf32, #tpu.memory_space<vmem_shared>>) target(%arg9 : memref<2048xf32, #tpu.memory_space<vmem>>) target_semaphore(%run_scoped3A : memref<!tpu.dma_semaphore, #tpu.memory_space<semaphore_mem>>)
      %dma_wait3A = tpu.memref_slice %arg10[%add3A_73] : memref<524288xf32, #tpu.memory_space<vmem_shared>> -> memref<2048xf32, #tpu.memory_space<vmem_shared>>
      %dma_wait3A_164 = tpu.memref_slice %arg10[%add3A_73] : memref<524288xf32, #tpu.memory_space<vmem_shared>> -> memref<2048xf32, #tpu.memory_space<vmem_shared>>
      tpu.wait_dma2 semaphore(%run_scoped3A : memref<!tpu.dma_semaphore, #tpu.memory_space<semaphore_mem>>) src(%dma_wait3A_164 : memref<2048xf32, #tpu.memory_space<vmem_shared>>) dst(%arg9 : memref<2048xf32, #tpu.memory_space<vmem>>)
      tpu.yield
    }) : () -> ()
    %scan3A_74 = arith.constant 0 : i32
    %scan3A_75 = arith.constant 0 : i32
    %scan3A_76 = arith.constant 128 : i32
    %scan3A_77 = arith.addi %scan3A_75, %scan3A_76 : i32
    %scan3A_78 = arith.constant 1 : i32
    scf.for %scan3A_163 = %scan3A_75 to %scan3A_77 step %scan3A_78  : i32 {
      %mul3A_164 = arith.constant 16 : i32
      %mul3A_165 = arith.muli %scan3A_163, %mul3A_164 : i32
      %get3A = arith.index_cast %mul3A_165 : i32 to index
      %get3A_166 = tpu.vector_load %arg8[%get3A] {strides = array<i32>} : memref<2048xf32, #tpu.memory_space<vmem>>, vector<16xf32>,
      %get3A_167 = vector.shape_cast %get3A_166 : vector<16xf32> to vector<16xf32>
      %mul3A_168 = arith.constant 16 : i32
      %mul3A_169 = arith.muli %scan3A_163, %mul3A_168 : i32
      %get3A_170 = arith.index_cast %mul3A_169 : i32 to index
      %get3A_171 = tpu.vector_load %arg9[%get3A_170] {strides = array<i32>} : memref<2048xf32, #tpu.memory_space<vmem>>, vector<16xf32>,
      %get3A_172 = vector.shape_cast %get3A_171 : vector<16xf32> to vector<16xf32>
      %add3A_173 = arith.addf %get3A_167, %get3A_172 : vector<16xf32>
      %mul3A_174 = arith.constant 16 : i32
      %mul3A_175 = arith.muli %scan3A_163, %mul3A_174 : i32
      %swap3A = arith.index_cast %mul3A_175 : i32 to index
      %swap3A_176 = tpu.vector_load %arg8[%swap3A] {strides = array<i32>} : memref<2048xf32, #tpu.memory_space<vmem>>, vector<16xf32>,
      %swap3A_177 = vector.shape_cast %swap3A_176 : vector<16xf32> to vector<16xf32>
      %swap3A_178 = vector.shape_cast %add3A_173 : vector<16xf32> to vector<16xf32>
      tpu.vector_store %arg8[%swap3A], %swap3A_178 {strides = array<i32>} : memref<2048xf32, #tpu.memory_space<vmem>>, vector<16xf32>,
    }
    %scan3A_79 = arith.constant 128 : i32
    %add3A_80 = arith.constant 196608 : i32
    %add3A_81 = arith.addi %add3A_80, %mul3A_39 : i32
    "tpu.region"() ({
      %run_scoped3A = tpu.sem_alloc : memref<!tpu.dma_semaphore, #tpu.memory_space<semaphore_mem>>
      %dma_start3A = tpu.memref_slice %arg10[%add3A_81] : memref<524288xf32, #tpu.memory_space<vmem_shared>> -> memref<2048xf32, #tpu.memory_space<vmem_shared>>
      %dma_start3A_163 = tpu.memref_slice %arg10[%add3A_81] : memref<524288xf32, #tpu.memory_space<vmem_shared>> -> memref<2048xf32, #tpu.memory_space<vmem_shared>>
      tpu.enqueue_dma source(%dma_start3A_163 : memref<2048xf32, #tpu.memory_space<vmem_shared>>) target(%arg9 : memref<2048xf32, #tpu.memory_space<vmem>>) target_semaphore(%run_scoped3A : memref<!tpu.dma_semaphore, #tpu.memory_space<semaphore_mem>>)
      %dma_wait3A = tpu.memref_slice %arg10[%add3A_81] : memref<524288xf32, #tpu.memory_space<vmem_shared>> -> memref<2048xf32, #tpu.memory_space<vmem_shared>>
      %dma_wait3A_164 = tpu.memref_slice %arg10[%add3A_81] : memref<524288xf32, #tpu.memory_space<vmem_shared>> -> memref<2048xf32, #tpu.memory_space<vmem_shared>>
      tpu.wait_dma2 semaphore(%run_scoped3A : memref<!tpu.dma_semaphore, #tpu.memory_space<semaphore_mem>>) src(%dma_wait3A_164 : memref<2048xf32, #tpu.memory_space<vmem_shared>>) dst(%arg9 : memref<2048xf32, #tpu.memory_space<vmem>>)
      tpu.yield
    }) : () -> ()
    %scan3A_82 = arith.constant 0 : i32
    %scan3A_83 = arith.constant 0 : i32
    %scan3A_84 = arith.constant 128 : i32
    %scan3A_85 = arith.addi %scan3A_83, %scan3A_84 : i32
    %scan3A_86 = arith.constant 1 : i32
    scf.for %scan3A_163 = %scan3A_83 to %scan3A_85 step %scan3A_86  : i32 {
      %mul3A_164 = arith.constant 16 : i32
      %mul3A_165 = arith.muli %scan3A_163, %mul3A_164 : i32
      %get3A = arith.index_cast %mul3A_165 : i32 to index
      %get3A_166 = tpu.vector_load %arg8[%get3A] {strides = array<i32>} : memref<2048xf32, #tpu.memory_space<vmem>>, vector<16xf32>,
      %get3A_167 = vector.shape_cast %get3A_166 : vector<16xf32> to vector<16xf32>
      %mul3A_168 = arith.constant 16 : i32
      %mul3A_169 = arith.muli %scan3A_163, %mul3A_168 : i32
      %get3A_170 = arith.index_cast %mul3A_169 : i32 to index
      %get3A_171 = tpu.vector_load %arg9[%get3A_170] {strides = array<i32>} : memref<2048xf32, #tpu.memory_space<vmem>>, vector<16xf32>,
      %get3A_172 = vector.shape_cast %get3A_171 : vector<16xf32> to vector<16xf32>
      %add3A_173 = arith.addf %get3A_167, %get3A_172 : vector<16xf32>
      %mul3A_174 = arith.constant 16 : i32
      %mul3A_175 = arith.muli %scan3A_163, %mul3A_174 : i32
      %swap3A = arith.index_cast %mul3A_175 : i32 to index
      %swap3A_176 = tpu.vector_load %arg8[%swap3A] {strides = array<i32>} : memref<2048xf32, #tpu.memory_space<vmem>>, vector<16xf32>,
      %swap3A_177 = vector.shape_cast %swap3A_176 : vector<16xf32> to vector<16xf32>
      %swap3A_178 = vector.shape_cast %add3A_173 : vector<16xf32> to vector<16xf32>
      tpu.vector_store %arg8[%swap3A], %swap3A_178 {strides = array<i32>} : memref<2048xf32, #tpu.memory_space<vmem>>, vector<16xf32>,
    }
    %scan3A_87 = arith.constant 128 : i32
    %add3A_88 = arith.constant 229376 : i32
    %add3A_89 = arith.addi %add3A_88, %mul3A_39 : i32
    "tpu.region"() ({
      %run_scoped3A = tpu.sem_alloc : memref<!tpu.dma_semaphore, #tpu.memory_space<semaphore_mem>>
      %dma_start3A = tpu.memref_slice %arg10[%add3A_89] : memref<524288xf32, #tpu.memory_space<vmem_shared>> -> memref<2048xf32, #tpu.memory_space<vmem_shared>>
      %dma_start3A_163 = tpu.memref_slice %arg10[%add3A_89] : memref<524288xf32, #tpu.memory_space<vmem_shared>> -> memref<2048xf32, #tpu.memory_space<vmem_shared>>
      tpu.enqueue_dma source(%dma_start3A_163 : memref<2048xf32, #tpu.memory_space<vmem_shared>>) target(%arg9 : memref<2048xf32, #tpu.memory_space<vmem>>) target_semaphore(%run_scoped3A : memref<!tpu.dma_semaphore, #tpu.memory_space<semaphore_mem>>)
      %dma_wait3A = tpu.memref_slice %arg10[%add3A_89] : memref<524288xf32, #tpu.memory_space<vmem_shared>> -> memref<2048xf32, #tpu.memory_space<vmem_shared>>
      %dma_wait3A_164 = tpu.memref_slice %arg10[%add3A_89] : memref<524288xf32, #tpu.memory_space<vmem_shared>> -> memref<2048xf32, #tpu.memory_space<vmem_shared>>
      tpu.wait_dma2 semaphore(%run_scoped3A : memref<!tpu.dma_semaphore, #tpu.memory_space<semaphore_mem>>) src(%dma_wait3A_164 : memref<2048xf32, #tpu.memory_space<vmem_shared>>) dst(%arg9 : memref<2048xf32, #tpu.memory_space<vmem>>)
      tpu.yield
    }) : () -> ()
    %scan3A_90 = arith.constant 0 : i32
    %scan3A_91 = arith.constant 0 : i32
    %scan3A_92 = arith.constant 128 : i32
    %scan3A_93 = arith.addi %scan3A_91, %scan3A_92 : i32
    %scan3A_94 = arith.constant 1 : i32
    scf.for %scan3A_163 = %scan3A_91 to %scan3A_93 step %scan3A_94  : i32 {
      %mul3A_164 = arith.constant 16 : i32
      %mul3A_165 = arith.muli %scan3A_163, %mul3A_164 : i32
      %get3A = arith.index_cast %mul3A_165 : i32 to index
      %get3A_166 = tpu.vector_load %arg8[%get3A] {strides = array<i32>} : memref<2048xf32, #tpu.memory_space<vmem>>, vector<16xf32>,
      %get3A_167 = vector.shape_cast %get3A_166 : vector<16xf32> to vector<16xf32>
      %mul3A_168 = arith.constant 16 : i32
      %mul3A_169 = arith.muli %scan3A_163, %mul3A_168 : i32
      %get3A_170 = arith.index_cast %mul3A_169 : i32 to index
      %get3A_171 = tpu.vector_load %arg9[%get3A_170] {strides = array<i32>} : memref<2048xf32, #tpu.memory_space<vmem>>, vector<16xf32>,
      %get3A_172 = vector.shape_cast %get3A_171 : vector<16xf32> to vector<16xf32>
      %add3A_173 = arith.addf %get3A_167, %get3A_172 : vector<16xf32>
      %mul3A_174 = arith.constant 16 : i32
      %mul3A_175 = arith.muli %scan3A_163, %mul3A_174 : i32
      %swap3A = arith.index_cast %mul3A_175 : i32 to index
      %swap3A_176 = tpu.vector_load %arg8[%swap3A] {strides = array<i32>} : memref<2048xf32, #tpu.memory_space<vmem>>, vector<16xf32>,
      %swap3A_177 = vector.shape_cast %swap3A_176 : vector<16xf32> to vector<16xf32>
      %swap3A_178 = vector.shape_cast %add3A_173 : vector<16xf32> to vector<16xf32>
      tpu.vector_store %arg8[%swap3A], %swap3A_178 {strides = array<i32>} : memref<2048xf32, #tpu.memory_space<vmem>>, vector<16xf32>,
    }
    %scan3A_95 = arith.constant 128 : i32
    %add3A_96 = arith.constant 262144 : i32
    %add3A_97 = arith.addi %add3A_96, %mul3A_39 : i32
    "tpu.region"() ({
      %run_scoped3A = tpu.sem_alloc : memref<!tpu.dma_semaphore, #tpu.memory_space<semaphore_mem>>
      %dma_start3A = tpu.memref_slice %arg10[%add3A_97] : memref<524288xf32, #tpu.memory_space<vmem_shared>> -> memref<2048xf32, #tpu.memory_space<vmem_shared>>
      %dma_start3A_163 = tpu.memref_slice %arg10[%add3A_97] : memref<524288xf32, #tpu.memory_space<vmem_shared>> -> memref<2048xf32, #tpu.memory_space<vmem_shared>>
      tpu.enqueue_dma source(%dma_start3A_163 : memref<2048xf32, #tpu.memory_space<vmem_shared>>) target(%arg9 : memref<2048xf32, #tpu.memory_space<vmem>>) target_semaphore(%run_scoped3A : memref<!tpu.dma_semaphore, #tpu.memory_space<semaphore_mem>>)
      %dma_wait3A = tpu.memref_slice %arg10[%add3A_97] : memref<524288xf32, #tpu.memory_space<vmem_shared>> -> memref<2048xf32, #tpu.memory_space<vmem_shared>>
      %dma_wait3A_164 = tpu.memref_slice %arg10[%add3A_97] : memref<524288xf32, #tpu.memory_space<vmem_shared>> -> memref<2048xf32, #tpu.memory_space<vmem_shared>>
      tpu.wait_dma2 semaphore(%run_scoped3A : memref<!tpu.dma_semaphore, #tpu.memory_space<semaphore_mem>>) src(%dma_wait3A_164 : memref<2048xf32, #tpu.memory_space<vmem_shared>>) dst(%arg9 : memref<2048xf32, #tpu.memory_space<vmem>>)
      tpu.yield
    }) : () -> ()
    %scan3A_98 = arith.constant 0 : i32
    %scan3A_99 = arith.constant 0 : i32
    %scan3A_100 = arith.constant 128 : i32
    %scan3A_101 = arith.addi %scan3A_99, %scan3A_100 : i32
    %scan3A_102 = arith.constant 1 : i32
    scf.for %scan3A_163 = %scan3A_99 to %scan3A_101 step %scan3A_102  : i32 {
      %mul3A_164 = arith.constant 16 : i32
      %mul3A_165 = arith.muli %scan3A_163, %mul3A_164 : i32
      %get3A = arith.index_cast %mul3A_165 : i32 to index
      %get3A_166 = tpu.vector_load %arg8[%get3A] {strides = array<i32>} : memref<2048xf32, #tpu.memory_space<vmem>>, vector<16xf32>,
      %get3A_167 = vector.shape_cast %get3A_166 : vector<16xf32> to vector<16xf32>
      %mul3A_168 = arith.constant 16 : i32
      %mul3A_169 = arith.muli %scan3A_163, %mul3A_168 : i32
      %get3A_170 = arith.index_cast %mul3A_169 : i32 to index
      %get3A_171 = tpu.vector_load %arg9[%get3A_170] {strides = array<i32>} : memref<2048xf32, #tpu.memory_space<vmem>>, vector<16xf32>,
      %get3A_172 = vector.shape_cast %get3A_171 : vector<16xf32> to vector<16xf32>
      %add3A_173 = arith.addf %get3A_167, %get3A_172 : vector<16xf32>
      %mul3A_174 = arith.constant 16 : i32
      %mul3A_175 = arith.muli %scan3A_163, %mul3A_174 : i32
      %swap3A = arith.index_cast %mul3A_175 : i32 to index
      %swap3A_176 = tpu.vector_load %arg8[%swap3A] {strides = array<i32>} : memref<2048xf32, #tpu.memory_space<vmem>>, vector<16xf32>,
      %swap3A_177 = vector.shape_cast %swap3A_176 : vector<16xf32> to vector<16xf32>
      %swap3A_178 = vector.shape_cast %add3A_173 : vector<16xf32> to vector<16xf32>
      tpu.vector_store %arg8[%swap3A], %swap3A_178 {strides = array<i32>} : memref<2048xf32, #tpu.memory_space<vmem>>, vector<16xf32>,
    }
    %scan3A_103 = arith.constant 128 : i32
    %add3A_104 = arith.constant 294912 : i32
    %add3A_105 = arith.addi %add3A_104, %mul3A_39 : i32
    "tpu.region"() ({
      %run_scoped3A = tpu.sem_alloc : memref<!tpu.dma_semaphore, #tpu.memory_space<semaphore_mem>>
      %dma_start3A = tpu.memref_slice %arg10[%add3A_105] : memref<524288xf32, #tpu.memory_space<vmem_shared>> -> memref<2048xf32, #tpu.memory_space<vmem_shared>>
      %dma_start3A_163 = tpu.memref_slice %arg10[%add3A_105] : memref<524288xf32, #tpu.memory_space<vmem_shared>> -> memref<2048xf32, #tpu.memory_space<vmem_shared>>
      tpu.enqueue_dma source(%dma_start3A_163 : memref<2048xf32, #tpu.memory_space<vmem_shared>>) target(%arg9 : memref<2048xf32, #tpu.memory_space<vmem>>) target_semaphore(%run_scoped3A : memref<!tpu.dma_semaphore, #tpu.memory_space<semaphore_mem>>)
      %dma_wait3A = tpu.memref_slice %arg10[%add3A_105] : memref<524288xf32, #tpu.memory_space<vmem_shared>> -> memref<2048xf32, #tpu.memory_space<vmem_shared>>
      %dma_wait3A_164 = tpu.memref_slice %arg10[%add3A_105] : memref<524288xf32, #tpu.memory_space<vmem_shared>> -> memref<2048xf32, #tpu.memory_space<vmem_shared>>
      tpu.wait_dma2 semaphore(%run_scoped3A : memref<!tpu.dma_semaphore, #tpu.memory_space<semaphore_mem>>) src(%dma_wait3A_164 : memref<2048xf32, #tpu.memory_space<vmem_shared>>) dst(%arg9 : memref<2048xf32, #tpu.memory_space<vmem>>)
      tpu.yield
    }) : () -> ()
    %scan3A_106 = arith.constant 0 : i32
    %scan3A_107 = arith.constant 0 : i32
    %scan3A_108 = arith.constant 128 : i32
    %scan3A_109 = arith.addi %scan3A_107, %scan3A_108 : i32
    %scan3A_110 = arith.constant 1 : i32
    scf.for %scan3A_163 = %scan3A_107 to %scan3A_109 step %scan3A_110  : i32 {
      %mul3A_164 = arith.constant 16 : i32
      %mul3A_165 = arith.muli %scan3A_163, %mul3A_164 : i32
      %get3A = arith.index_cast %mul3A_165 : i32 to index
      %get3A_166 = tpu.vector_load %arg8[%get3A] {strides = array<i32>} : memref<2048xf32, #tpu.memory_space<vmem>>, vector<16xf32>,
      %get3A_167 = vector.shape_cast %get3A_166 : vector<16xf32> to vector<16xf32>
      %mul3A_168 = arith.constant 16 : i32
      %mul3A_169 = arith.muli %scan3A_163, %mul3A_168 : i32
      %get3A_170 = arith.index_cast %mul3A_169 : i32 to index
      %get3A_171 = tpu.vector_load %arg9[%get3A_170] {strides = array<i32>} : memref<2048xf32, #tpu.memory_space<vmem>>, vector<16xf32>,
      %get3A_172 = vector.shape_cast %get3A_171 : vector<16xf32> to vector<16xf32>
      %add3A_173 = arith.addf %get3A_167, %get3A_172 : vector<16xf32>
      %mul3A_174 = arith.constant 16 : i32
      %mul3A_175 = arith.muli %scan3A_163, %mul3A_174 : i32
      %swap3A = arith.index_cast %mul3A_175 : i32 to index
      %swap3A_176 = tpu.vector_load %arg8[%swap3A] {strides = array<i32>} : memref<2048xf32, #tpu.memory_space<vmem>>, vector<16xf32>,
      %swap3A_177 = vector.shape_cast %swap3A_176 : vector<16xf32> to vector<16xf32>
      %swap3A_178 = vector.shape_cast %add3A_173 : vector<16xf32> to vector<16xf32>
      tpu.vector_store %arg8[%swap3A], %swap3A_178 {strides = array<i32>} : memref<2048xf32, #tpu.memory_space<vmem>>, vector<16xf32>,
    }
    %scan3A_111 = arith.constant 128 : i32
    %add3A_112 = arith.constant 327680 : i32
    %add3A_113 = arith.addi %add3A_112, %mul3A_39 : i32
    "tpu.region"() ({
      %run_scoped3A = tpu.sem_alloc : memref<!tpu.dma_semaphore, #tpu.memory_space<semaphore_mem>>
      %dma_start3A = tpu.memref_slice %arg10[%add3A_113] : memref<524288xf32, #tpu.memory_space<vmem_shared>> -> memref<2048xf32, #tpu.memory_space<vmem_shared>>
      %dma_start3A_163 = tpu.memref_slice %arg10[%add3A_113] : memref<524288xf32, #tpu.memory_space<vmem_shared>> -> memref<2048xf32, #tpu.memory_space<vmem_shared>>
      tpu.enqueue_dma source(%dma_start3A_163 : memref<2048xf32, #tpu.memory_space<vmem_shared>>) target(%arg9 : memref<2048xf32, #tpu.memory_space<vmem>>) target_semaphore(%run_scoped3A : memref<!tpu.dma_semaphore, #tpu.memory_space<semaphore_mem>>)
      %dma_wait3A = tpu.memref_slice %arg10[%add3A_113] : memref<524288xf32, #tpu.memory_space<vmem_shared>> -> memref<2048xf32, #tpu.memory_space<vmem_shared>>
      %dma_wait3A_164 = tpu.memref_slice %arg10[%add3A_113] : memref<524288xf32, #tpu.memory_space<vmem_shared>> -> memref<2048xf32, #tpu.memory_space<vmem_shared>>
      tpu.wait_dma2 semaphore(%run_scoped3A : memref<!tpu.dma_semaphore, #tpu.memory_space<semaphore_mem>>) src(%dma_wait3A_164 : memref<2048xf32, #tpu.memory_space<vmem_shared>>) dst(%arg9 : memref<2048xf32, #tpu.memory_space<vmem>>)
      tpu.yield
    }) : () -> ()
    %scan3A_114 = arith.constant 0 : i32
    %scan3A_115 = arith.constant 0 : i32
    %scan3A_116 = arith.constant 128 : i32
    %scan3A_117 = arith.addi %scan3A_115, %scan3A_116 : i32
    %scan3A_118 = arith.constant 1 : i32
    scf.for %scan3A_163 = %scan3A_115 to %scan3A_117 step %scan3A_118  : i32 {
      %mul3A_164 = arith.constant 16 : i32
      %mul3A_165 = arith.muli %scan3A_163, %mul3A_164 : i32
      %get3A = arith.index_cast %mul3A_165 : i32 to index
      %get3A_166 = tpu.vector_load %arg8[%get3A] {strides = array<i32>} : memref<2048xf32, #tpu.memory_space<vmem>>, vector<16xf32>,
      %get3A_167 = vector.shape_cast %get3A_166 : vector<16xf32> to vector<16xf32>
      %mul3A_168 = arith.constant 16 : i32
      %mul3A_169 = arith.muli %scan3A_163, %mul3A_168 : i32
      %get3A_170 = arith.index_cast %mul3A_169 : i32 to index
      %get3A_171 = tpu.vector_load %arg9[%get3A_170] {strides = array<i32>} : memref<2048xf32, #tpu.memory_space<vmem>>, vector<16xf32>,
      %get3A_172 = vector.shape_cast %get3A_171 : vector<16xf32> to vector<16xf32>
      %add3A_173 = arith.addf %get3A_167, %get3A_172 : vector<16xf32>
      %mul3A_174 = arith.constant 16 : i32
      %mul3A_175 = arith.muli %scan3A_163, %mul3A_174 : i32
      %swap3A = arith.index_cast %mul3A_175 : i32 to index
      %swap3A_176 = tpu.vector_load %arg8[%swap3A] {strides = array<i32>} : memref<2048xf32, #tpu.memory_space<vmem>>, vector<16xf32>,
      %swap3A_177 = vector.shape_cast %swap3A_176 : vector<16xf32> to vector<16xf32>
      %swap3A_178 = vector.shape_cast %add3A_173 : vector<16xf32> to vector<16xf32>
      tpu.vector_store %arg8[%swap3A], %swap3A_178 {strides = array<i32>} : memref<2048xf32, #tpu.memory_space<vmem>>, vector<16xf32>,
    }
    %scan3A_119 = arith.constant 128 : i32
    %add3A_120 = arith.constant 360448 : i32
    %add3A_121 = arith.addi %add3A_120, %mul3A_39 : i32
    "tpu.region"() ({
      %run_scoped3A = tpu.sem_alloc : memref<!tpu.dma_semaphore, #tpu.memory_space<semaphore_mem>>
      %dma_start3A = tpu.memref_slice %arg10[%add3A_121] : memref<524288xf32, #tpu.memory_space<vmem_shared>> -> memref<2048xf32, #tpu.memory_space<vmem_shared>>
      %dma_start3A_163 = tpu.memref_slice %arg10[%add3A_121] : memref<524288xf32, #tpu.memory_space<vmem_shared>> -> memref<2048xf32, #tpu.memory_space<vmem_shared>>
      tpu.enqueue_dma source(%dma_start3A_163 : memref<2048xf32, #tpu.memory_space<vmem_shared>>) target(%arg9 : memref<2048xf32, #tpu.memory_space<vmem>>) target_semaphore(%run_scoped3A : memref<!tpu.dma_semaphore, #tpu.memory_space<semaphore_mem>>)
      %dma_wait3A = tpu.memref_slice %arg10[%add3A_121] : memref<524288xf32, #tpu.memory_space<vmem_shared>> -> memref<2048xf32, #tpu.memory_space<vmem_shared>>
      %dma_wait3A_164 = tpu.memref_slice %arg10[%add3A_121] : memref<524288xf32, #tpu.memory_space<vmem_shared>> -> memref<2048xf32, #tpu.memory_space<vmem_shared>>
      tpu.wait_dma2 semaphore(%run_scoped3A : memref<!tpu.dma_semaphore, #tpu.memory_space<semaphore_mem>>) src(%dma_wait3A_164 : memref<2048xf32, #tpu.memory_space<vmem_shared>>) dst(%arg9 : memref<2048xf32, #tpu.memory_space<vmem>>)
      tpu.yield
    }) : () -> ()
    %scan3A_122 = arith.constant 0 : i32
    %scan3A_123 = arith.constant 0 : i32
    %scan3A_124 = arith.constant 128 : i32
    %scan3A_125 = arith.addi %scan3A_123, %scan3A_124 : i32
    %scan3A_126 = arith.constant 1 : i32
    scf.for %scan3A_163 = %scan3A_123 to %scan3A_125 step %scan3A_126  : i32 {
      %mul3A_164 = arith.constant 16 : i32
      %mul3A_165 = arith.muli %scan3A_163, %mul3A_164 : i32
      %get3A = arith.index_cast %mul3A_165 : i32 to index
      %get3A_166 = tpu.vector_load %arg8[%get3A] {strides = array<i32>} : memref<2048xf32, #tpu.memory_space<vmem>>, vector<16xf32>,
      %get3A_167 = vector.shape_cast %get3A_166 : vector<16xf32> to vector<16xf32>
      %mul3A_168 = arith.constant 16 : i32
      %mul3A_169 = arith.muli %scan3A_163, %mul3A_168 : i32
      %get3A_170 = arith.index_cast %mul3A_169 : i32 to index
      %get3A_171 = tpu.vector_load %arg9[%get3A_170] {strides = array<i32>} : memref<2048xf32, #tpu.memory_space<vmem>>, vector<16xf32>,
      %get3A_172 = vector.shape_cast %get3A_171 : vector<16xf32> to vector<16xf32>
      %add3A_173 = arith.addf %get3A_167, %get3A_172 : vector<16xf32>
      %mul3A_174 = arith.constant 16 : i32
      %mul3A_175 = arith.muli %scan3A_163, %mul3A_174 : i32
      %swap3A = arith.index_cast %mul3A_175 : i32 to index
      %swap3A_176 = tpu.vector_load %arg8[%swap3A] {strides = array<i32>} : memref<2048xf32, #tpu.memory_space<vmem>>, vector<16xf32>,
      %swap3A_177 = vector.shape_cast %swap3A_176 : vector<16xf32> to vector<16xf32>
      %swap3A_178 = vector.shape_cast %add3A_173 : vector<16xf32> to vector<16xf32>
      tpu.vector_store %arg8[%swap3A], %swap3A_178 {strides = array<i32>} : memref<2048xf32, #tpu.memory_space<vmem>>, vector<16xf32>,
    }
    %scan3A_127 = arith.constant 128 : i32
    %add3A_128 = arith.constant 393216 : i32
    %add3A_129 = arith.addi %add3A_128, %mul3A_39 : i32
    "tpu.region"() ({
      %run_scoped3A = tpu.sem_alloc : memref<!tpu.dma_semaphore, #tpu.memory_space<semaphore_mem>>
      %dma_start3A = tpu.memref_slice %arg10[%add3A_129] : memref<524288xf32, #tpu.memory_space<vmem_shared>> -> memref<2048xf32, #tpu.memory_space<vmem_shared>>
      %dma_start3A_163 = tpu.memref_slice %arg10[%add3A_129] : memref<524288xf32, #tpu.memory_space<vmem_shared>> -> memref<2048xf32, #tpu.memory_space<vmem_shared>>
      tpu.enqueue_dma source(%dma_start3A_163 : memref<2048xf32, #tpu.memory_space<vmem_shared>>) target(%arg9 : memref<2048xf32, #tpu.memory_space<vmem>>) target_semaphore(%run_scoped3A : memref<!tpu.dma_semaphore, #tpu.memory_space<semaphore_mem>>)
      %dma_wait3A = tpu.memref_slice %arg10[%add3A_129] : memref<524288xf32, #tpu.memory_space<vmem_shared>> -> memref<2048xf32, #tpu.memory_space<vmem_shared>>
      %dma_wait3A_164 = tpu.memref_slice %arg10[%add3A_129] : memref<524288xf32, #tpu.memory_space<vmem_shared>> -> memref<2048xf32, #tpu.memory_space<vmem_shared>>
      tpu.wait_dma2 semaphore(%run_scoped3A : memref<!tpu.dma_semaphore, #tpu.memory_space<semaphore_mem>>) src(%dma_wait3A_164 : memref<2048xf32, #tpu.memory_space<vmem_shared>>) dst(%arg9 : memref<2048xf32, #tpu.memory_space<vmem>>)
      tpu.yield
    }) : () -> ()
    %scan3A_130 = arith.constant 0 : i32
    %scan3A_131 = arith.constant 0 : i32
    %scan3A_132 = arith.constant 128 : i32
    %scan3A_133 = arith.addi %scan3A_131, %scan3A_132 : i32
    %scan3A_134 = arith.constant 1 : i32
    scf.for %scan3A_163 = %scan3A_131 to %scan3A_133 step %scan3A_134  : i32 {
      %mul3A_164 = arith.constant 16 : i32
      %mul3A_165 = arith.muli %scan3A_163, %mul3A_164 : i32
      %get3A = arith.index_cast %mul3A_165 : i32 to index
      %get3A_166 = tpu.vector_load %arg8[%get3A] {strides = array<i32>} : memref<2048xf32, #tpu.memory_space<vmem>>, vector<16xf32>,
      %get3A_167 = vector.shape_cast %get3A_166 : vector<16xf32> to vector<16xf32>
      %mul3A_168 = arith.constant 16 : i32
      %mul3A_169 = arith.muli %scan3A_163, %mul3A_168 : i32
      %get3A_170 = arith.index_cast %mul3A_169 : i32 to index
      %get3A_171 = tpu.vector_load %arg9[%get3A_170] {strides = array<i32>} : memref<2048xf32, #tpu.memory_space<vmem>>, vector<16xf32>,
      %get3A_172 = vector.shape_cast %get3A_171 : vector<16xf32> to vector<16xf32>
      %add3A_173 = arith.addf %get3A_167, %get3A_172 : vector<16xf32>
      %mul3A_174 = arith.constant 16 : i32
      %mul3A_175 = arith.muli %scan3A_163, %mul3A_174 : i32
      %swap3A = arith.index_cast %mul3A_175 : i32 to index
      %swap3A_176 = tpu.vector_load %arg8[%swap3A] {strides = array<i32>} : memref<2048xf32, #tpu.memory_space<vmem>>, vector<16xf32>,
      %swap3A_177 = vector.shape_cast %swap3A_176 : vector<16xf32> to vector<16xf32>
      %swap3A_178 = vector.shape_cast %add3A_173 : vector<16xf32> to vector<16xf32>
      tpu.vector_store %arg8[%swap3A], %swap3A_178 {strides = array<i32>} : memref<2048xf32, #tpu.memory_space<vmem>>, vector<16xf32>,
    }
    %scan3A_135 = arith.constant 128 : i32
    %add3A_136 = arith.constant 425984 : i32
    %add3A_137 = arith.addi %add3A_136, %mul3A_39 : i32
    "tpu.region"() ({
      %run_scoped3A = tpu.sem_alloc : memref<!tpu.dma_semaphore, #tpu.memory_space<semaphore_mem>>
      %dma_start3A = tpu.memref_slice %arg10[%add3A_137] : memref<524288xf32, #tpu.memory_space<vmem_shared>> -> memref<2048xf32, #tpu.memory_space<vmem_shared>>
      %dma_start3A_163 = tpu.memref_slice %arg10[%add3A_137] : memref<524288xf32, #tpu.memory_space<vmem_shared>> -> memref<2048xf32, #tpu.memory_space<vmem_shared>>
      tpu.enqueue_dma source(%dma_start3A_163 : memref<2048xf32, #tpu.memory_space<vmem_shared>>) target(%arg9 : memref<2048xf32, #tpu.memory_space<vmem>>) target_semaphore(%run_scoped3A : memref<!tpu.dma_semaphore, #tpu.memory_space<semaphore_mem>>)
      %dma_wait3A = tpu.memref_slice %arg10[%add3A_137] : memref<524288xf32, #tpu.memory_space<vmem_shared>> -> memref<2048xf32, #tpu.memory_space<vmem_shared>>
      %dma_wait3A_164 = tpu.memref_slice %arg10[%add3A_137] : memref<524288xf32, #tpu.memory_space<vmem_shared>> -> memref<2048xf32, #tpu.memory_space<vmem_shared>>
      tpu.wait_dma2 semaphore(%run_scoped3A : memref<!tpu.dma_semaphore, #tpu.memory_space<semaphore_mem>>) src(%dma_wait3A_164 : memref<2048xf32, #tpu.memory_space<vmem_shared>>) dst(%arg9 : memref<2048xf32, #tpu.memory_space<vmem>>)
      tpu.yield
    }) : () -> ()
    %scan3A_138 = arith.constant 0 : i32
    %scan3A_139 = arith.constant 0 : i32
    %scan3A_140 = arith.constant 128 : i32
    %scan3A_141 = arith.addi %scan3A_139, %scan3A_140 : i32
    %scan3A_142 = arith.constant 1 : i32
    scf.for %scan3A_163 = %scan3A_139 to %scan3A_141 step %scan3A_142  : i32 {
      %mul3A_164 = arith.constant 16 : i32
      %mul3A_165 = arith.muli %scan3A_163, %mul3A_164 : i32
      %get3A = arith.index_cast %mul3A_165 : i32 to index
      %get3A_166 = tpu.vector_load %arg8[%get3A] {strides = array<i32>} : memref<2048xf32, #tpu.memory_space<vmem>>, vector<16xf32>,
      %get3A_167 = vector.shape_cast %get3A_166 : vector<16xf32> to vector<16xf32>
      %mul3A_168 = arith.constant 16 : i32
      %mul3A_169 = arith.muli %scan3A_163, %mul3A_168 : i32
      %get3A_170 = arith.index_cast %mul3A_169 : i32 to index
      %get3A_171 = tpu.vector_load %arg9[%get3A_170] {strides = array<i32>} : memref<2048xf32, #tpu.memory_space<vmem>>, vector<16xf32>,
      %get3A_172 = vector.shape_cast %get3A_171 : vector<16xf32> to vector<16xf32>
      %add3A_173 = arith.addf %get3A_167, %get3A_172 : vector<16xf32>
      %mul3A_174 = arith.constant 16 : i32
      %mul3A_175 = arith.muli %scan3A_163, %mul3A_174 : i32
      %swap3A = arith.index_cast %mul3A_175 : i32 to index
      %swap3A_176 = tpu.vector_load %arg8[%swap3A] {strides = array<i32>} : memref<2048xf32, #tpu.memory_space<vmem>>, vector<16xf32>,
      %swap3A_177 = vector.shape_cast %swap3A_176 : vector<16xf32> to vector<16xf32>
      %swap3A_178 = vector.shape_cast %add3A_173 : vector<16xf32> to vector<16xf32>
      tpu.vector_store %arg8[%swap3A], %swap3A_178 {strides = array<i32>} : memref<2048xf32, #tpu.memory_space<vmem>>, vector<16xf32>,
    }
    %scan3A_143 = arith.constant 128 : i32
    %add3A_144 = arith.constant 458752 : i32
    %add3A_145 = arith.addi %add3A_144, %mul3A_39 : i32
    "tpu.region"() ({
      %run_scoped3A = tpu.sem_alloc : memref<!tpu.dma_semaphore, #tpu.memory_space<semaphore_mem>>
      %dma_start3A = tpu.memref_slice %arg10[%add3A_145] : memref<524288xf32, #tpu.memory_space<vmem_shared>> -> memref<2048xf32, #tpu.memory_space<vmem_shared>>
      %dma_start3A_163 = tpu.memref_slice %arg10[%add3A_145] : memref<524288xf32, #tpu.memory_space<vmem_shared>> -> memref<2048xf32, #tpu.memory_space<vmem_shared>>
      tpu.enqueue_dma source(%dma_start3A_163 : memref<2048xf32, #tpu.memory_space<vmem_shared>>) target(%arg9 : memref<2048xf32, #tpu.memory_space<vmem>>) target_semaphore(%run_scoped3A : memref<!tpu.dma_semaphore, #tpu.memory_space<semaphore_mem>>)
      %dma_wait3A = tpu.memref_slice %arg10[%add3A_145] : memref<524288xf32, #tpu.memory_space<vmem_shared>> -> memref<2048xf32, #tpu.memory_space<vmem_shared>>
      %dma_wait3A_164 = tpu.memref_slice %arg10[%add3A_145] : memref<524288xf32, #tpu.memory_space<vmem_shared>> -> memref<2048xf32, #tpu.memory_space<vmem_shared>>
      tpu.wait_dma2 semaphore(%run_scoped3A : memref<!tpu.dma_semaphore, #tpu.memory_space<semaphore_mem>>) src(%dma_wait3A_164 : memref<2048xf32, #tpu.memory_space<vmem_shared>>) dst(%arg9 : memref<2048xf32, #tpu.memory_space<vmem>>)
      tpu.yield
    }) : () -> ()
    %scan3A_146 = arith.constant 0 : i32
    %scan3A_147 = arith.constant 0 : i32
    %scan3A_148 = arith.constant 128 : i32
    %scan3A_149 = arith.addi %scan3A_147, %scan3A_148 : i32
    %scan3A_150 = arith.constant 1 : i32
    scf.for %scan3A_163 = %scan3A_147 to %scan3A_149 step %scan3A_150  : i32 {
      %mul3A_164 = arith.constant 16 : i32
      %mul3A_165 = arith.muli %scan3A_163, %mul3A_164 : i32
      %get3A = arith.index_cast %mul3A_165 : i32 to index
      %get3A_166 = tpu.vector_load %arg8[%get3A] {strides = array<i32>} : memref<2048xf32, #tpu.memory_space<vmem>>, vector<16xf32>,
      %get3A_167 = vector.shape_cast %get3A_166 : vector<16xf32> to vector<16xf32>
      %mul3A_168 = arith.constant 16 : i32
      %mul3A_169 = arith.muli %scan3A_163, %mul3A_168 : i32
      %get3A_170 = arith.index_cast %mul3A_169 : i32 to index
      %get3A_171 = tpu.vector_load %arg9[%get3A_170] {strides = array<i32>} : memref<2048xf32, #tpu.memory_space<vmem>>, vector<16xf32>,
      %get3A_172 = vector.shape_cast %get3A_171 : vector<16xf32> to vector<16xf32>
      %add3A_173 = arith.addf %get3A_167, %get3A_172 : vector<16xf32>
      %mul3A_174 = arith.constant 16 : i32
      %mul3A_175 = arith.muli %scan3A_163, %mul3A_174 : i32
      %swap3A = arith.index_cast %mul3A_175 : i32 to index
      %swap3A_176 = tpu.vector_load %arg8[%swap3A] {strides = array<i32>} : memref<2048xf32, #tpu.memory_space<vmem>>, vector<16xf32>,
      %swap3A_177 = vector.shape_cast %swap3A_176 : vector<16xf32> to vector<16xf32>
      %swap3A_178 = vector.shape_cast %add3A_173 : vector<16xf32> to vector<16xf32>
      tpu.vector_store %arg8[%swap3A], %swap3A_178 {strides = array<i32>} : memref<2048xf32, #tpu.memory_space<vmem>>, vector<16xf32>,
    }
    %scan3A_151 = arith.constant 128 : i32
    %add3A_152 = arith.constant 491520 : i32
    %add3A_153 = arith.addi %add3A_152, %mul3A_39 : i32
    "tpu.region"() ({
      %run_scoped3A = tpu.sem_alloc : memref<!tpu.dma_semaphore, #tpu.memory_space<semaphore_mem>>
      %dma_start3A = tpu.memref_slice %arg10[%add3A_153] : memref<524288xf32, #tpu.memory_space<vmem_shared>> -> memref<2048xf32, #tpu.memory_space<vmem_shared>>
      %dma_start3A_163 = tpu.memref_slice %arg10[%add3A_153] : memref<524288xf32, #tpu.memory_space<vmem_shared>> -> memref<2048xf32, #tpu.memory_space<vmem_shared>>
      tpu.enqueue_dma source(%dma_start3A_163 : memref<2048xf32, #tpu.memory_space<vmem_shared>>) target(%arg9 : memref<2048xf32, #tpu.memory_space<vmem>>) target_semaphore(%run_scoped3A : memref<!tpu.dma_semaphore, #tpu.memory_space<semaphore_mem>>)
      %dma_wait3A = tpu.memref_slice %arg10[%add3A_153] : memref<524288xf32, #tpu.memory_space<vmem_shared>> -> memref<2048xf32, #tpu.memory_space<vmem_shared>>
      %dma_wait3A_164 = tpu.memref_slice %arg10[%add3A_153] : memref<524288xf32, #tpu.memory_space<vmem_shared>> -> memref<2048xf32, #tpu.memory_space<vmem_shared>>
      tpu.wait_dma2 semaphore(%run_scoped3A : memref<!tpu.dma_semaphore, #tpu.memory_space<semaphore_mem>>) src(%dma_wait3A_164 : memref<2048xf32, #tpu.memory_space<vmem_shared>>) dst(%arg9 : memref<2048xf32, #tpu.memory_space<vmem>>)
      tpu.yield
    }) : () -> ()
    %scan3A_154 = arith.constant 0 : i32
    %scan3A_155 = arith.constant 0 : i32
    %scan3A_156 = arith.constant 128 : i32
    %scan3A_157 = arith.addi %scan3A_155, %scan3A_156 : i32
    %scan3A_158 = arith.constant 1 : i32
    scf.for %scan3A_163 = %scan3A_155 to %scan3A_157 step %scan3A_158  : i32 {
      %mul3A_164 = arith.constant 16 : i32
      %mul3A_165 = arith.muli %scan3A_163, %mul3A_164 : i32
      %get3A = arith.index_cast %mul3A_165 : i32 to index
      %get3A_166 = tpu.vector_load %arg8[%get3A] {strides = array<i32>} : memref<2048xf32, #tpu.memory_space<vmem>>, vector<16xf32>,
      %get3A_167 = vector.shape_cast %get3A_166 : vector<16xf32> to vector<16xf32>
      %mul3A_168 = arith.constant 16 : i32
      %mul3A_169 = arith.muli %scan3A_163, %mul3A_168 : i32
      %get3A_170 = arith.index_cast %mul3A_169 : i32 to index
      %get3A_171 = tpu.vector_load %arg9[%get3A_170] {strides = array<i32>} : memref<2048xf32, #tpu.memory_space<vmem>>, vector<16xf32>,
      %get3A_172 = vector.shape_cast %get3A_171 : vector<16xf32> to vector<16xf32>
      %add3A_173 = arith.addf %get3A_167, %get3A_172 : vector<16xf32>
      %mul3A_174 = arith.constant 16 : i32
      %mul3A_175 = arith.muli %scan3A_163, %mul3A_174 : i32
      %swap3A = arith.index_cast %mul3A_175 : i32 to index
      %swap3A_176 = tpu.vector_load %arg8[%swap3A] {strides = array<i32>} : memref<2048xf32, #tpu.memory_space<vmem>>, vector<16xf32>,
      %swap3A_177 = vector.shape_cast %swap3A_176 : vector<16xf32> to vector<16xf32>
      %swap3A_178 = vector.shape_cast %add3A_173 : vector<16xf32> to vector<16xf32>
      tpu.vector_store %arg8[%swap3A], %swap3A_178 {strides = array<i32>} : memref<2048xf32, #tpu.memory_space<vmem>>, vector<16xf32>,
    }
    %scan3A_159 = arith.constant 128 : i32
    %mul3A_160 = arith.constant 32768 : i32
    %mul3A_161 = arith.muli %arg0, %mul3A_160 : i32
    %add3A_162 = arith.addi %mul3A_161, %mul3A_39 : i32
    "tpu.region"() ({
      %run_scoped3A = tpu.sem_alloc : memref<!tpu.dma_semaphore, #tpu.memory_space<semaphore_mem>>
      %dma_start3A = tpu.memref_slice %arg4[%add3A_162] : memref<65536xf32, #tpu.memory_space<hbm>> -> memref<2048xf32, #tpu.memory_space<hbm>>
      %dma_start3A_163 = tpu.memref_slice %arg4[%add3A_162] : memref<65536xf32, #tpu.memory_space<hbm>> -> memref<2048xf32, #tpu.memory_space<hbm>>
      tpu.enqueue_dma source(%arg8 : memref<2048xf32, #tpu.memory_space<vmem>>) target(%dma_start3A_163 : memref<2048xf32, #tpu.memory_space<hbm>>) target_semaphore(%run_scoped3A : memref<!tpu.dma_semaphore, #tpu.memory_space<semaphore_mem>>)
      %dma_wait3A = tpu.memref_slice %arg4[%add3A_162] : memref<65536xf32, #tpu.memory_space<hbm>> -> memref<2048xf32, #tpu.memory_space<hbm>>
      %dma_wait3A_164 = tpu.memref_slice %arg4[%add3A_162] : memref<65536xf32, #tpu.memory_space<hbm>> -> memref<2048xf32, #tpu.memory_space<hbm>>
      tpu.wait_dma2 semaphore(%run_scoped3A : memref<!tpu.dma_semaphore, #tpu.memory_space<semaphore_mem>>) src(%arg8 : memref<2048xf32, #tpu.memory_space<vmem>>) dst(%dma_wait3A_164 : memref<2048xf32, #tpu.memory_space<hbm>>)
      tpu.yield
    }) : () -> ()
    return
  }
}

#map = affine_map<(d0, d1) -> (0)>
module attributes {stable_mosaic.version = 14 : i64} {
  func.func @combine(%arg0: i32, %arg1: i32, %arg2: memref<1605632xf32, #tpu.memory_space<hbm>>, %arg3: memref<50176xi32, #tpu.memory_space<hbm>>, %arg4: memref<50176xf32, #tpu.memory_space<hbm>>, %arg5: memref<65536xf32, #tpu.memory_space<hbm>>, %arg6: memref<802816xf32, #tpu.memory_space<hbm>>, %arg7: memref<32768xf32, #tpu.memory_space<vmem>>, %arg8: memref<32768xf32, #tpu.memory_space<vmem>>, %arg9: memref<16384xf32, #tpu.memory_space<vmem>>, %arg10: memref<528xi32, #tpu.memory_space<vmem>>, %arg11: memref<528xf32, #tpu.memory_space<vmem>>, %arg12: memref<8192xf32, #tpu.memory_space<vmem>>) attributes {dimension_semantics = [#tpu.dimension_semantics<core_parallel>, #tpu.dimension_semantics<subcore_parallel>], iteration_bounds = array<i64: 2, 16>, scalar_prefetch = 0 : i64, scratch_operands = 6 : i64, tpu.core_type = #tpu.core_type<sc_vector_subcore>, window_params = [{transform_indices = #map}, {transform_indices = #map}, {transform_indices = #map}, {transform_indices = #map}, {transform_indices = #map}]} {
    %mul3A = arith.constant 2 : i32
    %mul3A_0 = arith.muli %arg1, %mul3A : i32
    %add3A = arith.addi %mul3A_0, %arg0 : i32
    "tpu.region"() ({
      %run_scoped3A = tpu.sem_alloc : memref<!tpu.dma_semaphore, #tpu.memory_space<semaphore_mem>>
      %dma_start3A = arith.constant 0 : i32
      %dma_start3A_35 = tpu.memref_slice %arg5[%dma_start3A] : memref<65536xf32, #tpu.memory_space<hbm>> -> memref<32768xf32, #tpu.memory_space<hbm>>
      %dma_start3A_36 = arith.constant 0 : i32
      %dma_start3A_37 = tpu.memref_slice %arg5[%dma_start3A_36] : memref<65536xf32, #tpu.memory_space<hbm>> -> memref<32768xf32, #tpu.memory_space<hbm>>
      tpu.enqueue_dma source(%dma_start3A_37 : memref<32768xf32, #tpu.memory_space<hbm>>) target(%arg7 : memref<32768xf32, #tpu.memory_space<vmem>>) target_semaphore(%run_scoped3A : memref<!tpu.dma_semaphore, #tpu.memory_space<semaphore_mem>>)
      %dma_wait3A = arith.constant 0 : i32
      %dma_wait3A_38 = tpu.memref_slice %arg5[%dma_wait3A] : memref<65536xf32, #tpu.memory_space<hbm>> -> memref<32768xf32, #tpu.memory_space<hbm>>
      %dma_wait3A_39 = arith.constant 0 : i32
      %dma_wait3A_40 = tpu.memref_slice %arg5[%dma_wait3A_39] : memref<65536xf32, #tpu.memory_space<hbm>> -> memref<32768xf32, #tpu.memory_space<hbm>>
      tpu.wait_dma2 semaphore(%run_scoped3A : memref<!tpu.dma_semaphore, #tpu.memory_space<semaphore_mem>>) src(%dma_wait3A_40 : memref<32768xf32, #tpu.memory_space<hbm>>) dst(%arg7 : memref<32768xf32, #tpu.memory_space<vmem>>)
      tpu.yield
    }) : () -> ()
    "tpu.region"() ({
      %run_scoped3A = tpu.sem_alloc : memref<!tpu.dma_semaphore, #tpu.memory_space<semaphore_mem>>
      %dma_start3A = arith.constant 32768 : i32
      %dma_start3A_35 = tpu.memref_slice %arg5[%dma_start3A] : memref<65536xf32, #tpu.memory_space<hbm>> -> memref<32768xf32, #tpu.memory_space<hbm>>
      %dma_start3A_36 = arith.constant 32768 : i32
      %dma_start3A_37 = tpu.memref_slice %arg5[%dma_start3A_36] : memref<65536xf32, #tpu.memory_space<hbm>> -> memref<32768xf32, #tpu.memory_space<hbm>>
      tpu.enqueue_dma source(%dma_start3A_37 : memref<32768xf32, #tpu.memory_space<hbm>>) target(%arg8 : memref<32768xf32, #tpu.memory_space<vmem>>) target_semaphore(%run_scoped3A : memref<!tpu.dma_semaphore, #tpu.memory_space<semaphore_mem>>)
      %dma_wait3A = arith.constant 32768 : i32
      %dma_wait3A_38 = tpu.memref_slice %arg5[%dma_wait3A] : memref<65536xf32, #tpu.memory_space<hbm>> -> memref<32768xf32, #tpu.memory_space<hbm>>
      %dma_wait3A_39 = arith.constant 32768 : i32
      %dma_wait3A_40 = tpu.memref_slice %arg5[%dma_wait3A_39] : memref<65536xf32, #tpu.memory_space<hbm>> -> memref<32768xf32, #tpu.memory_space<hbm>>
      tpu.wait_dma2 semaphore(%run_scoped3A : memref<!tpu.dma_semaphore, #tpu.memory_space<semaphore_mem>>) src(%dma_wait3A_40 : memref<32768xf32, #tpu.memory_space<hbm>>) dst(%arg8 : memref<32768xf32, #tpu.memory_space<vmem>>)
      tpu.yield
    }) : () -> ()
    %scan3A = arith.constant 0 : i32
    %scan3A_1 = arith.constant 0 : i32
    %scan3A_2 = arith.constant 2048 : i32
    %scan3A_3 = arith.addi %scan3A_1, %scan3A_2 : i32
    %scan3A_4 = arith.constant 1 : i32
    scf.for %scan3A_35 = %scan3A_1 to %scan3A_3 step %scan3A_4  : i32 {
      %mul3A_36 = arith.constant 16 : i32
      %mul3A_37 = arith.muli %scan3A_35, %mul3A_36 : i32
      %get3A = arith.index_cast %mul3A_37 : i32 to index
      %get3A_38 = tpu.vector_load %arg7[%get3A] {strides = array<i32>} : memref<32768xf32, #tpu.memory_space<vmem>>, vector<16xf32>,
      %get3A_39 = vector.shape_cast %get3A_38 : vector<16xf32> to vector<16xf32>
      %mul3A_40 = arith.constant 16 : i32
      %mul3A_41 = arith.muli %scan3A_35, %mul3A_40 : i32
      %get3A_42 = arith.index_cast %mul3A_41 : i32 to index
      %get3A_43 = tpu.vector_load %arg8[%get3A_42] {strides = array<i32>} : memref<32768xf32, #tpu.memory_space<vmem>>, vector<16xf32>,
      %get3A_44 = vector.shape_cast %get3A_43 : vector<16xf32> to vector<16xf32>
      %add3A_45 = arith.addf %get3A_39, %get3A_44 : vector<16xf32>
      %mul3A_46 = arith.constant 16 : i32
      %mul3A_47 = arith.muli %scan3A_35, %mul3A_46 : i32
      %swap3A = arith.index_cast %mul3A_47 : i32 to index
      %swap3A_48 = tpu.vector_load %arg7[%swap3A] {strides = array<i32>} : memref<32768xf32, #tpu.memory_space<vmem>>, vector<16xf32>,
      %swap3A_49 = vector.shape_cast %swap3A_48 : vector<16xf32> to vector<16xf32>
      %swap3A_50 = vector.shape_cast %add3A_45 : vector<16xf32> to vector<16xf32>
      tpu.vector_store %arg7[%swap3A], %swap3A_50 {strides = array<i32>} : memref<32768xf32, #tpu.memory_space<vmem>>, vector<16xf32>,
    }
    %scan3A_5 = arith.constant 2048 : i32
    %sub3A = arith.constant 97 : i32
    %sub3A_6 = arith.subi %sub3A, %add3A : i32
    %jit3A = arith.constant 32 : i32
    %div3A = arith.divsi %sub3A_6, %jit3A : i32
    %sign3A = arith.constant 0 : i32
    %sign3A_7 = arith.cmpi sgt, %sub3A_6, %sign3A : i32
    %sign3A_8 = arith.extui %sign3A_7 : i1 to i32
    %sign3A_9 = arith.constant 0 : i32
    %sign3A_10 = arith.cmpi slt, %sub3A_6, %sign3A_9 : i32
    %sign3A_11 = arith.extui %sign3A_10 : i1 to i32
    %sign3A_12 = arith.subi %sign3A_8, %sign3A_11 : i32
    %sign3A_13 = arith.constant 0 : i32
    %sign3A_14 = arith.cmpi sgt, %jit3A, %sign3A_13 : i32
    %sign3A_15 = arith.extui %sign3A_14 : i1 to i32
    %sign3A_16 = arith.constant 0 : i32
    %sign3A_17 = arith.cmpi slt, %jit3A, %sign3A_16 : i32
    %sign3A_18 = arith.extui %sign3A_17 : i1 to i32
    %sign3A_19 = arith.subi %sign3A_15, %sign3A_18 : i32
    %ne3A = arith.cmpi ne, %sign3A_12, %sign3A_19 : i32
    %rem3A = arith.remsi %sub3A_6, %jit3A : i32
    %ne3A_20 = arith.constant 0 : i32
    %ne3A_21 = arith.cmpi ne, %rem3A, %ne3A_20 : i32
    %and3A = arith.andi %ne3A, %ne3A_21 : i1
    %sub3A_22 = arith.constant 1 : i32
    %sub3A_23 = arith.subi %div3A, %sub3A_22 : i32
    %select_n3A = arith.select %and3A, %sub3A_23, %div3A : i32
    %add3A_24 = arith.constant 1 : i32
    %add3A_25 = arith.addi %select_n3A, %add3A_24 : i32
    %while3A = arith.constant 0 : i32
    %while3A_26 = arith.constant 0 : i32
    %while3A_27 = arith.subi %add3A_25, %while3A_26 : i32
    %while3A_28 = arith.addi %while3A_26, %while3A_27 : i32
    %while3A_29 = arith.constant 1 : i32
    %while3A_30 = arith.divsi %while3A_27, %while3A_29 : i32
    %while3A_31 = arith.muli %while3A_30, %while3A_29 : i32
    %while3A_32 = arith.addi %while3A_26, %while3A_31 : i32
    %while3A_33 = arith.constant 1 : i32
    scf.for %while3A_35 = %while3A_26 to %while3A_32 step %while3A_33  : i32 {
      %mul3A_36 = arith.constant 32 : i32
      %mul3A_37 = arith.muli %while3A_35, %mul3A_36 : i32
      %add3A_38 = arith.addi %add3A, %mul3A_37 : i32
      %mul3A_39 = arith.constant 512 : i32
      %mul3A_40 = arith.muli %add3A_38, %mul3A_39 : i32
      %mul3A_41 = arith.constant 32 : i32
      %mul3A_42 = arith.muli %mul3A_40, %mul3A_41 : i32
      "tpu.region"() ({
        %run_scoped3A = tpu.sem_alloc : memref<!tpu.dma_semaphore, #tpu.memory_space<semaphore_mem>>
        %dma_start3A = tpu.memref_slice %arg2[%mul3A_42] : memref<1605632xf32, #tpu.memory_space<hbm>> -> memref<16384xf32, #tpu.memory_space<hbm>>
        %dma_start3A_51 = tpu.memref_slice %arg2[%mul3A_42] : memref<1605632xf32, #tpu.memory_space<hbm>> -> memref<16384xf32, #tpu.memory_space<hbm>>
        tpu.enqueue_dma source(%dma_start3A_51 : memref<16384xf32, #tpu.memory_space<hbm>>) target(%arg9 : memref<16384xf32, #tpu.memory_space<vmem>>) target_semaphore(%run_scoped3A : memref<!tpu.dma_semaphore, #tpu.memory_space<semaphore_mem>>)
        %dma_wait3A = tpu.memref_slice %arg2[%mul3A_42] : memref<1605632xf32, #tpu.memory_space<hbm>> -> memref<16384xf32, #tpu.memory_space<hbm>>
        %dma_wait3A_52 = tpu.memref_slice %arg2[%mul3A_42] : memref<1605632xf32, #tpu.memory_space<hbm>> -> memref<16384xf32, #tpu.memory_space<hbm>>
        tpu.wait_dma2 semaphore(%run_scoped3A : memref<!tpu.dma_semaphore, #tpu.memory_space<semaphore_mem>>) src(%dma_wait3A_52 : memref<16384xf32, #tpu.memory_space<hbm>>) dst(%arg9 : memref<16384xf32, #tpu.memory_space<vmem>>)
        tpu.yield
      }) : () -> ()
      "tpu.region"() ({
        %run_scoped3A = tpu.sem_alloc : memref<!tpu.dma_semaphore, #tpu.memory_space<semaphore_mem>>
        %dma_start3A = arith.constant 0 : i32
        %dma_start3A_51 = tpu.memref_slice %arg10[%dma_start3A] : memref<528xi32, #tpu.memory_space<vmem>> -> memref<512xi32, #tpu.memory_space<vmem>>
        %dma_start3A_52 = tpu.memref_slice %arg3[%mul3A_40] : memref<50176xi32, #tpu.memory_space<hbm>> -> memref<512xi32, #tpu.memory_space<hbm>>
        %dma_start3A_53 = arith.constant 0 : i32
        %dma_start3A_54 = tpu.memref_slice %arg10[%dma_start3A_53] : memref<528xi32, #tpu.memory_space<vmem>> -> memref<512xi32, #tpu.memory_space<vmem>>
        %dma_start3A_55 = tpu.memref_slice %arg3[%mul3A_40] : memref<50176xi32, #tpu.memory_space<hbm>> -> memref<512xi32, #tpu.memory_space<hbm>>
        tpu.enqueue_dma source(%dma_start3A_55 : memref<512xi32, #tpu.memory_space<hbm>>) target(%dma_start3A_54 : memref<512xi32, #tpu.memory_space<vmem>>) target_semaphore(%run_scoped3A : memref<!tpu.dma_semaphore, #tpu.memory_space<semaphore_mem>>)
        %dma_wait3A = arith.constant 0 : i32
        %dma_wait3A_56 = tpu.memref_slice %arg10[%dma_wait3A] : memref<528xi32, #tpu.memory_space<vmem>> -> memref<512xi32, #tpu.memory_space<vmem>>
        %dma_wait3A_57 = tpu.memref_slice %arg3[%mul3A_40] : memref<50176xi32, #tpu.memory_space<hbm>> -> memref<512xi32, #tpu.memory_space<hbm>>
        %dma_wait3A_58 = arith.constant 0 : i32
        %dma_wait3A_59 = tpu.memref_slice %arg10[%dma_wait3A_58] : memref<528xi32, #tpu.memory_space<vmem>> -> memref<512xi32, #tpu.memory_space<vmem>>
        %dma_wait3A_60 = tpu.memref_slice %arg3[%mul3A_40] : memref<50176xi32, #tpu.memory_space<hbm>> -> memref<512xi32, #tpu.memory_space<hbm>>
        tpu.wait_dma2 semaphore(%run_scoped3A : memref<!tpu.dma_semaphore, #tpu.memory_space<semaphore_mem>>) src(%dma_wait3A_60 : memref<512xi32, #tpu.memory_space<hbm>>) dst(%dma_wait3A_59 : memref<512xi32, #tpu.memory_space<vmem>>)
        tpu.yield
      }) : () -> ()
      "tpu.region"() ({
        %run_scoped3A = tpu.sem_alloc : memref<!tpu.dma_semaphore, #tpu.memory_space<semaphore_mem>>
        %dma_start3A = arith.constant 0 : i32
        %dma_start3A_51 = tpu.memref_slice %arg11[%dma_start3A] : memref<528xf32, #tpu.memory_space<vmem>> -> memref<512xf32, #tpu.memory_space<vmem>>
        %dma_start3A_52 = tpu.memref_slice %arg4[%mul3A_40] : memref<50176xf32, #tpu.memory_space<hbm>> -> memref<512xf32, #tpu.memory_space<hbm>>
        %dma_start3A_53 = arith.constant 0 : i32
        %dma_start3A_54 = tpu.memref_slice %arg11[%dma_start3A_53] : memref<528xf32, #tpu.memory_space<vmem>> -> memref<512xf32, #tpu.memory_space<vmem>>
        %dma_start3A_55 = tpu.memref_slice %arg4[%mul3A_40] : memref<50176xf32, #tpu.memory_space<hbm>> -> memref<512xf32, #tpu.memory_space<hbm>>
        tpu.enqueue_dma source(%dma_start3A_55 : memref<512xf32, #tpu.memory_space<hbm>>) target(%dma_start3A_54 : memref<512xf32, #tpu.memory_space<vmem>>) target_semaphore(%run_scoped3A : memref<!tpu.dma_semaphore, #tpu.memory_space<semaphore_mem>>)
        %dma_wait3A = arith.constant 0 : i32
        %dma_wait3A_56 = tpu.memref_slice %arg11[%dma_wait3A] : memref<528xf32, #tpu.memory_space<vmem>> -> memref<512xf32, #tpu.memory_space<vmem>>
        %dma_wait3A_57 = tpu.memref_slice %arg4[%mul3A_40] : memref<50176xf32, #tpu.memory_space<hbm>> -> memref<512xf32, #tpu.memory_space<hbm>>
        %dma_wait3A_58 = arith.constant 0 : i32
        %dma_wait3A_59 = tpu.memref_slice %arg11[%dma_wait3A_58] : memref<528xf32, #tpu.memory_space<vmem>> -> memref<512xf32, #tpu.memory_space<vmem>>
        %dma_wait3A_60 = tpu.memref_slice %arg4[%mul3A_40] : memref<50176xf32, #tpu.memory_space<hbm>> -> memref<512xf32, #tpu.memory_space<hbm>>
        tpu.wait_dma2 semaphore(%run_scoped3A : memref<!tpu.dma_semaphore, #tpu.memory_space<semaphore_mem>>) src(%dma_wait3A_60 : memref<512xf32, #tpu.memory_space<hbm>>) dst(%dma_wait3A_59 : memref<512xf32, #tpu.memory_space<vmem>>)
        tpu.yield
      }) : () -> ()
      %scan3A_43 = arith.constant 0 : i32
      %scan3A_44 = arith.constant 0 : i32
      %scan3A_45 = arith.constant 512 : i32
      %scan3A_46 = arith.addi %scan3A_44, %scan3A_45 : i32
      %scan3A_47 = arith.constant 8 : i32
      scf.for %scan3A_51 = %scan3A_44 to %scan3A_46 step %scan3A_47  : i32 {
        %get3A = arith.index_cast %scan3A_51 : i32 to index
        %get3A_52 = tpu.vector_load %arg10[%get3A] {strides = array<i32>} : memref<528xi32, #tpu.memory_space<vmem>>, vector<16xi32>,
        %get3A_53 = vector.shape_cast %get3A_52 : vector<16xi32> to vector<16xi32>
        %slice3A = vector.extract_strided_slice %get3A_53 {offsets = [0], sizes = [1], strides = [1]} : vector<16xi32> to vector<1xi32>
        %squeeze3A = vector.extract %slice3A[0] : i32 from vector<1xi32>
        %mul3A_54 = arith.constant 32 : i32
        %mul3A_55 = arith.muli %squeeze3A, %mul3A_54 : i32
        %get3A_56 = arith.index_cast %mul3A_55 : i32 to index
        %get3A_57 = tpu.vector_load %arg7[%get3A_56] {strides = array<i32>} : memref<32768xf32, #tpu.memory_space<vmem>>, vector<16xf32>,
        %get3A_58 = vector.shape_cast %get3A_57 : vector<16xf32> to vector<16xf32>
        %add3A_59 = arith.constant 16 : i32
        %add3A_60 = arith.addi %mul3A_55, %add3A_59 : i32
        %get3A_61 = arith.index_cast %add3A_60 : i32 to index
        %get3A_62 = tpu.vector_load %arg7[%get3A_61] {strides = array<i32>} : memref<32768xf32, #tpu.memory_space<vmem>>, vector<16xf32>,
        %get3A_63 = vector.shape_cast %get3A_62 : vector<16xf32> to vector<16xf32>
        %get3A_64 = arith.index_cast %scan3A_51 : i32 to index
        %get3A_65 = tpu.vector_load %arg11[%get3A_64] {strides = array<i32>} : memref<528xf32, #tpu.memory_space<vmem>>, vector<16xf32>,
        %get3A_66 = vector.shape_cast %get3A_65 : vector<16xf32> to vector<16xf32>
        %slice3A_67 = vector.extract_strided_slice %get3A_66 {offsets = [0], sizes = [1], strides = [1]} : vector<16xf32> to vector<1xf32>
        %squeeze3A_68 = vector.extract %slice3A_67[0] : f32 from vector<1xf32>
        %mul3A_69 = arith.constant 32 : i32
        %mul3A_70 = arith.muli %scan3A_51, %mul3A_69 : i32
        %get3A_71 = arith.index_cast %mul3A_70 : i32 to index
        %get3A_72 = tpu.vector_load %arg9[%get3A_71] {strides = array<i32>} : memref<16384xf32, #tpu.memory_space<vmem>>, vector<16xf32>,
        %get3A_73 = vector.shape_cast %get3A_72 : vector<16xf32> to vector<16xf32>
        %mul3A_74 = arith.constant 32 : i32
        %mul3A_75 = arith.muli %scan3A_51, %mul3A_74 : i32
        %add3A_76 = arith.constant 16 : i32
        %add3A_77 = arith.addi %mul3A_75, %add3A_76 : i32
        %get3A_78 = arith.index_cast %add3A_77 : i32 to index
        %get3A_79 = tpu.vector_load %arg9[%get3A_78] {strides = array<i32>} : memref<16384xf32, #tpu.memory_space<vmem>>, vector<16xf32>,
        %get3A_80 = vector.shape_cast %get3A_79 : vector<16xf32> to vector<16xf32>
        %add3A_81 = arith.constant 9.99999997E-7 : f32
        %add3A_82 = vector.broadcast %add3A_81 : f32 to vector<16xf32>
        %add3A_83 = arith.addf %get3A_63, %add3A_82 : vector<16xf32>
        %div3A_84 = arith.divf %get3A_80, %add3A_83 : vector<16xf32>
        %sub3A_85 = vector.broadcast %squeeze3A_68 : f32 to vector<16xf32>
        %sub3A_86 = arith.subf %sub3A_85, %get3A_58 : vector<16xf32>
        %mul3A_87 = arith.mulf %div3A_84, %sub3A_86 : vector<16xf32>
        %add3A_88 = arith.addf %get3A_73, %mul3A_87 : vector<16xf32>
        %mul3A_89 = arith.constant 16 : i32
        %mul3A_90 = arith.muli %scan3A_51, %mul3A_89 : i32
        %swap3A = arith.index_cast %mul3A_90 : i32 to index
        %swap3A_91 = tpu.vector_load %arg12[%swap3A] {strides = array<i32>} : memref<8192xf32, #tpu.memory_space<vmem>>, vector<16xf32>,
        %swap3A_92 = vector.shape_cast %swap3A_91 : vector<16xf32> to vector<16xf32>
        %swap3A_93 = vector.shape_cast %add3A_88 : vector<16xf32> to vector<16xf32>
        tpu.vector_store %arg12[%swap3A], %swap3A_93 {strides = array<i32>} : memref<8192xf32, #tpu.memory_space<vmem>>, vector<16xf32>,
        %scan3A_94 = arith.constant 1 : i32
        %scan3A_95 = arith.addi %scan3A_51, %scan3A_94 : i32
        %get3A_96 = arith.index_cast %scan3A_95 : i32 to index
        %get3A_97 = tpu.vector_load %arg10[%get3A_96] {strides = array<i32>} : memref<528xi32, #tpu.memory_space<vmem>>, vector<16xi32>,
        %get3A_98 = vector.shape_cast %get3A_97 : vector<16xi32> to vector<16xi32>
        %slice3A_99 = vector.extract_strided_slice %get3A_98 {offsets = [0], sizes = [1], strides = [1]} : vector<16xi32> to vector<1xi32>
        %squeeze3A_100 = vector.extract %slice3A_99[0] : i32 from vector<1xi32>
        %mul3A_101 = arith.constant 32 : i32
        %mul3A_102 = arith.muli %squeeze3A_100, %mul3A_101 : i32
        %get3A_103 = arith.index_cast %mul3A_102 : i32 to index
        %get3A_104 = tpu.vector_load %arg7[%get3A_103] {strides = array<i32>} : memref<32768xf32, #tpu.memory_space<vmem>>, vector<16xf32>,
        %get3A_105 = vector.shape_cast %get3A_104 : vector<16xf32> to vector<16xf32>
        %add3A_106 = arith.constant 16 : i32
        %add3A_107 = arith.addi %mul3A_102, %add3A_106 : i32
        %get3A_108 = arith.index_cast %add3A_107 : i32 to index
        %get3A_109 = tpu.vector_load %arg7[%get3A_108] {strides = array<i32>} : memref<32768xf32, #tpu.memory_space<vmem>>, vector<16xf32>,
        %get3A_110 = vector.shape_cast %get3A_109 : vector<16xf32> to vector<16xf32>
        %get3A_111 = arith.index_cast %scan3A_95 : i32 to index
        %get3A_112 = tpu.vector_load %arg11[%get3A_111] {strides = array<i32>} : memref<528xf32, #tpu.memory_space<vmem>>, vector<16xf32>,
        %get3A_113 = vector.shape_cast %get3A_112 : vector<16xf32> to vector<16xf32>
        %slice3A_114 = vector.extract_strided_slice %get3A_113 {offsets = [0], sizes = [1], strides = [1]} : vector<16xf32> to vector<1xf32>
        %squeeze3A_115 = vector.extract %slice3A_114[0] : f32 from vector<1xf32>
        %mul3A_116 = arith.constant 32 : i32
        %mul3A_117 = arith.muli %scan3A_95, %mul3A_116 : i32
        %get3A_118 = arith.index_cast %mul3A_117 : i32 to index
        %get3A_119 = tpu.vector_load %arg9[%get3A_118] {strides = array<i32>} : memref<16384xf32, #tpu.memory_space<vmem>>, vector<16xf32>,
        %get3A_120 = vector.shape_cast %get3A_119 : vector<16xf32> to vector<16xf32>
        %mul3A_121 = arith.constant 32 : i32
        %mul3A_122 = arith.muli %scan3A_95, %mul3A_121 : i32
        %add3A_123 = arith.constant 16 : i32
        %add3A_124 = arith.addi %mul3A_122, %add3A_123 : i32
        %get3A_125 = arith.index_cast %add3A_124 : i32 to index
        %get3A_126 = tpu.vector_load %arg9[%get3A_125] {strides = array<i32>} : memref<16384xf32, #tpu.memory_space<vmem>>, vector<16xf32>,
        %get3A_127 = vector.shape_cast %get3A_126 : vector<16xf32> to vector<16xf32>
        %add3A_128 = arith.constant 9.99999997E-7 : f32
        %add3A_129 = vector.broadcast %add3A_128 : f32 to vector<16xf32>
        %add3A_130 = arith.addf %get3A_110, %add3A_129 : vector<16xf32>
        %div3A_131 = arith.divf %get3A_127, %add3A_130 : vector<16xf32>
        %sub3A_132 = vector.broadcast %squeeze3A_115 : f32 to vector<16xf32>
        %sub3A_133 = arith.subf %sub3A_132, %get3A_105 : vector<16xf32>
        %mul3A_134 = arith.mulf %div3A_131, %sub3A_133 : vector<16xf32>
        %add3A_135 = arith.addf %get3A_120, %mul3A_134 : vector<16xf32>
        %mul3A_136 = arith.constant 16 : i32
        %mul3A_137 = arith.muli %scan3A_95, %mul3A_136 : i32
        %swap3A_138 = arith.index_cast %mul3A_137 : i32 to index
        %swap3A_139 = tpu.vector_load %arg12[%swap3A_138] {strides = array<i32>} : memref<8192xf32, #tpu.memory_space<vmem>>, vector<16xf32>,
        %swap3A_140 = vector.shape_cast %swap3A_139 : vector<16xf32> to vector<16xf32>
        %swap3A_141 = vector.shape_cast %add3A_135 : vector<16xf32> to vector<16xf32>
        tpu.vector_store %arg12[%swap3A_138], %swap3A_141 {strides = array<i32>} : memref<8192xf32, #tpu.memory_space<vmem>>, vector<16xf32>,
        %scan3A_142 = arith.constant 2 : i32
        %scan3A_143 = arith.addi %scan3A_51, %scan3A_142 : i32
        %get3A_144 = arith.index_cast %scan3A_143 : i32 to index
        %get3A_145 = tpu.vector_load %arg10[%get3A_144] {strides = array<i32>} : memref<528xi32, #tpu.memory_space<vmem>>, vector<16xi32>,
        %get3A_146 = vector.shape_cast %get3A_145 : vector<16xi32> to vector<16xi32>
        %slice3A_147 = vector.extract_strided_slice %get3A_146 {offsets = [0], sizes = [1], strides = [1]} : vector<16xi32> to vector<1xi32>
        %squeeze3A_148 = vector.extract %slice3A_147[0] : i32 from vector<1xi32>
        %mul3A_149 = arith.constant 32 : i32
        %mul3A_150 = arith.muli %squeeze3A_148, %mul3A_149 : i32
        %get3A_151 = arith.index_cast %mul3A_150 : i32 to index
        %get3A_152 = tpu.vector_load %arg7[%get3A_151] {strides = array<i32>} : memref<32768xf32, #tpu.memory_space<vmem>>, vector<16xf32>,
        %get3A_153 = vector.shape_cast %get3A_152 : vector<16xf32> to vector<16xf32>
        %add3A_154 = arith.constant 16 : i32
        %add3A_155 = arith.addi %mul3A_150, %add3A_154 : i32
        %get3A_156 = arith.index_cast %add3A_155 : i32 to index
        %get3A_157 = tpu.vector_load %arg7[%get3A_156] {strides = array<i32>} : memref<32768xf32, #tpu.memory_space<vmem>>, vector<16xf32>,
        %get3A_158 = vector.shape_cast %get3A_157 : vector<16xf32> to vector<16xf32>
        %get3A_159 = arith.index_cast %scan3A_143 : i32 to index
        %get3A_160 = tpu.vector_load %arg11[%get3A_159] {strides = array<i32>} : memref<528xf32, #tpu.memory_space<vmem>>, vector<16xf32>,
        %get3A_161 = vector.shape_cast %get3A_160 : vector<16xf32> to vector<16xf32>
        %slice3A_162 = vector.extract_strided_slice %get3A_161 {offsets = [0], sizes = [1], strides = [1]} : vector<16xf32> to vector<1xf32>
        %squeeze3A_163 = vector.extract %slice3A_162[0] : f32 from vector<1xf32>
        %mul3A_164 = arith.constant 32 : i32
        %mul3A_165 = arith.muli %scan3A_143, %mul3A_164 : i32
        %get3A_166 = arith.index_cast %mul3A_165 : i32 to index
        %get3A_167 = tpu.vector_load %arg9[%get3A_166] {strides = array<i32>} : memref<16384xf32, #tpu.memory_space<vmem>>, vector<16xf32>,
        %get3A_168 = vector.shape_cast %get3A_167 : vector<16xf32> to vector<16xf32>
        %mul3A_169 = arith.constant 32 : i32
        %mul3A_170 = arith.muli %scan3A_143, %mul3A_169 : i32
        %add3A_171 = arith.constant 16 : i32
        %add3A_172 = arith.addi %mul3A_170, %add3A_171 : i32
        %get3A_173 = arith.index_cast %add3A_172 : i32 to index
        %get3A_174 = tpu.vector_load %arg9[%get3A_173] {strides = array<i32>} : memref<16384xf32, #tpu.memory_space<vmem>>, vector<16xf32>,
        %get3A_175 = vector.shape_cast %get3A_174 : vector<16xf32> to vector<16xf32>
        %add3A_176 = arith.constant 9.99999997E-7 : f32
        %add3A_177 = vector.broadcast %add3A_176 : f32 to vector<16xf32>
        %add3A_178 = arith.addf %get3A_158, %add3A_177 : vector<16xf32>
        %div3A_179 = arith.divf %get3A_175, %add3A_178 : vector<16xf32>
        %sub3A_180 = vector.broadcast %squeeze3A_163 : f32 to vector<16xf32>
        %sub3A_181 = arith.subf %sub3A_180, %get3A_153 : vector<16xf32>
        %mul3A_182 = arith.mulf %div3A_179, %sub3A_181 : vector<16xf32>
        %add3A_183 = arith.addf %get3A_168, %mul3A_182 : vector<16xf32>
        %mul3A_184 = arith.constant 16 : i32
        %mul3A_185 = arith.muli %scan3A_143, %mul3A_184 : i32
        %swap3A_186 = arith.index_cast %mul3A_185 : i32 to index
        %swap3A_187 = tpu.vector_load %arg12[%swap3A_186] {strides = array<i32>} : memref<8192xf32, #tpu.memory_space<vmem>>, vector<16xf32>,
        %swap3A_188 = vector.shape_cast %swap3A_187 : vector<16xf32> to vector<16xf32>
        %swap3A_189 = vector.shape_cast %add3A_183 : vector<16xf32> to vector<16xf32>
        tpu.vector_store %arg12[%swap3A_186], %swap3A_189 {strides = array<i32>} : memref<8192xf32, #tpu.memory_space<vmem>>, vector<16xf32>,
        %scan3A_190 = arith.constant 3 : i32
        %scan3A_191 = arith.addi %scan3A_51, %scan3A_190 : i32
        %get3A_192 = arith.index_cast %scan3A_191 : i32 to index
        %get3A_193 = tpu.vector_load %arg10[%get3A_192] {strides = array<i32>} : memref<528xi32, #tpu.memory_space<vmem>>, vector<16xi32>,
        %get3A_194 = vector.shape_cast %get3A_193 : vector<16xi32> to vector<16xi32>
        %slice3A_195 = vector.extract_strided_slice %get3A_194 {offsets = [0], sizes = [1], strides = [1]} : vector<16xi32> to vector<1xi32>
        %squeeze3A_196 = vector.extract %slice3A_195[0] : i32 from vector<1xi32>
        %mul3A_197 = arith.constant 32 : i32
        %mul3A_198 = arith.muli %squeeze3A_196, %mul3A_197 : i32
        %get3A_199 = arith.index_cast %mul3A_198 : i32 to index
        %get3A_200 = tpu.vector_load %arg7[%get3A_199] {strides = array<i32>} : memref<32768xf32, #tpu.memory_space<vmem>>, vector<16xf32>,
        %get3A_201 = vector.shape_cast %get3A_200 : vector<16xf32> to vector<16xf32>
        %add3A_202 = arith.constant 16 : i32
        %add3A_203 = arith.addi %mul3A_198, %add3A_202 : i32
        %get3A_204 = arith.index_cast %add3A_203 : i32 to index
        %get3A_205 = tpu.vector_load %arg7[%get3A_204] {strides = array<i32>} : memref<32768xf32, #tpu.memory_space<vmem>>, vector<16xf32>,
        %get3A_206 = vector.shape_cast %get3A_205 : vector<16xf32> to vector<16xf32>
        %get3A_207 = arith.index_cast %scan3A_191 : i32 to index
        %get3A_208 = tpu.vector_load %arg11[%get3A_207] {strides = array<i32>} : memref<528xf32, #tpu.memory_space<vmem>>, vector<16xf32>,
        %get3A_209 = vector.shape_cast %get3A_208 : vector<16xf32> to vector<16xf32>
        %slice3A_210 = vector.extract_strided_slice %get3A_209 {offsets = [0], sizes = [1], strides = [1]} : vector<16xf32> to vector<1xf32>
        %squeeze3A_211 = vector.extract %slice3A_210[0] : f32 from vector<1xf32>
        %mul3A_212 = arith.constant 32 : i32
        %mul3A_213 = arith.muli %scan3A_191, %mul3A_212 : i32
        %get3A_214 = arith.index_cast %mul3A_213 : i32 to index
        %get3A_215 = tpu.vector_load %arg9[%get3A_214] {strides = array<i32>} : memref<16384xf32, #tpu.memory_space<vmem>>, vector<16xf32>,
        %get3A_216 = vector.shape_cast %get3A_215 : vector<16xf32> to vector<16xf32>
        %mul3A_217 = arith.constant 32 : i32
        %mul3A_218 = arith.muli %scan3A_191, %mul3A_217 : i32
        %add3A_219 = arith.constant 16 : i32
        %add3A_220 = arith.addi %mul3A_218, %add3A_219 : i32
        %get3A_221 = arith.index_cast %add3A_220 : i32 to index
        %get3A_222 = tpu.vector_load %arg9[%get3A_221] {strides = array<i32>} : memref<16384xf32, #tpu.memory_space<vmem>>, vector<16xf32>,
        %get3A_223 = vector.shape_cast %get3A_222 : vector<16xf32> to vector<16xf32>
        %add3A_224 = arith.constant 9.99999997E-7 : f32
        %add3A_225 = vector.broadcast %add3A_224 : f32 to vector<16xf32>
        %add3A_226 = arith.addf %get3A_206, %add3A_225 : vector<16xf32>
        %div3A_227 = arith.divf %get3A_223, %add3A_226 : vector<16xf32>
        %sub3A_228 = vector.broadcast %squeeze3A_211 : f32 to vector<16xf32>
        %sub3A_229 = arith.subf %sub3A_228, %get3A_201 : vector<16xf32>
        %mul3A_230 = arith.mulf %div3A_227, %sub3A_229 : vector<16xf32>
        %add3A_231 = arith.addf %get3A_216, %mul3A_230 : vector<16xf32>
        %mul3A_232 = arith.constant 16 : i32
        %mul3A_233 = arith.muli %scan3A_191, %mul3A_232 : i32
        %swap3A_234 = arith.index_cast %mul3A_233 : i32 to index
        %swap3A_235 = tpu.vector_load %arg12[%swap3A_234] {strides = array<i32>} : memref<8192xf32, #tpu.memory_space<vmem>>, vector<16xf32>,
        %swap3A_236 = vector.shape_cast %swap3A_235 : vector<16xf32> to vector<16xf32>
        %swap3A_237 = vector.shape_cast %add3A_231 : vector<16xf32> to vector<16xf32>
        tpu.vector_store %arg12[%swap3A_234], %swap3A_237 {strides = array<i32>} : memref<8192xf32, #tpu.memory_space<vmem>>, vector<16xf32>,
        %scan3A_238 = arith.constant 4 : i32
        %scan3A_239 = arith.addi %scan3A_51, %scan3A_238 : i32
        %get3A_240 = arith.index_cast %scan3A_239 : i32 to index
        %get3A_241 = tpu.vector_load %arg10[%get3A_240] {strides = array<i32>} : memref<528xi32, #tpu.memory_space<vmem>>, vector<16xi32>,
        %get3A_242 = vector.shape_cast %get3A_241 : vector<16xi32> to vector<16xi32>
        %slice3A_243 = vector.extract_strided_slice %get3A_242 {offsets = [0], sizes = [1], strides = [1]} : vector<16xi32> to vector<1xi32>
        %squeeze3A_244 = vector.extract %slice3A_243[0] : i32 from vector<1xi32>
        %mul3A_245 = arith.constant 32 : i32
        %mul3A_246 = arith.muli %squeeze3A_244, %mul3A_245 : i32
        %get3A_247 = arith.index_cast %mul3A_246 : i32 to index
        %get3A_248 = tpu.vector_load %arg7[%get3A_247] {strides = array<i32>} : memref<32768xf32, #tpu.memory_space<vmem>>, vector<16xf32>,
        %get3A_249 = vector.shape_cast %get3A_248 : vector<16xf32> to vector<16xf32>
        %add3A_250 = arith.constant 16 : i32
        %add3A_251 = arith.addi %mul3A_246, %add3A_250 : i32
        %get3A_252 = arith.index_cast %add3A_251 : i32 to index
        %get3A_253 = tpu.vector_load %arg7[%get3A_252] {strides = array<i32>} : memref<32768xf32, #tpu.memory_space<vmem>>, vector<16xf32>,
        %get3A_254 = vector.shape_cast %get3A_253 : vector<16xf32> to vector<16xf32>
        %get3A_255 = arith.index_cast %scan3A_239 : i32 to index
        %get3A_256 = tpu.vector_load %arg11[%get3A_255] {strides = array<i32>} : memref<528xf32, #tpu.memory_space<vmem>>, vector<16xf32>,
        %get3A_257 = vector.shape_cast %get3A_256 : vector<16xf32> to vector<16xf32>
        %slice3A_258 = vector.extract_strided_slice %get3A_257 {offsets = [0], sizes = [1], strides = [1]} : vector<16xf32> to vector<1xf32>
        %squeeze3A_259 = vector.extract %slice3A_258[0] : f32 from vector<1xf32>
        %mul3A_260 = arith.constant 32 : i32
        %mul3A_261 = arith.muli %scan3A_239, %mul3A_260 : i32
        %get3A_262 = arith.index_cast %mul3A_261 : i32 to index
        %get3A_263 = tpu.vector_load %arg9[%get3A_262] {strides = array<i32>} : memref<16384xf32, #tpu.memory_space<vmem>>, vector<16xf32>,
        %get3A_264 = vector.shape_cast %get3A_263 : vector<16xf32> to vector<16xf32>
        %mul3A_265 = arith.constant 32 : i32
        %mul3A_266 = arith.muli %scan3A_239, %mul3A_265 : i32
        %add3A_267 = arith.constant 16 : i32
        %add3A_268 = arith.addi %mul3A_266, %add3A_267 : i32
        %get3A_269 = arith.index_cast %add3A_268 : i32 to index
        %get3A_270 = tpu.vector_load %arg9[%get3A_269] {strides = array<i32>} : memref<16384xf32, #tpu.memory_space<vmem>>, vector<16xf32>,
        %get3A_271 = vector.shape_cast %get3A_270 : vector<16xf32> to vector<16xf32>
        %add3A_272 = arith.constant 9.99999997E-7 : f32
        %add3A_273 = vector.broadcast %add3A_272 : f32 to vector<16xf32>
        %add3A_274 = arith.addf %get3A_254, %add3A_273 : vector<16xf32>
        %div3A_275 = arith.divf %get3A_271, %add3A_274 : vector<16xf32>
        %sub3A_276 = vector.broadcast %squeeze3A_259 : f32 to vector<16xf32>
        %sub3A_277 = arith.subf %sub3A_276, %get3A_249 : vector<16xf32>
        %mul3A_278 = arith.mulf %div3A_275, %sub3A_277 : vector<16xf32>
        %add3A_279 = arith.addf %get3A_264, %mul3A_278 : vector<16xf32>
        %mul3A_280 = arith.constant 16 : i32
        %mul3A_281 = arith.muli %scan3A_239, %mul3A_280 : i32
        %swap3A_282 = arith.index_cast %mul3A_281 : i32 to index
        %swap3A_283 = tpu.vector_load %arg12[%swap3A_282] {strides = array<i32>} : memref<8192xf32, #tpu.memory_space<vmem>>, vector<16xf32>,
        %swap3A_284 = vector.shape_cast %swap3A_283 : vector<16xf32> to vector<16xf32>
        %swap3A_285 = vector.shape_cast %add3A_279 : vector<16xf32> to vector<16xf32>
        tpu.vector_store %arg12[%swap3A_282], %swap3A_285 {strides = array<i32>} : memref<8192xf32, #tpu.memory_space<vmem>>, vector<16xf32>,
        %scan3A_286 = arith.constant 5 : i32
        %scan3A_287 = arith.addi %scan3A_51, %scan3A_286 : i32
        %get3A_288 = arith.index_cast %scan3A_287 : i32 to index
        %get3A_289 = tpu.vector_load %arg10[%get3A_288] {strides = array<i32>} : memref<528xi32, #tpu.memory_space<vmem>>, vector<16xi32>,
        %get3A_290 = vector.shape_cast %get3A_289 : vector<16xi32> to vector<16xi32>
        %slice3A_291 = vector.extract_strided_slice %get3A_290 {offsets = [0], sizes = [1], strides = [1]} : vector<16xi32> to vector<1xi32>
        %squeeze3A_292 = vector.extract %slice3A_291[0] : i32 from vector<1xi32>
        %mul3A_293 = arith.constant 32 : i32
        %mul3A_294 = arith.muli %squeeze3A_292, %mul3A_293 : i32
        %get3A_295 = arith.index_cast %mul3A_294 : i32 to index
        %get3A_296 = tpu.vector_load %arg7[%get3A_295] {strides = array<i32>} : memref<32768xf32, #tpu.memory_space<vmem>>, vector<16xf32>,
        %get3A_297 = vector.shape_cast %get3A_296 : vector<16xf32> to vector<16xf32>
        %add3A_298 = arith.constant 16 : i32
        %add3A_299 = arith.addi %mul3A_294, %add3A_298 : i32
        %get3A_300 = arith.index_cast %add3A_299 : i32 to index
        %get3A_301 = tpu.vector_load %arg7[%get3A_300] {strides = array<i32>} : memref<32768xf32, #tpu.memory_space<vmem>>, vector<16xf32>,
        %get3A_302 = vector.shape_cast %get3A_301 : vector<16xf32> to vector<16xf32>
        %get3A_303 = arith.index_cast %scan3A_287 : i32 to index
        %get3A_304 = tpu.vector_load %arg11[%get3A_303] {strides = array<i32>} : memref<528xf32, #tpu.memory_space<vmem>>, vector<16xf32>,
        %get3A_305 = vector.shape_cast %get3A_304 : vector<16xf32> to vector<16xf32>
        %slice3A_306 = vector.extract_strided_slice %get3A_305 {offsets = [0], sizes = [1], strides = [1]} : vector<16xf32> to vector<1xf32>
        %squeeze3A_307 = vector.extract %slice3A_306[0] : f32 from vector<1xf32>
        %mul3A_308 = arith.constant 32 : i32
        %mul3A_309 = arith.muli %scan3A_287, %mul3A_308 : i32
        %get3A_310 = arith.index_cast %mul3A_309 : i32 to index
        %get3A_311 = tpu.vector_load %arg9[%get3A_310] {strides = array<i32>} : memref<16384xf32, #tpu.memory_space<vmem>>, vector<16xf32>,
        %get3A_312 = vector.shape_cast %get3A_311 : vector<16xf32> to vector<16xf32>
        %mul3A_313 = arith.constant 32 : i32
        %mul3A_314 = arith.muli %scan3A_287, %mul3A_313 : i32
        %add3A_315 = arith.constant 16 : i32
        %add3A_316 = arith.addi %mul3A_314, %add3A_315 : i32
        %get3A_317 = arith.index_cast %add3A_316 : i32 to index
        %get3A_318 = tpu.vector_load %arg9[%get3A_317] {strides = array<i32>} : memref<16384xf32, #tpu.memory_space<vmem>>, vector<16xf32>,
        %get3A_319 = vector.shape_cast %get3A_318 : vector<16xf32> to vector<16xf32>
        %add3A_320 = arith.constant 9.99999997E-7 : f32
        %add3A_321 = vector.broadcast %add3A_320 : f32 to vector<16xf32>
        %add3A_322 = arith.addf %get3A_302, %add3A_321 : vector<16xf32>
        %div3A_323 = arith.divf %get3A_319, %add3A_322 : vector<16xf32>
        %sub3A_324 = vector.broadcast %squeeze3A_307 : f32 to vector<16xf32>
        %sub3A_325 = arith.subf %sub3A_324, %get3A_297 : vector<16xf32>
        %mul3A_326 = arith.mulf %div3A_323, %sub3A_325 : vector<16xf32>
        %add3A_327 = arith.addf %get3A_312, %mul3A_326 : vector<16xf32>
        %mul3A_328 = arith.constant 16 : i32
        %mul3A_329 = arith.muli %scan3A_287, %mul3A_328 : i32
        %swap3A_330 = arith.index_cast %mul3A_329 : i32 to index
        %swap3A_331 = tpu.vector_load %arg12[%swap3A_330] {strides = array<i32>} : memref<8192xf32, #tpu.memory_space<vmem>>, vector<16xf32>,
        %swap3A_332 = vector.shape_cast %swap3A_331 : vector<16xf32> to vector<16xf32>
        %swap3A_333 = vector.shape_cast %add3A_327 : vector<16xf32> to vector<16xf32>
        tpu.vector_store %arg12[%swap3A_330], %swap3A_333 {strides = array<i32>} : memref<8192xf32, #tpu.memory_space<vmem>>, vector<16xf32>,
        %scan3A_334 = arith.constant 6 : i32
        %scan3A_335 = arith.addi %scan3A_51, %scan3A_334 : i32
        %get3A_336 = arith.index_cast %scan3A_335 : i32 to index
        %get3A_337 = tpu.vector_load %arg10[%get3A_336] {strides = array<i32>} : memref<528xi32, #tpu.memory_space<vmem>>, vector<16xi32>,
        %get3A_338 = vector.shape_cast %get3A_337 : vector<16xi32> to vector<16xi32>
        %slice3A_339 = vector.extract_strided_slice %get3A_338 {offsets = [0], sizes = [1], strides = [1]} : vector<16xi32> to vector<1xi32>
        %squeeze3A_340 = vector.extract %slice3A_339[0] : i32 from vector<1xi32>
        %mul3A_341 = arith.constant 32 : i32
        %mul3A_342 = arith.muli %squeeze3A_340, %mul3A_341 : i32
        %get3A_343 = arith.index_cast %mul3A_342 : i32 to index
        %get3A_344 = tpu.vector_load %arg7[%get3A_343] {strides = array<i32>} : memref<32768xf32, #tpu.memory_space<vmem>>, vector<16xf32>,
        %get3A_345 = vector.shape_cast %get3A_344 : vector<16xf32> to vector<16xf32>
        %add3A_346 = arith.constant 16 : i32
        %add3A_347 = arith.addi %mul3A_342, %add3A_346 : i32
        %get3A_348 = arith.index_cast %add3A_347 : i32 to index
        %get3A_349 = tpu.vector_load %arg7[%get3A_348] {strides = array<i32>} : memref<32768xf32, #tpu.memory_space<vmem>>, vector<16xf32>,
        %get3A_350 = vector.shape_cast %get3A_349 : vector<16xf32> to vector<16xf32>
        %get3A_351 = arith.index_cast %scan3A_335 : i32 to index
        %get3A_352 = tpu.vector_load %arg11[%get3A_351] {strides = array<i32>} : memref<528xf32, #tpu.memory_space<vmem>>, vector<16xf32>,
        %get3A_353 = vector.shape_cast %get3A_352 : vector<16xf32> to vector<16xf32>
        %slice3A_354 = vector.extract_strided_slice %get3A_353 {offsets = [0], sizes = [1], strides = [1]} : vector<16xf32> to vector<1xf32>
        %squeeze3A_355 = vector.extract %slice3A_354[0] : f32 from vector<1xf32>
        %mul3A_356 = arith.constant 32 : i32
        %mul3A_357 = arith.muli %scan3A_335, %mul3A_356 : i32
        %get3A_358 = arith.index_cast %mul3A_357 : i32 to index
        %get3A_359 = tpu.vector_load %arg9[%get3A_358] {strides = array<i32>} : memref<16384xf32, #tpu.memory_space<vmem>>, vector<16xf32>,
        %get3A_360 = vector.shape_cast %get3A_359 : vector<16xf32> to vector<16xf32>
        %mul3A_361 = arith.constant 32 : i32
        %mul3A_362 = arith.muli %scan3A_335, %mul3A_361 : i32
        %add3A_363 = arith.constant 16 : i32
        %add3A_364 = arith.addi %mul3A_362, %add3A_363 : i32
        %get3A_365 = arith.index_cast %add3A_364 : i32 to index
        %get3A_366 = tpu.vector_load %arg9[%get3A_365] {strides = array<i32>} : memref<16384xf32, #tpu.memory_space<vmem>>, vector<16xf32>,
        %get3A_367 = vector.shape_cast %get3A_366 : vector<16xf32> to vector<16xf32>
        %add3A_368 = arith.constant 9.99999997E-7 : f32
        %add3A_369 = vector.broadcast %add3A_368 : f32 to vector<16xf32>
        %add3A_370 = arith.addf %get3A_350, %add3A_369 : vector<16xf32>
        %div3A_371 = arith.divf %get3A_367, %add3A_370 : vector<16xf32>
        %sub3A_372 = vector.broadcast %squeeze3A_355 : f32 to vector<16xf32>
        %sub3A_373 = arith.subf %sub3A_372, %get3A_345 : vector<16xf32>
        %mul3A_374 = arith.mulf %div3A_371, %sub3A_373 : vector<16xf32>
        %add3A_375 = arith.addf %get3A_360, %mul3A_374 : vector<16xf32>
        %mul3A_376 = arith.constant 16 : i32
        %mul3A_377 = arith.muli %scan3A_335, %mul3A_376 : i32
        %swap3A_378 = arith.index_cast %mul3A_377 : i32 to index
        %swap3A_379 = tpu.vector_load %arg12[%swap3A_378] {strides = array<i32>} : memref<8192xf32, #tpu.memory_space<vmem>>, vector<16xf32>,
        %swap3A_380 = vector.shape_cast %swap3A_379 : vector<16xf32> to vector<16xf32>
        %swap3A_381 = vector.shape_cast %add3A_375 : vector<16xf32> to vector<16xf32>
        tpu.vector_store %arg12[%swap3A_378], %swap3A_381 {strides = array<i32>} : memref<8192xf32, #tpu.memory_space<vmem>>, vector<16xf32>,
        %scan3A_382 = arith.constant 7 : i32
        %scan3A_383 = arith.addi %scan3A_51, %scan3A_382 : i32
        %get3A_384 = arith.index_cast %scan3A_383 : i32 to index
        %get3A_385 = tpu.vector_load %arg10[%get3A_384] {strides = array<i32>} : memref<528xi32, #tpu.memory_space<vmem>>, vector<16xi32>,
        %get3A_386 = vector.shape_cast %get3A_385 : vector<16xi32> to vector<16xi32>
        %slice3A_387 = vector.extract_strided_slice %get3A_386 {offsets = [0], sizes = [1], strides = [1]} : vector<16xi32> to vector<1xi32>
        %squeeze3A_388 = vector.extract %slice3A_387[0] : i32 from vector<1xi32>
        %mul3A_389 = arith.constant 32 : i32
        %mul3A_390 = arith.muli %squeeze3A_388, %mul3A_389 : i32
        %get3A_391 = arith.index_cast %mul3A_390 : i32 to index
        %get3A_392 = tpu.vector_load %arg7[%get3A_391] {strides = array<i32>} : memref<32768xf32, #tpu.memory_space<vmem>>, vector<16xf32>,
        %get3A_393 = vector.shape_cast %get3A_392 : vector<16xf32> to vector<16xf32>
        %add3A_394 = arith.constant 16 : i32
        %add3A_395 = arith.addi %mul3A_390, %add3A_394 : i32
        %get3A_396 = arith.index_cast %add3A_395 : i32 to index
        %get3A_397 = tpu.vector_load %arg7[%get3A_396] {strides = array<i32>} : memref<32768xf32, #tpu.memory_space<vmem>>, vector<16xf32>,
        %get3A_398 = vector.shape_cast %get3A_397 : vector<16xf32> to vector<16xf32>
        %get3A_399 = arith.index_cast %scan3A_383 : i32 to index
        %get3A_400 = tpu.vector_load %arg11[%get3A_399] {strides = array<i32>} : memref<528xf32, #tpu.memory_space<vmem>>, vector<16xf32>,
        %get3A_401 = vector.shape_cast %get3A_400 : vector<16xf32> to vector<16xf32>
        %slice3A_402 = vector.extract_strided_slice %get3A_401 {offsets = [0], sizes = [1], strides = [1]} : vector<16xf32> to vector<1xf32>
        %squeeze3A_403 = vector.extract %slice3A_402[0] : f32 from vector<1xf32>
        %mul3A_404 = arith.constant 32 : i32
        %mul3A_405 = arith.muli %scan3A_383, %mul3A_404 : i32
        %get3A_406 = arith.index_cast %mul3A_405 : i32 to index
        %get3A_407 = tpu.vector_load %arg9[%get3A_406] {strides = array<i32>} : memref<16384xf32, #tpu.memory_space<vmem>>, vector<16xf32>,
        %get3A_408 = vector.shape_cast %get3A_407 : vector<16xf32> to vector<16xf32>
        %mul3A_409 = arith.constant 32 : i32
        %mul3A_410 = arith.muli %scan3A_383, %mul3A_409 : i32
        %add3A_411 = arith.constant 16 : i32
        %add3A_412 = arith.addi %mul3A_410, %add3A_411 : i32
        %get3A_413 = arith.index_cast %add3A_412 : i32 to index
        %get3A_414 = tpu.vector_load %arg9[%get3A_413] {strides = array<i32>} : memref<16384xf32, #tpu.memory_space<vmem>>, vector<16xf32>,
        %get3A_415 = vector.shape_cast %get3A_414 : vector<16xf32> to vector<16xf32>
        %add3A_416 = arith.constant 9.99999997E-7 : f32
        %add3A_417 = vector.broadcast %add3A_416 : f32 to vector<16xf32>
        %add3A_418 = arith.addf %get3A_398, %add3A_417 : vector<16xf32>
        %div3A_419 = arith.divf %get3A_415, %add3A_418 : vector<16xf32>
        %sub3A_420 = vector.broadcast %squeeze3A_403 : f32 to vector<16xf32>
        %sub3A_421 = arith.subf %sub3A_420, %get3A_393 : vector<16xf32>
        %mul3A_422 = arith.mulf %div3A_419, %sub3A_421 : vector<16xf32>
        %add3A_423 = arith.addf %get3A_408, %mul3A_422 : vector<16xf32>
        %mul3A_424 = arith.constant 16 : i32
        %mul3A_425 = arith.muli %scan3A_383, %mul3A_424 : i32
        %swap3A_426 = arith.index_cast %mul3A_425 : i32 to index
        %swap3A_427 = tpu.vector_load %arg12[%swap3A_426] {strides = array<i32>} : memref<8192xf32, #tpu.memory_space<vmem>>, vector<16xf32>,
        %swap3A_428 = vector.shape_cast %swap3A_427 : vector<16xf32> to vector<16xf32>
        %swap3A_429 = vector.shape_cast %add3A_423 : vector<16xf32> to vector<16xf32>
        tpu.vector_store %arg12[%swap3A_426], %swap3A_429 {strides = array<i32>} : memref<8192xf32, #tpu.memory_space<vmem>>, vector<16xf32>,
      }
      %scan3A_48 = arith.constant 512 : i32
      %mul3A_49 = arith.constant 16 : i32
      %mul3A_50 = arith.muli %mul3A_40, %mul3A_49 : i32
      "tpu.region"() ({
        %run_scoped3A = tpu.sem_alloc : memref<!tpu.dma_semaphore, #tpu.memory_space<semaphore_mem>>
        %dma_start3A = tpu.memref_slice %arg6[%mul3A_50] : memref<802816xf32, #tpu.memory_space<hbm>> -> memref<8192xf32, #tpu.memory_space<hbm>>
        %dma_start3A_51 = tpu.memref_slice %arg6[%mul3A_50] : memref<802816xf32, #tpu.memory_space<hbm>> -> memref<8192xf32, #tpu.memory_space<hbm>>
        tpu.enqueue_dma source(%arg12 : memref<8192xf32, #tpu.memory_space<vmem>>) target(%dma_start3A_51 : memref<8192xf32, #tpu.memory_space<hbm>>) target_semaphore(%run_scoped3A : memref<!tpu.dma_semaphore, #tpu.memory_space<semaphore_mem>>)
        %dma_wait3A = tpu.memref_slice %arg6[%mul3A_50] : memref<802816xf32, #tpu.memory_space<hbm>> -> memref<8192xf32, #tpu.memory_space<hbm>>
        %dma_wait3A_52 = tpu.memref_slice %arg6[%mul3A_50] : memref<802816xf32, #tpu.memory_space<hbm>> -> memref<8192xf32, #tpu.memory_space<hbm>>
        tpu.wait_dma2 semaphore(%run_scoped3A : memref<!tpu.dma_semaphore, #tpu.memory_space<semaphore_mem>>) src(%arg12 : memref<8192xf32, #tpu.memory_space<vmem>>) dst(%dma_wait3A_52 : memref<8192xf32, #tpu.memory_space<hbm>>)
        tpu.yield
      }) : () -> ()
    }
    %while3A_34 = arith.constant 1 : i32
    scf.for %while3A_35 = %while3A_32 to %while3A_28 step %while3A_34  : i32 {
      %mul3A_36 = arith.constant 32 : i32
      %mul3A_37 = arith.muli %while3A_35, %mul3A_36 : i32
      %add3A_38 = arith.addi %add3A, %mul3A_37 : i32
      %mul3A_39 = arith.constant 512 : i32
      %mul3A_40 = arith.muli %add3A_38, %mul3A_39 : i32
      %mul3A_41 = arith.constant 32 : i32
      %mul3A_42 = arith.muli %mul3A_40, %mul3A_41 : i32
      "tpu.region"() ({
        %run_scoped3A = tpu.sem_alloc : memref<!tpu.dma_semaphore, #tpu.memory_space<semaphore_mem>>
        %dma_start3A = tpu.memref_slice %arg2[%mul3A_42] : memref<1605632xf32, #tpu.memory_space<hbm>> -> memref<16384xf32, #tpu.memory_space<hbm>>
        %dma_start3A_51 = tpu.memref_slice %arg2[%mul3A_42] : memref<1605632xf32, #tpu.memory_space<hbm>> -> memref<16384xf32, #tpu.memory_space<hbm>>
        tpu.enqueue_dma source(%dma_start3A_51 : memref<16384xf32, #tpu.memory_space<hbm>>) target(%arg9 : memref<16384xf32, #tpu.memory_space<vmem>>) target_semaphore(%run_scoped3A : memref<!tpu.dma_semaphore, #tpu.memory_space<semaphore_mem>>)
        %dma_wait3A = tpu.memref_slice %arg2[%mul3A_42] : memref<1605632xf32, #tpu.memory_space<hbm>> -> memref<16384xf32, #tpu.memory_space<hbm>>
        %dma_wait3A_52 = tpu.memref_slice %arg2[%mul3A_42] : memref<1605632xf32, #tpu.memory_space<hbm>> -> memref<16384xf32, #tpu.memory_space<hbm>>
        tpu.wait_dma2 semaphore(%run_scoped3A : memref<!tpu.dma_semaphore, #tpu.memory_space<semaphore_mem>>) src(%dma_wait3A_52 : memref<16384xf32, #tpu.memory_space<hbm>>) dst(%arg9 : memref<16384xf32, #tpu.memory_space<vmem>>)
        tpu.yield
      }) : () -> ()
      "tpu.region"() ({
        %run_scoped3A = tpu.sem_alloc : memref<!tpu.dma_semaphore, #tpu.memory_space<semaphore_mem>>
        %dma_start3A = arith.constant 0 : i32
        %dma_start3A_51 = tpu.memref_slice %arg10[%dma_start3A] : memref<528xi32, #tpu.memory_space<vmem>> -> memref<512xi32, #tpu.memory_space<vmem>>
        %dma_start3A_52 = tpu.memref_slice %arg3[%mul3A_40] : memref<50176xi32, #tpu.memory_space<hbm>> -> memref<512xi32, #tpu.memory_space<hbm>>
        %dma_start3A_53 = arith.constant 0 : i32
        %dma_start3A_54 = tpu.memref_slice %arg10[%dma_start3A_53] : memref<528xi32, #tpu.memory_space<vmem>> -> memref<512xi32, #tpu.memory_space<vmem>>
        %dma_start3A_55 = tpu.memref_slice %arg3[%mul3A_40] : memref<50176xi32, #tpu.memory_space<hbm>> -> memref<512xi32, #tpu.memory_space<hbm>>
        tpu.enqueue_dma source(%dma_start3A_55 : memref<512xi32, #tpu.memory_space<hbm>>) target(%dma_start3A_54 : memref<512xi32, #tpu.memory_space<vmem>>) target_semaphore(%run_scoped3A : memref<!tpu.dma_semaphore, #tpu.memory_space<semaphore_mem>>)
        %dma_wait3A = arith.constant 0 : i32
        %dma_wait3A_56 = tpu.memref_slice %arg10[%dma_wait3A] : memref<528xi32, #tpu.memory_space<vmem>> -> memref<512xi32, #tpu.memory_space<vmem>>
        %dma_wait3A_57 = tpu.memref_slice %arg3[%mul3A_40] : memref<50176xi32, #tpu.memory_space<hbm>> -> memref<512xi32, #tpu.memory_space<hbm>>
        %dma_wait3A_58 = arith.constant 0 : i32
        %dma_wait3A_59 = tpu.memref_slice %arg10[%dma_wait3A_58] : memref<528xi32, #tpu.memory_space<vmem>> -> memref<512xi32, #tpu.memory_space<vmem>>
        %dma_wait3A_60 = tpu.memref_slice %arg3[%mul3A_40] : memref<50176xi32, #tpu.memory_space<hbm>> -> memref<512xi32, #tpu.memory_space<hbm>>
        tpu.wait_dma2 semaphore(%run_scoped3A : memref<!tpu.dma_semaphore, #tpu.memory_space<semaphore_mem>>) src(%dma_wait3A_60 : memref<512xi32, #tpu.memory_space<hbm>>) dst(%dma_wait3A_59 : memref<512xi32, #tpu.memory_space<vmem>>)
        tpu.yield
      }) : () -> ()
      "tpu.region"() ({
        %run_scoped3A = tpu.sem_alloc : memref<!tpu.dma_semaphore, #tpu.memory_space<semaphore_mem>>
        %dma_start3A = arith.constant 0 : i32
        %dma_start3A_51 = tpu.memref_slice %arg11[%dma_start3A] : memref<528xf32, #tpu.memory_space<vmem>> -> memref<512xf32, #tpu.memory_space<vmem>>
        %dma_start3A_52 = tpu.memref_slice %arg4[%mul3A_40] : memref<50176xf32, #tpu.memory_space<hbm>> -> memref<512xf32, #tpu.memory_space<hbm>>
        %dma_start3A_53 = arith.constant 0 : i32
        %dma_start3A_54 = tpu.memref_slice %arg11[%dma_start3A_53] : memref<528xf32, #tpu.memory_space<vmem>> -> memref<512xf32, #tpu.memory_space<vmem>>
        %dma_start3A_55 = tpu.memref_slice %arg4[%mul3A_40] : memref<50176xf32, #tpu.memory_space<hbm>> -> memref<512xf32, #tpu.memory_space<hbm>>
        tpu.enqueue_dma source(%dma_start3A_55 : memref<512xf32, #tpu.memory_space<hbm>>) target(%dma_start3A_54 : memref<512xf32, #tpu.memory_space<vmem>>) target_semaphore(%run_scoped3A : memref<!tpu.dma_semaphore, #tpu.memory_space<semaphore_mem>>)
        %dma_wait3A = arith.constant 0 : i32
        %dma_wait3A_56 = tpu.memref_slice %arg11[%dma_wait3A] : memref<528xf32, #tpu.memory_space<vmem>> -> memref<512xf32, #tpu.memory_space<vmem>>
        %dma_wait3A_57 = tpu.memref_slice %arg4[%mul3A_40] : memref<50176xf32, #tpu.memory_space<hbm>> -> memref<512xf32, #tpu.memory_space<hbm>>
        %dma_wait3A_58 = arith.constant 0 : i32
        %dma_wait3A_59 = tpu.memref_slice %arg11[%dma_wait3A_58] : memref<528xf32, #tpu.memory_space<vmem>> -> memref<512xf32, #tpu.memory_space<vmem>>
        %dma_wait3A_60 = tpu.memref_slice %arg4[%mul3A_40] : memref<50176xf32, #tpu.memory_space<hbm>> -> memref<512xf32, #tpu.memory_space<hbm>>
        tpu.wait_dma2 semaphore(%run_scoped3A : memref<!tpu.dma_semaphore, #tpu.memory_space<semaphore_mem>>) src(%dma_wait3A_60 : memref<512xf32, #tpu.memory_space<hbm>>) dst(%dma_wait3A_59 : memref<512xf32, #tpu.memory_space<vmem>>)
        tpu.yield
      }) : () -> ()
      %scan3A_43 = arith.constant 0 : i32
      %scan3A_44 = arith.constant 0 : i32
      %scan3A_45 = arith.constant 512 : i32
      %scan3A_46 = arith.addi %scan3A_44, %scan3A_45 : i32
      %scan3A_47 = arith.constant 8 : i32
      scf.for %scan3A_51 = %scan3A_44 to %scan3A_46 step %scan3A_47  : i32 {
        %get3A = arith.index_cast %scan3A_51 : i32 to index
        %get3A_52 = tpu.vector_load %arg10[%get3A] {strides = array<i32>} : memref<528xi32, #tpu.memory_space<vmem>>, vector<16xi32>,
        %get3A_53 = vector.shape_cast %get3A_52 : vector<16xi32> to vector<16xi32>
        %slice3A = vector.extract_strided_slice %get3A_53 {offsets = [0], sizes = [1], strides = [1]} : vector<16xi32> to vector<1xi32>
        %squeeze3A = vector.extract %slice3A[0] : i32 from vector<1xi32>
        %mul3A_54 = arith.constant 32 : i32
        %mul3A_55 = arith.muli %squeeze3A, %mul3A_54 : i32
        %get3A_56 = arith.index_cast %mul3A_55 : i32 to index
        %get3A_57 = tpu.vector_load %arg7[%get3A_56] {strides = array<i32>} : memref<32768xf32, #tpu.memory_space<vmem>>, vector<16xf32>,
        %get3A_58 = vector.shape_cast %get3A_57 : vector<16xf32> to vector<16xf32>
        %add3A_59 = arith.constant 16 : i32
        %add3A_60 = arith.addi %mul3A_55, %add3A_59 : i32
        %get3A_61 = arith.index_cast %add3A_60 : i32 to index
        %get3A_62 = tpu.vector_load %arg7[%get3A_61] {strides = array<i32>} : memref<32768xf32, #tpu.memory_space<vmem>>, vector<16xf32>,
        %get3A_63 = vector.shape_cast %get3A_62 : vector<16xf32> to vector<16xf32>
        %get3A_64 = arith.index_cast %scan3A_51 : i32 to index
        %get3A_65 = tpu.vector_load %arg11[%get3A_64] {strides = array<i32>} : memref<528xf32, #tpu.memory_space<vmem>>, vector<16xf32>,
        %get3A_66 = vector.shape_cast %get3A_65 : vector<16xf32> to vector<16xf32>
        %slice3A_67 = vector.extract_strided_slice %get3A_66 {offsets = [0], sizes = [1], strides = [1]} : vector<16xf32> to vector<1xf32>
        %squeeze3A_68 = vector.extract %slice3A_67[0] : f32 from vector<1xf32>
        %mul3A_69 = arith.constant 32 : i32
        %mul3A_70 = arith.muli %scan3A_51, %mul3A_69 : i32
        %get3A_71 = arith.index_cast %mul3A_70 : i32 to index
        %get3A_72 = tpu.vector_load %arg9[%get3A_71] {strides = array<i32>} : memref<16384xf32, #tpu.memory_space<vmem>>, vector<16xf32>,
        %get3A_73 = vector.shape_cast %get3A_72 : vector<16xf32> to vector<16xf32>
        %mul3A_74 = arith.constant 32 : i32
        %mul3A_75 = arith.muli %scan3A_51, %mul3A_74 : i32
        %add3A_76 = arith.constant 16 : i32
        %add3A_77 = arith.addi %mul3A_75, %add3A_76 : i32
        %get3A_78 = arith.index_cast %add3A_77 : i32 to index
        %get3A_79 = tpu.vector_load %arg9[%get3A_78] {strides = array<i32>} : memref<16384xf32, #tpu.memory_space<vmem>>, vector<16xf32>,
        %get3A_80 = vector.shape_cast %get3A_79 : vector<16xf32> to vector<16xf32>
        %add3A_81 = arith.constant 9.99999997E-7 : f32
        %add3A_82 = vector.broadcast %add3A_81 : f32 to vector<16xf32>
        %add3A_83 = arith.addf %get3A_63, %add3A_82 : vector<16xf32>
        %div3A_84 = arith.divf %get3A_80, %add3A_83 : vector<16xf32>
        %sub3A_85 = vector.broadcast %squeeze3A_68 : f32 to vector<16xf32>
        %sub3A_86 = arith.subf %sub3A_85, %get3A_58 : vector<16xf32>
        %mul3A_87 = arith.mulf %div3A_84, %sub3A_86 : vector<16xf32>
        %add3A_88 = arith.addf %get3A_73, %mul3A_87 : vector<16xf32>
        %mul3A_89 = arith.constant 16 : i32
        %mul3A_90 = arith.muli %scan3A_51, %mul3A_89 : i32
        %swap3A = arith.index_cast %mul3A_90 : i32 to index
        %swap3A_91 = tpu.vector_load %arg12[%swap3A] {strides = array<i32>} : memref<8192xf32, #tpu.memory_space<vmem>>, vector<16xf32>,
        %swap3A_92 = vector.shape_cast %swap3A_91 : vector<16xf32> to vector<16xf32>
        %swap3A_93 = vector.shape_cast %add3A_88 : vector<16xf32> to vector<16xf32>
        tpu.vector_store %arg12[%swap3A], %swap3A_93 {strides = array<i32>} : memref<8192xf32, #tpu.memory_space<vmem>>, vector<16xf32>,
        %scan3A_94 = arith.constant 1 : i32
        %scan3A_95 = arith.addi %scan3A_51, %scan3A_94 : i32
        %get3A_96 = arith.index_cast %scan3A_95 : i32 to index
        %get3A_97 = tpu.vector_load %arg10[%get3A_96] {strides = array<i32>} : memref<528xi32, #tpu.memory_space<vmem>>, vector<16xi32>,
        %get3A_98 = vector.shape_cast %get3A_97 : vector<16xi32> to vector<16xi32>
        %slice3A_99 = vector.extract_strided_slice %get3A_98 {offsets = [0], sizes = [1], strides = [1]} : vector<16xi32> to vector<1xi32>
        %squeeze3A_100 = vector.extract %slice3A_99[0] : i32 from vector<1xi32>
        %mul3A_101 = arith.constant 32 : i32
        %mul3A_102 = arith.muli %squeeze3A_100, %mul3A_101 : i32
        %get3A_103 = arith.index_cast %mul3A_102 : i32 to index
        %get3A_104 = tpu.vector_load %arg7[%get3A_103] {strides = array<i32>} : memref<32768xf32, #tpu.memory_space<vmem>>, vector<16xf32>,
        %get3A_105 = vector.shape_cast %get3A_104 : vector<16xf32> to vector<16xf32>
        %add3A_106 = arith.constant 16 : i32
        %add3A_107 = arith.addi %mul3A_102, %add3A_106 : i32
        %get3A_108 = arith.index_cast %add3A_107 : i32 to index
        %get3A_109 = tpu.vector_load %arg7[%get3A_108] {strides = array<i32>} : memref<32768xf32, #tpu.memory_space<vmem>>, vector<16xf32>,
        %get3A_110 = vector.shape_cast %get3A_109 : vector<16xf32> to vector<16xf32>
        %get3A_111 = arith.index_cast %scan3A_95 : i32 to index
        %get3A_112 = tpu.vector_load %arg11[%get3A_111] {strides = array<i32>} : memref<528xf32, #tpu.memory_space<vmem>>, vector<16xf32>,
        %get3A_113 = vector.shape_cast %get3A_112 : vector<16xf32> to vector<16xf32>
        %slice3A_114 = vector.extract_strided_slice %get3A_113 {offsets = [0], sizes = [1], strides = [1]} : vector<16xf32> to vector<1xf32>
        %squeeze3A_115 = vector.extract %slice3A_114[0] : f32 from vector<1xf32>
        %mul3A_116 = arith.constant 32 : i32
        %mul3A_117 = arith.muli %scan3A_95, %mul3A_116 : i32
        %get3A_118 = arith.index_cast %mul3A_117 : i32 to index
        %get3A_119 = tpu.vector_load %arg9[%get3A_118] {strides = array<i32>} : memref<16384xf32, #tpu.memory_space<vmem>>, vector<16xf32>,
        %get3A_120 = vector.shape_cast %get3A_119 : vector<16xf32> to vector<16xf32>
        %mul3A_121 = arith.constant 32 : i32
        %mul3A_122 = arith.muli %scan3A_95, %mul3A_121 : i32
        %add3A_123 = arith.constant 16 : i32
        %add3A_124 = arith.addi %mul3A_122, %add3A_123 : i32
        %get3A_125 = arith.index_cast %add3A_124 : i32 to index
        %get3A_126 = tpu.vector_load %arg9[%get3A_125] {strides = array<i32>} : memref<16384xf32, #tpu.memory_space<vmem>>, vector<16xf32>,
        %get3A_127 = vector.shape_cast %get3A_126 : vector<16xf32> to vector<16xf32>
        %add3A_128 = arith.constant 9.99999997E-7 : f32
        %add3A_129 = vector.broadcast %add3A_128 : f32 to vector<16xf32>
        %add3A_130 = arith.addf %get3A_110, %add3A_129 : vector<16xf32>
        %div3A_131 = arith.divf %get3A_127, %add3A_130 : vector<16xf32>
        %sub3A_132 = vector.broadcast %squeeze3A_115 : f32 to vector<16xf32>
        %sub3A_133 = arith.subf %sub3A_132, %get3A_105 : vector<16xf32>
        %mul3A_134 = arith.mulf %div3A_131, %sub3A_133 : vector<16xf32>
        %add3A_135 = arith.addf %get3A_120, %mul3A_134 : vector<16xf32>
        %mul3A_136 = arith.constant 16 : i32
        %mul3A_137 = arith.muli %scan3A_95, %mul3A_136 : i32
        %swap3A_138 = arith.index_cast %mul3A_137 : i32 to index
        %swap3A_139 = tpu.vector_load %arg12[%swap3A_138] {strides = array<i32>} : memref<8192xf32, #tpu.memory_space<vmem>>, vector<16xf32>,
        %swap3A_140 = vector.shape_cast %swap3A_139 : vector<16xf32> to vector<16xf32>
        %swap3A_141 = vector.shape_cast %add3A_135 : vector<16xf32> to vector<16xf32>
        tpu.vector_store %arg12[%swap3A_138], %swap3A_141 {strides = array<i32>} : memref<8192xf32, #tpu.memory_space<vmem>>, vector<16xf32>,
        %scan3A_142 = arith.constant 2 : i32
        %scan3A_143 = arith.addi %scan3A_51, %scan3A_142 : i32
        %get3A_144 = arith.index_cast %scan3A_143 : i32 to index
        %get3A_145 = tpu.vector_load %arg10[%get3A_144] {strides = array<i32>} : memref<528xi32, #tpu.memory_space<vmem>>, vector<16xi32>,
        %get3A_146 = vector.shape_cast %get3A_145 : vector<16xi32> to vector<16xi32>
        %slice3A_147 = vector.extract_strided_slice %get3A_146 {offsets = [0], sizes = [1], strides = [1]} : vector<16xi32> to vector<1xi32>
        %squeeze3A_148 = vector.extract %slice3A_147[0] : i32 from vector<1xi32>
        %mul3A_149 = arith.constant 32 : i32
        %mul3A_150 = arith.muli %squeeze3A_148, %mul3A_149 : i32
        %get3A_151 = arith.index_cast %mul3A_150 : i32 to index
        %get3A_152 = tpu.vector_load %arg7[%get3A_151] {strides = array<i32>} : memref<32768xf32, #tpu.memory_space<vmem>>, vector<16xf32>,
        %get3A_153 = vector.shape_cast %get3A_152 : vector<16xf32> to vector<16xf32>
        %add3A_154 = arith.constant 16 : i32
        %add3A_155 = arith.addi %mul3A_150, %add3A_154 : i32
        %get3A_156 = arith.index_cast %add3A_155 : i32 to index
        %get3A_157 = tpu.vector_load %arg7[%get3A_156] {strides = array<i32>} : memref<32768xf32, #tpu.memory_space<vmem>>, vector<16xf32>,
        %get3A_158 = vector.shape_cast %get3A_157 : vector<16xf32> to vector<16xf32>
        %get3A_159 = arith.index_cast %scan3A_143 : i32 to index
        %get3A_160 = tpu.vector_load %arg11[%get3A_159] {strides = array<i32>} : memref<528xf32, #tpu.memory_space<vmem>>, vector<16xf32>,
        %get3A_161 = vector.shape_cast %get3A_160 : vector<16xf32> to vector<16xf32>
        %slice3A_162 = vector.extract_strided_slice %get3A_161 {offsets = [0], sizes = [1], strides = [1]} : vector<16xf32> to vector<1xf32>
        %squeeze3A_163 = vector.extract %slice3A_162[0] : f32 from vector<1xf32>
        %mul3A_164 = arith.constant 32 : i32
        %mul3A_165 = arith.muli %scan3A_143, %mul3A_164 : i32
        %get3A_166 = arith.index_cast %mul3A_165 : i32 to index
        %get3A_167 = tpu.vector_load %arg9[%get3A_166] {strides = array<i32>} : memref<16384xf32, #tpu.memory_space<vmem>>, vector<16xf32>,
        %get3A_168 = vector.shape_cast %get3A_167 : vector<16xf32> to vector<16xf32>
        %mul3A_169 = arith.constant 32 : i32
        %mul3A_170 = arith.muli %scan3A_143, %mul3A_169 : i32
        %add3A_171 = arith.constant 16 : i32
        %add3A_172 = arith.addi %mul3A_170, %add3A_171 : i32
        %get3A_173 = arith.index_cast %add3A_172 : i32 to index
        %get3A_174 = tpu.vector_load %arg9[%get3A_173] {strides = array<i32>} : memref<16384xf32, #tpu.memory_space<vmem>>, vector<16xf32>,
        %get3A_175 = vector.shape_cast %get3A_174 : vector<16xf32> to vector<16xf32>
        %add3A_176 = arith.constant 9.99999997E-7 : f32
        %add3A_177 = vector.broadcast %add3A_176 : f32 to vector<16xf32>
        %add3A_178 = arith.addf %get3A_158, %add3A_177 : vector<16xf32>
        %div3A_179 = arith.divf %get3A_175, %add3A_178 : vector<16xf32>
        %sub3A_180 = vector.broadcast %squeeze3A_163 : f32 to vector<16xf32>
        %sub3A_181 = arith.subf %sub3A_180, %get3A_153 : vector<16xf32>
        %mul3A_182 = arith.mulf %div3A_179, %sub3A_181 : vector<16xf32>
        %add3A_183 = arith.addf %get3A_168, %mul3A_182 : vector<16xf32>
        %mul3A_184 = arith.constant 16 : i32
        %mul3A_185 = arith.muli %scan3A_143, %mul3A_184 : i32
        %swap3A_186 = arith.index_cast %mul3A_185 : i32 to index
        %swap3A_187 = tpu.vector_load %arg12[%swap3A_186] {strides = array<i32>} : memref<8192xf32, #tpu.memory_space<vmem>>, vector<16xf32>,
        %swap3A_188 = vector.shape_cast %swap3A_187 : vector<16xf32> to vector<16xf32>
        %swap3A_189 = vector.shape_cast %add3A_183 : vector<16xf32> to vector<16xf32>
        tpu.vector_store %arg12[%swap3A_186], %swap3A_189 {strides = array<i32>} : memref<8192xf32, #tpu.memory_space<vmem>>, vector<16xf32>,
        %scan3A_190 = arith.constant 3 : i32
        %scan3A_191 = arith.addi %scan3A_51, %scan3A_190 : i32
        %get3A_192 = arith.index_cast %scan3A_191 : i32 to index
        %get3A_193 = tpu.vector_load %arg10[%get3A_192] {strides = array<i32>} : memref<528xi32, #tpu.memory_space<vmem>>, vector<16xi32>,
        %get3A_194 = vector.shape_cast %get3A_193 : vector<16xi32> to vector<16xi32>
        %slice3A_195 = vector.extract_strided_slice %get3A_194 {offsets = [0], sizes = [1], strides = [1]} : vector<16xi32> to vector<1xi32>
        %squeeze3A_196 = vector.extract %slice3A_195[0] : i32 from vector<1xi32>
        %mul3A_197 = arith.constant 32 : i32
        %mul3A_198 = arith.muli %squeeze3A_196, %mul3A_197 : i32
        %get3A_199 = arith.index_cast %mul3A_198 : i32 to index
        %get3A_200 = tpu.vector_load %arg7[%get3A_199] {strides = array<i32>} : memref<32768xf32, #tpu.memory_space<vmem>>, vector<16xf32>,
        %get3A_201 = vector.shape_cast %get3A_200 : vector<16xf32> to vector<16xf32>
        %add3A_202 = arith.constant 16 : i32
        %add3A_203 = arith.addi %mul3A_198, %add3A_202 : i32
        %get3A_204 = arith.index_cast %add3A_203 : i32 to index
        %get3A_205 = tpu.vector_load %arg7[%get3A_204] {strides = array<i32>} : memref<32768xf32, #tpu.memory_space<vmem>>, vector<16xf32>,
        %get3A_206 = vector.shape_cast %get3A_205 : vector<16xf32> to vector<16xf32>
        %get3A_207 = arith.index_cast %scan3A_191 : i32 to index
        %get3A_208 = tpu.vector_load %arg11[%get3A_207] {strides = array<i32>} : memref<528xf32, #tpu.memory_space<vmem>>, vector<16xf32>,
        %get3A_209 = vector.shape_cast %get3A_208 : vector<16xf32> to vector<16xf32>
        %slice3A_210 = vector.extract_strided_slice %get3A_209 {offsets = [0], sizes = [1], strides = [1]} : vector<16xf32> to vector<1xf32>
        %squeeze3A_211 = vector.extract %slice3A_210[0] : f32 from vector<1xf32>
        %mul3A_212 = arith.constant 32 : i32
        %mul3A_213 = arith.muli %scan3A_191, %mul3A_212 : i32
        %get3A_214 = arith.index_cast %mul3A_213 : i32 to index
        %get3A_215 = tpu.vector_load %arg9[%get3A_214] {strides = array<i32>} : memref<16384xf32, #tpu.memory_space<vmem>>, vector<16xf32>,
        %get3A_216 = vector.shape_cast %get3A_215 : vector<16xf32> to vector<16xf32>
        %mul3A_217 = arith.constant 32 : i32
        %mul3A_218 = arith.muli %scan3A_191, %mul3A_217 : i32
        %add3A_219 = arith.constant 16 : i32
        %add3A_220 = arith.addi %mul3A_218, %add3A_219 : i32
        %get3A_221 = arith.index_cast %add3A_220 : i32 to index
        %get3A_222 = tpu.vector_load %arg9[%get3A_221] {strides = array<i32>} : memref<16384xf32, #tpu.memory_space<vmem>>, vector<16xf32>,
        %get3A_223 = vector.shape_cast %get3A_222 : vector<16xf32> to vector<16xf32>
        %add3A_224 = arith.constant 9.99999997E-7 : f32
        %add3A_225 = vector.broadcast %add3A_224 : f32 to vector<16xf32>
        %add3A_226 = arith.addf %get3A_206, %add3A_225 : vector<16xf32>
        %div3A_227 = arith.divf %get3A_223, %add3A_226 : vector<16xf32>
        %sub3A_228 = vector.broadcast %squeeze3A_211 : f32 to vector<16xf32>
        %sub3A_229 = arith.subf %sub3A_228, %get3A_201 : vector<16xf32>
        %mul3A_230 = arith.mulf %div3A_227, %sub3A_229 : vector<16xf32>
        %add3A_231 = arith.addf %get3A_216, %mul3A_230 : vector<16xf32>
        %mul3A_232 = arith.constant 16 : i32
        %mul3A_233 = arith.muli %scan3A_191, %mul3A_232 : i32
        %swap3A_234 = arith.index_cast %mul3A_233 : i32 to index
        %swap3A_235 = tpu.vector_load %arg12[%swap3A_234] {strides = array<i32>} : memref<8192xf32, #tpu.memory_space<vmem>>, vector<16xf32>,
        %swap3A_236 = vector.shape_cast %swap3A_235 : vector<16xf32> to vector<16xf32>
        %swap3A_237 = vector.shape_cast %add3A_231 : vector<16xf32> to vector<16xf32>
        tpu.vector_store %arg12[%swap3A_234], %swap3A_237 {strides = array<i32>} : memref<8192xf32, #tpu.memory_space<vmem>>, vector<16xf32>,
        %scan3A_238 = arith.constant 4 : i32
        %scan3A_239 = arith.addi %scan3A_51, %scan3A_238 : i32
        %get3A_240 = arith.index_cast %scan3A_239 : i32 to index
        %get3A_241 = tpu.vector_load %arg10[%get3A_240] {strides = array<i32>} : memref<528xi32, #tpu.memory_space<vmem>>, vector<16xi32>,
        %get3A_242 = vector.shape_cast %get3A_241 : vector<16xi32> to vector<16xi32>
        %slice3A_243 = vector.extract_strided_slice %get3A_242 {offsets = [0], sizes = [1], strides = [1]} : vector<16xi32> to vector<1xi32>
        %squeeze3A_244 = vector.extract %slice3A_243[0] : i32 from vector<1xi32>
        %mul3A_245 = arith.constant 32 : i32
        %mul3A_246 = arith.muli %squeeze3A_244, %mul3A_245 : i32
        %get3A_247 = arith.index_cast %mul3A_246 : i32 to index
        %get3A_248 = tpu.vector_load %arg7[%get3A_247] {strides = array<i32>} : memref<32768xf32, #tpu.memory_space<vmem>>, vector<16xf32>,
        %get3A_249 = vector.shape_cast %get3A_248 : vector<16xf32> to vector<16xf32>
        %add3A_250 = arith.constant 16 : i32
        %add3A_251 = arith.addi %mul3A_246, %add3A_250 : i32
        %get3A_252 = arith.index_cast %add3A_251 : i32 to index
        %get3A_253 = tpu.vector_load %arg7[%get3A_252] {strides = array<i32>} : memref<32768xf32, #tpu.memory_space<vmem>>, vector<16xf32>,
        %get3A_254 = vector.shape_cast %get3A_253 : vector<16xf32> to vector<16xf32>
        %get3A_255 = arith.index_cast %scan3A_239 : i32 to index
        %get3A_256 = tpu.vector_load %arg11[%get3A_255] {strides = array<i32>} : memref<528xf32, #tpu.memory_space<vmem>>, vector<16xf32>,
        %get3A_257 = vector.shape_cast %get3A_256 : vector<16xf32> to vector<16xf32>
        %slice3A_258 = vector.extract_strided_slice %get3A_257 {offsets = [0], sizes = [1], strides = [1]} : vector<16xf32> to vector<1xf32>
        %squeeze3A_259 = vector.extract %slice3A_258[0] : f32 from vector<1xf32>
        %mul3A_260 = arith.constant 32 : i32
        %mul3A_261 = arith.muli %scan3A_239, %mul3A_260 : i32
        %get3A_262 = arith.index_cast %mul3A_261 : i32 to index
        %get3A_263 = tpu.vector_load %arg9[%get3A_262] {strides = array<i32>} : memref<16384xf32, #tpu.memory_space<vmem>>, vector<16xf32>,
        %get3A_264 = vector.shape_cast %get3A_263 : vector<16xf32> to vector<16xf32>
        %mul3A_265 = arith.constant 32 : i32
        %mul3A_266 = arith.muli %scan3A_239, %mul3A_265 : i32
        %add3A_267 = arith.constant 16 : i32
        %add3A_268 = arith.addi %mul3A_266, %add3A_267 : i32
        %get3A_269 = arith.index_cast %add3A_268 : i32 to index
        %get3A_270 = tpu.vector_load %arg9[%get3A_269] {strides = array<i32>} : memref<16384xf32, #tpu.memory_space<vmem>>, vector<16xf32>,
        %get3A_271 = vector.shape_cast %get3A_270 : vector<16xf32> to vector<16xf32>
        %add3A_272 = arith.constant 9.99999997E-7 : f32
        %add3A_273 = vector.broadcast %add3A_272 : f32 to vector<16xf32>
        %add3A_274 = arith.addf %get3A_254, %add3A_273 : vector<16xf32>
        %div3A_275 = arith.divf %get3A_271, %add3A_274 : vector<16xf32>
        %sub3A_276 = vector.broadcast %squeeze3A_259 : f32 to vector<16xf32>
        %sub3A_277 = arith.subf %sub3A_276, %get3A_249 : vector<16xf32>
        %mul3A_278 = arith.mulf %div3A_275, %sub3A_277 : vector<16xf32>
        %add3A_279 = arith.addf %get3A_264, %mul3A_278 : vector<16xf32>
        %mul3A_280 = arith.constant 16 : i32
        %mul3A_281 = arith.muli %scan3A_239, %mul3A_280 : i32
        %swap3A_282 = arith.index_cast %mul3A_281 : i32 to index
        %swap3A_283 = tpu.vector_load %arg12[%swap3A_282] {strides = array<i32>} : memref<8192xf32, #tpu.memory_space<vmem>>, vector<16xf32>,
        %swap3A_284 = vector.shape_cast %swap3A_283 : vector<16xf32> to vector<16xf32>
        %swap3A_285 = vector.shape_cast %add3A_279 : vector<16xf32> to vector<16xf32>
        tpu.vector_store %arg12[%swap3A_282], %swap3A_285 {strides = array<i32>} : memref<8192xf32, #tpu.memory_space<vmem>>, vector<16xf32>,
        %scan3A_286 = arith.constant 5 : i32
        %scan3A_287 = arith.addi %scan3A_51, %scan3A_286 : i32
        %get3A_288 = arith.index_cast %scan3A_287 : i32 to index
        %get3A_289 = tpu.vector_load %arg10[%get3A_288] {strides = array<i32>} : memref<528xi32, #tpu.memory_space<vmem>>, vector<16xi32>,
        %get3A_290 = vector.shape_cast %get3A_289 : vector<16xi32> to vector<16xi32>
        %slice3A_291 = vector.extract_strided_slice %get3A_290 {offsets = [0], sizes = [1], strides = [1]} : vector<16xi32> to vector<1xi32>
        %squeeze3A_292 = vector.extract %slice3A_291[0] : i32 from vector<1xi32>
        %mul3A_293 = arith.constant 32 : i32
        %mul3A_294 = arith.muli %squeeze3A_292, %mul3A_293 : i32
        %get3A_295 = arith.index_cast %mul3A_294 : i32 to index
        %get3A_296 = tpu.vector_load %arg7[%get3A_295] {strides = array<i32>} : memref<32768xf32, #tpu.memory_space<vmem>>, vector<16xf32>,
        %get3A_297 = vector.shape_cast %get3A_296 : vector<16xf32> to vector<16xf32>
        %add3A_298 = arith.constant 16 : i32
        %add3A_299 = arith.addi %mul3A_294, %add3A_298 : i32
        %get3A_300 = arith.index_cast %add3A_299 : i32 to index
        %get3A_301 = tpu.vector_load %arg7[%get3A_300] {strides = array<i32>} : memref<32768xf32, #tpu.memory_space<vmem>>, vector<16xf32>,
        %get3A_302 = vector.shape_cast %get3A_301 : vector<16xf32> to vector<16xf32>
        %get3A_303 = arith.index_cast %scan3A_287 : i32 to index
        %get3A_304 = tpu.vector_load %arg11[%get3A_303] {strides = array<i32>} : memref<528xf32, #tpu.memory_space<vmem>>, vector<16xf32>,
        %get3A_305 = vector.shape_cast %get3A_304 : vector<16xf32> to vector<16xf32>
        %slice3A_306 = vector.extract_strided_slice %get3A_305 {offsets = [0], sizes = [1], strides = [1]} : vector<16xf32> to vector<1xf32>
        %squeeze3A_307 = vector.extract %slice3A_306[0] : f32 from vector<1xf32>
        %mul3A_308 = arith.constant 32 : i32
        %mul3A_309 = arith.muli %scan3A_287, %mul3A_308 : i32
        %get3A_310 = arith.index_cast %mul3A_309 : i32 to index
        %get3A_311 = tpu.vector_load %arg9[%get3A_310] {strides = array<i32>} : memref<16384xf32, #tpu.memory_space<vmem>>, vector<16xf32>,
        %get3A_312 = vector.shape_cast %get3A_311 : vector<16xf32> to vector<16xf32>
        %mul3A_313 = arith.constant 32 : i32
        %mul3A_314 = arith.muli %scan3A_287, %mul3A_313 : i32
        %add3A_315 = arith.constant 16 : i32
        %add3A_316 = arith.addi %mul3A_314, %add3A_315 : i32
        %get3A_317 = arith.index_cast %add3A_316 : i32 to index
        %get3A_318 = tpu.vector_load %arg9[%get3A_317] {strides = array<i32>} : memref<16384xf32, #tpu.memory_space<vmem>>, vector<16xf32>,
        %get3A_319 = vector.shape_cast %get3A_318 : vector<16xf32> to vector<16xf32>
        %add3A_320 = arith.constant 9.99999997E-7 : f32
        %add3A_321 = vector.broadcast %add3A_320 : f32 to vector<16xf32>
        %add3A_322 = arith.addf %get3A_302, %add3A_321 : vector<16xf32>
        %div3A_323 = arith.divf %get3A_319, %add3A_322 : vector<16xf32>
        %sub3A_324 = vector.broadcast %squeeze3A_307 : f32 to vector<16xf32>
        %sub3A_325 = arith.subf %sub3A_324, %get3A_297 : vector<16xf32>
        %mul3A_326 = arith.mulf %div3A_323, %sub3A_325 : vector<16xf32>
        %add3A_327 = arith.addf %get3A_312, %mul3A_326 : vector<16xf32>
        %mul3A_328 = arith.constant 16 : i32
        %mul3A_329 = arith.muli %scan3A_287, %mul3A_328 : i32
        %swap3A_330 = arith.index_cast %mul3A_329 : i32 to index
        %swap3A_331 = tpu.vector_load %arg12[%swap3A_330] {strides = array<i32>} : memref<8192xf32, #tpu.memory_space<vmem>>, vector<16xf32>,
        %swap3A_332 = vector.shape_cast %swap3A_331 : vector<16xf32> to vector<16xf32>
        %swap3A_333 = vector.shape_cast %add3A_327 : vector<16xf32> to vector<16xf32>
        tpu.vector_store %arg12[%swap3A_330], %swap3A_333 {strides = array<i32>} : memref<8192xf32, #tpu.memory_space<vmem>>, vector<16xf32>,
        %scan3A_334 = arith.constant 6 : i32
        %scan3A_335 = arith.addi %scan3A_51, %scan3A_334 : i32
        %get3A_336 = arith.index_cast %scan3A_335 : i32 to index
        %get3A_337 = tpu.vector_load %arg10[%get3A_336] {strides = array<i32>} : memref<528xi32, #tpu.memory_space<vmem>>, vector<16xi32>,
        %get3A_338 = vector.shape_cast %get3A_337 : vector<16xi32> to vector<16xi32>
        %slice3A_339 = vector.extract_strided_slice %get3A_338 {offsets = [0], sizes = [1], strides = [1]} : vector<16xi32> to vector<1xi32>
        %squeeze3A_340 = vector.extract %slice3A_339[0] : i32 from vector<1xi32>
        %mul3A_341 = arith.constant 32 : i32
        %mul3A_342 = arith.muli %squeeze3A_340, %mul3A_341 : i32
        %get3A_343 = arith.index_cast %mul3A_342 : i32 to index
        %get3A_344 = tpu.vector_load %arg7[%get3A_343] {strides = array<i32>} : memref<32768xf32, #tpu.memory_space<vmem>>, vector<16xf32>,
        %get3A_345 = vector.shape_cast %get3A_344 : vector<16xf32> to vector<16xf32>
        %add3A_346 = arith.constant 16 : i32
        %add3A_347 = arith.addi %mul3A_342, %add3A_346 : i32
        %get3A_348 = arith.index_cast %add3A_347 : i32 to index
        %get3A_349 = tpu.vector_load %arg7[%get3A_348] {strides = array<i32>} : memref<32768xf32, #tpu.memory_space<vmem>>, vector<16xf32>,
        %get3A_350 = vector.shape_cast %get3A_349 : vector<16xf32> to vector<16xf32>
        %get3A_351 = arith.index_cast %scan3A_335 : i32 to index
        %get3A_352 = tpu.vector_load %arg11[%get3A_351] {strides = array<i32>} : memref<528xf32, #tpu.memory_space<vmem>>, vector<16xf32>,
        %get3A_353 = vector.shape_cast %get3A_352 : vector<16xf32> to vector<16xf32>
        %slice3A_354 = vector.extract_strided_slice %get3A_353 {offsets = [0], sizes = [1], strides = [1]} : vector<16xf32> to vector<1xf32>
        %squeeze3A_355 = vector.extract %slice3A_354[0] : f32 from vector<1xf32>
        %mul3A_356 = arith.constant 32 : i32
        %mul3A_357 = arith.muli %scan3A_335, %mul3A_356 : i32
        %get3A_358 = arith.index_cast %mul3A_357 : i32 to index
        %get3A_359 = tpu.vector_load %arg9[%get3A_358] {strides = array<i32>} : memref<16384xf32, #tpu.memory_space<vmem>>, vector<16xf32>,
        %get3A_360 = vector.shape_cast %get3A_359 : vector<16xf32> to vector<16xf32>
        %mul3A_361 = arith.constant 32 : i32
        %mul3A_362 = arith.muli %scan3A_335, %mul3A_361 : i32
        %add3A_363 = arith.constant 16 : i32
        %add3A_364 = arith.addi %mul3A_362, %add3A_363 : i32
        %get3A_365 = arith.index_cast %add3A_364 : i32 to index
        %get3A_366 = tpu.vector_load %arg9[%get3A_365] {strides = array<i32>} : memref<16384xf32, #tpu.memory_space<vmem>>, vector<16xf32>,
        %get3A_367 = vector.shape_cast %get3A_366 : vector<16xf32> to vector<16xf32>
        %add3A_368 = arith.constant 9.99999997E-7 : f32
        %add3A_369 = vector.broadcast %add3A_368 : f32 to vector<16xf32>
        %add3A_370 = arith.addf %get3A_350, %add3A_369 : vector<16xf32>
        %div3A_371 = arith.divf %get3A_367, %add3A_370 : vector<16xf32>
        %sub3A_372 = vector.broadcast %squeeze3A_355 : f32 to vector<16xf32>
        %sub3A_373 = arith.subf %sub3A_372, %get3A_345 : vector<16xf32>
        %mul3A_374 = arith.mulf %div3A_371, %sub3A_373 : vector<16xf32>
        %add3A_375 = arith.addf %get3A_360, %mul3A_374 : vector<16xf32>
        %mul3A_376 = arith.constant 16 : i32
        %mul3A_377 = arith.muli %scan3A_335, %mul3A_376 : i32
        %swap3A_378 = arith.index_cast %mul3A_377 : i32 to index
        %swap3A_379 = tpu.vector_load %arg12[%swap3A_378] {strides = array<i32>} : memref<8192xf32, #tpu.memory_space<vmem>>, vector<16xf32>,
        %swap3A_380 = vector.shape_cast %swap3A_379 : vector<16xf32> to vector<16xf32>
        %swap3A_381 = vector.shape_cast %add3A_375 : vector<16xf32> to vector<16xf32>
        tpu.vector_store %arg12[%swap3A_378], %swap3A_381 {strides = array<i32>} : memref<8192xf32, #tpu.memory_space<vmem>>, vector<16xf32>,
        %scan3A_382 = arith.constant 7 : i32
        %scan3A_383 = arith.addi %scan3A_51, %scan3A_382 : i32
        %get3A_384 = arith.index_cast %scan3A_383 : i32 to index
        %get3A_385 = tpu.vector_load %arg10[%get3A_384] {strides = array<i32>} : memref<528xi32, #tpu.memory_space<vmem>>, vector<16xi32>,
        %get3A_386 = vector.shape_cast %get3A_385 : vector<16xi32> to vector<16xi32>
        %slice3A_387 = vector.extract_strided_slice %get3A_386 {offsets = [0], sizes = [1], strides = [1]} : vector<16xi32> to vector<1xi32>
        %squeeze3A_388 = vector.extract %slice3A_387[0] : i32 from vector<1xi32>
        %mul3A_389 = arith.constant 32 : i32
        %mul3A_390 = arith.muli %squeeze3A_388, %mul3A_389 : i32
        %get3A_391 = arith.index_cast %mul3A_390 : i32 to index
        %get3A_392 = tpu.vector_load %arg7[%get3A_391] {strides = array<i32>} : memref<32768xf32, #tpu.memory_space<vmem>>, vector<16xf32>,
        %get3A_393 = vector.shape_cast %get3A_392 : vector<16xf32> to vector<16xf32>
        %add3A_394 = arith.constant 16 : i32
        %add3A_395 = arith.addi %mul3A_390, %add3A_394 : i32
        %get3A_396 = arith.index_cast %add3A_395 : i32 to index
        %get3A_397 = tpu.vector_load %arg7[%get3A_396] {strides = array<i32>} : memref<32768xf32, #tpu.memory_space<vmem>>, vector<16xf32>,
        %get3A_398 = vector.shape_cast %get3A_397 : vector<16xf32> to vector<16xf32>
        %get3A_399 = arith.index_cast %scan3A_383 : i32 to index
        %get3A_400 = tpu.vector_load %arg11[%get3A_399] {strides = array<i32>} : memref<528xf32, #tpu.memory_space<vmem>>, vector<16xf32>,
        %get3A_401 = vector.shape_cast %get3A_400 : vector<16xf32> to vector<16xf32>
        %slice3A_402 = vector.extract_strided_slice %get3A_401 {offsets = [0], sizes = [1], strides = [1]} : vector<16xf32> to vector<1xf32>
        %squeeze3A_403 = vector.extract %slice3A_402[0] : f32 from vector<1xf32>
        %mul3A_404 = arith.constant 32 : i32
        %mul3A_405 = arith.muli %scan3A_383, %mul3A_404 : i32
        %get3A_406 = arith.index_cast %mul3A_405 : i32 to index
        %get3A_407 = tpu.vector_load %arg9[%get3A_406] {strides = array<i32>} : memref<16384xf32, #tpu.memory_space<vmem>>, vector<16xf32>,
        %get3A_408 = vector.shape_cast %get3A_407 : vector<16xf32> to vector<16xf32>
        %mul3A_409 = arith.constant 32 : i32
        %mul3A_410 = arith.muli %scan3A_383, %mul3A_409 : i32
        %add3A_411 = arith.constant 16 : i32
        %add3A_412 = arith.addi %mul3A_410, %add3A_411 : i32
        %get3A_413 = arith.index_cast %add3A_412 : i32 to index
        %get3A_414 = tpu.vector_load %arg9[%get3A_413] {strides = array<i32>} : memref<16384xf32, #tpu.memory_space<vmem>>, vector<16xf32>,
        %get3A_415 = vector.shape_cast %get3A_414 : vector<16xf32> to vector<16xf32>
        %add3A_416 = arith.constant 9.99999997E-7 : f32
        %add3A_417 = vector.broadcast %add3A_416 : f32 to vector<16xf32>
        %add3A_418 = arith.addf %get3A_398, %add3A_417 : vector<16xf32>
        %div3A_419 = arith.divf %get3A_415, %add3A_418 : vector<16xf32>
        %sub3A_420 = vector.broadcast %squeeze3A_403 : f32 to vector<16xf32>
        %sub3A_421 = arith.subf %sub3A_420, %get3A_393 : vector<16xf32>
        %mul3A_422 = arith.mulf %div3A_419, %sub3A_421 : vector<16xf32>
        %add3A_423 = arith.addf %get3A_408, %mul3A_422 : vector<16xf32>
        %mul3A_424 = arith.constant 16 : i32
        %mul3A_425 = arith.muli %scan3A_383, %mul3A_424 : i32
        %swap3A_426 = arith.index_cast %mul3A_425 : i32 to index
        %swap3A_427 = tpu.vector_load %arg12[%swap3A_426] {strides = array<i32>} : memref<8192xf32, #tpu.memory_space<vmem>>, vector<16xf32>,
        %swap3A_428 = vector.shape_cast %swap3A_427 : vector<16xf32> to vector<16xf32>
        %swap3A_429 = vector.shape_cast %add3A_423 : vector<16xf32> to vector<16xf32>
        tpu.vector_store %arg12[%swap3A_426], %swap3A_429 {strides = array<i32>} : memref<8192xf32, #tpu.memory_space<vmem>>, vector<16xf32>,
      }
      %scan3A_48 = arith.constant 512 : i32
      %mul3A_49 = arith.constant 16 : i32
      %mul3A_50 = arith.muli %mul3A_40, %mul3A_49 : i32
      "tpu.region"() ({
        %run_scoped3A = tpu.sem_alloc : memref<!tpu.dma_semaphore, #tpu.memory_space<semaphore_mem>>
        %dma_start3A = tpu.memref_slice %arg6[%mul3A_50] : memref<802816xf32, #tpu.memory_space<hbm>> -> memref<8192xf32, #tpu.memory_space<hbm>>
        %dma_start3A_51 = tpu.memref_slice %arg6[%mul3A_50] : memref<802816xf32, #tpu.memory_space<hbm>> -> memref<8192xf32, #tpu.memory_space<hbm>>
        tpu.enqueue_dma source(%arg12 : memref<8192xf32, #tpu.memory_space<vmem>>) target(%dma_start3A_51 : memref<8192xf32, #tpu.memory_space<hbm>>) target_semaphore(%run_scoped3A : memref<!tpu.dma_semaphore, #tpu.memory_space<semaphore_mem>>)
        %dma_wait3A = tpu.memref_slice %arg6[%mul3A_50] : memref<802816xf32, #tpu.memory_space<hbm>> -> memref<8192xf32, #tpu.memory_space<hbm>>
        %dma_wait3A_52 = tpu.memref_slice %arg6[%mul3A_50] : memref<802816xf32, #tpu.memory_space<hbm>> -> memref<8192xf32, #tpu.memory_space<hbm>>
        tpu.wait_dma2 semaphore(%run_scoped3A : memref<!tpu.dma_semaphore, #tpu.memory_space<semaphore_mem>>) src(%arg12 : memref<8192xf32, #tpu.memory_space<vmem>>) dst(%dma_wait3A_52 : memref<8192xf32, #tpu.memory_space<hbm>>)
        tpu.yield
      }) : () -> ()
    }
    return
  }
}

module attributes {stable_mosaic.version = 14 : i64} {
  func.func @_decompose_mlp_body(%arg0: i32, %arg1: memref<9x1024x128xf32, #tpu.memory_space<vmem>>, %arg2: memref<3x128xf32, #tpu.memory_space<vmem>>, %arg3: memref<3x128xf32, #tpu.memory_space<vmem>>, %arg4: memref<3x128x128xf32, #tpu.memory_space<vmem>>, %arg5: memref<1x128xf32, #tpu.memory_space<vmem>>, %arg6: memref<128x32xf32, #tpu.memory_space<vmem>>, %arg7: memref<1x32xf32, #tpu.memory_space<vmem>>, %arg8: memref<1024x32xf32, #tpu.memory_space<vmem>>) attributes {dimension_semantics = [#tpu.dimension_semantics<arbitrary>], iteration_bounds = array<i64: 49>, scalar_prefetch = 0 : i64, scratch_operands = 0 : i64, tpu.core_type = #tpu.core_type<tc>, window_params = [{transform_indices = @transform_0, window_bounds = array<i64: 9, 1024, 128>}, {pipeline_mode = #tpu.pipeline_mode<synchronous>, transform_indices = @transform_1, window_bounds = array<i64: 3, 128>}, {pipeline_mode = #tpu.pipeline_mode<synchronous>, transform_indices = @transform_2, window_bounds = array<i64: 3, 128>}, {pipeline_mode = #tpu.pipeline_mode<synchronous>, transform_indices = @transform_3, window_bounds = array<i64: 3, 128, 128>}, {pipeline_mode = #tpu.pipeline_mode<synchronous>, transform_indices = @transform_4, window_bounds = array<i64: 1, 128>}, {pipeline_mode = #tpu.pipeline_mode<synchronous>, transform_indices = @transform_5, window_bounds = array<i64: 128, 32>}, {pipeline_mode = #tpu.pipeline_mode<synchronous>, transform_indices = @transform_6, window_bounds = array<i64: 1, 32>}, {transform_indices = @transform_7, window_bounds = array<i64: 1024, 32>}]} {
    %get3A = arith.constant 0 : index
    %get3A_0 = arith.constant 0 : index
    %get3A_1 = arith.constant 0 : index
    %get3A_2 = vector.load %arg1[%get3A, %get3A_0, %get3A_1] : memref<9x1024x128xf32, #tpu.memory_space<vmem>>, vector<1x1024x128xf32>
    %get3A_3 = vector.shape_cast %get3A_2 : vector<1x1024x128xf32> to vector<1024x128xf32>
    %get3A_4 = arith.constant 1 : index
    %get3A_5 = arith.constant 0 : index
    %get3A_6 = arith.constant 0 : index
    %get3A_7 = vector.load %arg1[%get3A_4, %get3A_5, %get3A_6] : memref<9x1024x128xf32, #tpu.memory_space<vmem>>, vector<1x1024x128xf32>
    %get3A_8 = vector.shape_cast %get3A_7 : vector<1x1024x128xf32> to vector<1024x128xf32>
    %get3A_9 = arith.constant 2 : index
    %get3A_10 = arith.constant 0 : index
    %get3A_11 = arith.constant 0 : index
    %get3A_12 = vector.load %arg1[%get3A_9, %get3A_10, %get3A_11] : memref<9x1024x128xf32, #tpu.memory_space<vmem>>, vector<1x1024x128xf32>
    %get3A_13 = vector.shape_cast %get3A_12 : vector<1x1024x128xf32> to vector<1024x128xf32>
    %get3A_14 = arith.constant 3 : index
    %get3A_15 = arith.constant 0 : index
    %get3A_16 = arith.constant 0 : index
    %get3A_17 = vector.load %arg1[%get3A_14, %get3A_15, %get3A_16] : memref<9x1024x128xf32, #tpu.memory_space<vmem>>, vector<1x1024x128xf32>
    %get3A_18 = vector.shape_cast %get3A_17 : vector<1x1024x128xf32> to vector<1024x128xf32>
    %get3A_19 = arith.constant 4 : index
    %get3A_20 = arith.constant 0 : index
    %get3A_21 = arith.constant 0 : index
    %get3A_22 = vector.load %arg1[%get3A_19, %get3A_20, %get3A_21] : memref<9x1024x128xf32, #tpu.memory_space<vmem>>, vector<1x1024x128xf32>
    %get3A_23 = vector.shape_cast %get3A_22 : vector<1x1024x128xf32> to vector<1024x128xf32>
    %get3A_24 = arith.constant 5 : index
    %get3A_25 = arith.constant 0 : index
    %get3A_26 = arith.constant 0 : index
    %get3A_27 = vector.load %arg1[%get3A_24, %get3A_25, %get3A_26] : memref<9x1024x128xf32, #tpu.memory_space<vmem>>, vector<1x1024x128xf32>
    %get3A_28 = vector.shape_cast %get3A_27 : vector<1x1024x128xf32> to vector<1024x128xf32>
    %get3A_29 = arith.constant 6 : index
    %get3A_30 = arith.constant 0 : index
    %get3A_31 = arith.constant 0 : index
    %get3A_32 = vector.load %arg1[%get3A_29, %get3A_30, %get3A_31] : memref<9x1024x128xf32, #tpu.memory_space<vmem>>, vector<1x1024x128xf32>
    %get3A_33 = vector.shape_cast %get3A_32 : vector<1x1024x128xf32> to vector<1024x128xf32>
    %get3A_34 = arith.constant 7 : index
    %get3A_35 = arith.constant 0 : index
    %get3A_36 = arith.constant 0 : index
    %get3A_37 = vector.load %arg1[%get3A_34, %get3A_35, %get3A_36] : memref<9x1024x128xf32, #tpu.memory_space<vmem>>, vector<1x1024x128xf32>
    %get3A_38 = vector.shape_cast %get3A_37 : vector<1x1024x128xf32> to vector<1024x128xf32>
    %get3A_39 = arith.constant 8 : index
    %get3A_40 = arith.constant 0 : index
    %get3A_41 = arith.constant 0 : index
    %get3A_42 = vector.load %arg1[%get3A_39, %get3A_40, %get3A_41] : memref<9x1024x128xf32, #tpu.memory_space<vmem>>, vector<1x1024x128xf32>
    %get3A_43 = vector.shape_cast %get3A_42 : vector<1x1024x128xf32> to vector<1024x128xf32>
    %add3A = arith.addf %get3A_3, %get3A_23 : vector<1024x128xf32>
    %add3A_44 = arith.addf %add3A, %get3A_43 : vector<1024x128xf32>
    %mul3A = arith.constant 0.333333343 : f32
    %mul3A_45 = vector.broadcast %mul3A : f32 to vector<1024x128xf32>
    %mul3A_46 = arith.mulf %add3A_44, %mul3A_45 : vector<1024x128xf32>
    %sub3A = arith.subf %get3A_8, %get3A_18 : vector<1024x128xf32>
    %sub3A_47 = arith.subf %get3A_13, %get3A_33 : vector<1024x128xf32>
    %sub3A_48 = arith.subf %get3A_28, %get3A_38 : vector<1024x128xf32>
    %mul3A_49 = arith.mulf %sub3A, %sub3A : vector<1024x128xf32>
    %mul3A_50 = arith.mulf %sub3A_47, %sub3A_47 : vector<1024x128xf32>
    %add3A_51 = arith.addf %mul3A_49, %mul3A_50 : vector<1024x128xf32>
    %mul3A_52 = arith.mulf %sub3A_48, %sub3A_48 : vector<1024x128xf32>
    %add3A_53 = arith.addf %add3A_51, %mul3A_52 : vector<1024x128xf32>
    %mul3A_54 = arith.constant 5.000000e-01 : f32
    %mul3A_55 = vector.broadcast %mul3A_54 : f32 to vector<1024x128xf32>
    %mul3A_56 = arith.mulf %mul3A_55, %add3A_53 : vector<1024x128xf32>
    %add3A_57 = arith.addf %get3A_8, %get3A_18 : vector<1024x128xf32>
    %add3A_58 = arith.addf %get3A_13, %get3A_33 : vector<1024x128xf32>
    %add3A_59 = arith.addf %get3A_28, %get3A_38 : vector<1024x128xf32>
    %sub3A_60 = arith.subf %get3A_3, %mul3A_46 : vector<1024x128xf32>
    %sub3A_61 = arith.subf %get3A_23, %mul3A_46 : vector<1024x128xf32>
    %sub3A_62 = arith.subf %get3A_43, %mul3A_46 : vector<1024x128xf32>
    %mul3A_63 = arith.mulf %sub3A_60, %sub3A_60 : vector<1024x128xf32>
    %mul3A_64 = arith.mulf %sub3A_61, %sub3A_61 : vector<1024x128xf32>
    %add3A_65 = arith.addf %mul3A_63, %mul3A_64 : vector<1024x128xf32>
    %mul3A_66 = arith.mulf %sub3A_62, %sub3A_62 : vector<1024x128xf32>
    %add3A_67 = arith.addf %add3A_65, %mul3A_66 : vector<1024x128xf32>
    %mul3A_68 = arith.mulf %add3A_57, %add3A_57 : vector<1024x128xf32>
    %mul3A_69 = arith.mulf %add3A_58, %add3A_58 : vector<1024x128xf32>
    %add3A_70 = arith.addf %mul3A_68, %mul3A_69 : vector<1024x128xf32>
    %mul3A_71 = arith.mulf %add3A_59, %add3A_59 : vector<1024x128xf32>
    %add3A_72 = arith.addf %add3A_70, %mul3A_71 : vector<1024x128xf32>
    %mul3A_73 = arith.constant 5.000000e-01 : f32
    %mul3A_74 = vector.broadcast %mul3A_73 : f32 to vector<1024x128xf32>
    %mul3A_75 = arith.mulf %mul3A_74, %add3A_72 : vector<1024x128xf32>
    %add3A_76 = arith.addf %add3A_67, %mul3A_75 : vector<1024x128xf32>
    %reduce_sum3A = arith.constant dense<0.000000e+00> : vector<1024xf32>
    %reduce_sum3A_77 = vector.multi_reduction <add>, %mul3A_46, %reduce_sum3A [1] : vector<1024x128xf32> to vector<1024xf32>
    %broadcast_in_dim3A = vector.shape_cast %reduce_sum3A_77 : vector<1024xf32> to vector<1024x1xf32>
    %reduce_sum3A_78 = arith.constant dense<0.000000e+00> : vector<1024xf32>
    %reduce_sum3A_79 = vector.multi_reduction <add>, %mul3A_56, %reduce_sum3A_78 [1] : vector<1024x128xf32> to vector<1024xf32>
    %broadcast_in_dim3A_80 = vector.shape_cast %reduce_sum3A_79 : vector<1024xf32> to vector<1024x1xf32>
    %add3A_81 = arith.addf %broadcast_in_dim3A, %broadcast_in_dim3A_80 : vector<1024x1xf32>
    %reduce_sum3A_82 = arith.constant dense<0.000000e+00> : vector<1024xf32>
    %reduce_sum3A_83 = vector.multi_reduction <add>, %add3A_76, %reduce_sum3A_82 [1] : vector<1024x128xf32> to vector<1024xf32>
    %broadcast_in_dim3A_84 = vector.shape_cast %reduce_sum3A_83 : vector<1024xf32> to vector<1024x1xf32>
    %add3A_85 = arith.addf %add3A_81, %broadcast_in_dim3A_84 : vector<1024x1xf32>
    %mul3A_86 = arith.constant 0.00260416674 : f32
    %mul3A_87 = vector.broadcast %mul3A_86 : f32 to vector<1024x1xf32>
    %mul3A_88 = arith.mulf %add3A_85, %mul3A_87 : vector<1024x1xf32>
    %sub3A_89 = vector.broadcast %mul3A_88 : vector<1024x1xf32> to vector<1024x128xf32>
    %sub3A_90 = arith.subf %mul3A_46, %sub3A_89 : vector<1024x128xf32>
    %sub3A_91 = vector.broadcast %mul3A_88 : vector<1024x1xf32> to vector<1024x128xf32>
    %sub3A_92 = arith.subf %mul3A_56, %sub3A_91 : vector<1024x128xf32>
    %sub3A_93 = vector.broadcast %mul3A_88 : vector<1024x1xf32> to vector<1024x128xf32>
    %sub3A_94 = arith.subf %add3A_76, %sub3A_93 : vector<1024x128xf32>
    %mul3A_95 = arith.mulf %sub3A_90, %sub3A_90 : vector<1024x128xf32>
    %reduce_sum3A_96 = arith.constant dense<0.000000e+00> : vector<1024xf32>
    %reduce_sum3A_97 = vector.multi_reduction <add>, %mul3A_95, %reduce_sum3A_96 [1] : vector<1024x128xf32> to vector<1024xf32>
    %broadcast_in_dim3A_98 = vector.shape_cast %reduce_sum3A_97 : vector<1024xf32> to vector<1024x1xf32>
    %mul3A_99 = arith.mulf %sub3A_92, %sub3A_92 : vector<1024x128xf32>
    %reduce_sum3A_100 = arith.constant dense<0.000000e+00> : vector<1024xf32>
    %reduce_sum3A_101 = vector.multi_reduction <add>, %mul3A_99, %reduce_sum3A_100 [1] : vector<1024x128xf32> to vector<1024xf32>
    %broadcast_in_dim3A_102 = vector.shape_cast %reduce_sum3A_101 : vector<1024xf32> to vector<1024x1xf32>
    %add3A_103 = arith.addf %broadcast_in_dim3A_98, %broadcast_in_dim3A_102 : vector<1024x1xf32>
    %mul3A_104 = arith.mulf %sub3A_94, %sub3A_94 : vector<1024x128xf32>
    %reduce_sum3A_105 = arith.constant dense<0.000000e+00> : vector<1024xf32>
    %reduce_sum3A_106 = vector.multi_reduction <add>, %mul3A_104, %reduce_sum3A_105 [1] : vector<1024x128xf32> to vector<1024xf32>
    %broadcast_in_dim3A_107 = vector.shape_cast %reduce_sum3A_106 : vector<1024xf32> to vector<1024x1xf32>
    %add3A_108 = arith.addf %add3A_103, %broadcast_in_dim3A_107 : vector<1024x1xf32>
    %mul3A_109 = arith.constant 0.00260416674 : f32
    %mul3A_110 = vector.broadcast %mul3A_109 : f32 to vector<1024x1xf32>
    %mul3A_111 = arith.mulf %add3A_108, %mul3A_110 : vector<1024x1xf32>
    %add3A_112 = arith.constant 9.99999974E-6 : f32
    %add3A_113 = vector.broadcast %add3A_112 : f32 to vector<1024x1xf32>
    %add3A_114 = arith.addf %mul3A_111, %add3A_113 : vector<1024x1xf32>
    %rsqrt3A = math.rsqrt %add3A_114 : vector<1024x1xf32>
    %mul3A_115 = vector.broadcast %rsqrt3A : vector<1024x1xf32> to vector<1024x128xf32>
    %mul3A_116 = arith.mulf %sub3A_90, %mul3A_115 : vector<1024x128xf32>
    %get3A_117 = arith.constant 0 : index
    %get3A_118 = arith.constant 0 : index
    %get3A_119 = vector.load %arg2[%get3A_117, %get3A_118] : memref<3x128xf32, #tpu.memory_space<vmem>>, vector<1x128xf32>
    %mul3A_120 = vector.broadcast %get3A_119 : vector<1x128xf32> to vector<1024x128xf32>
    %mul3A_121 = arith.mulf %mul3A_116, %mul3A_120 : vector<1024x128xf32>
    %get3A_122 = arith.constant 0 : index
    %get3A_123 = arith.constant 0 : index
    %get3A_124 = vector.load %arg3[%get3A_122, %get3A_123] : memref<3x128xf32, #tpu.memory_space<vmem>>, vector<1x128xf32>
    %add3A_125 = vector.broadcast %get3A_124 : vector<1x128xf32> to vector<1024x128xf32>
    %add3A_126 = arith.addf %mul3A_121, %add3A_125 : vector<1024x128xf32>
    %mul3A_127 = vector.broadcast %rsqrt3A : vector<1024x1xf32> to vector<1024x128xf32>
    %mul3A_128 = arith.mulf %sub3A_92, %mul3A_127 : vector<1024x128xf32>
    %get3A_129 = arith.constant 1 : index
    %get3A_130 = arith.constant 0 : index
    %get3A_131 = vector.load %arg2[%get3A_129, %get3A_130] : memref<3x128xf32, #tpu.memory_space<vmem>>, vector<1x128xf32>
    %mul3A_132 = vector.broadcast %get3A_131 : vector<1x128xf32> to vector<1024x128xf32>
    %mul3A_133 = arith.mulf %mul3A_128, %mul3A_132 : vector<1024x128xf32>
    %get3A_134 = arith.constant 1 : index
    %get3A_135 = arith.constant 0 : index
    %get3A_136 = vector.load %arg3[%get3A_134, %get3A_135] : memref<3x128xf32, #tpu.memory_space<vmem>>, vector<1x128xf32>
    %add3A_137 = vector.broadcast %get3A_136 : vector<1x128xf32> to vector<1024x128xf32>
    %add3A_138 = arith.addf %mul3A_133, %add3A_137 : vector<1024x128xf32>
    %mul3A_139 = vector.broadcast %rsqrt3A : vector<1024x1xf32> to vector<1024x128xf32>
    %mul3A_140 = arith.mulf %sub3A_94, %mul3A_139 : vector<1024x128xf32>
    %get3A_141 = arith.constant 2 : index
    %get3A_142 = arith.constant 0 : index
    %get3A_143 = vector.load %arg2[%get3A_141, %get3A_142] : memref<3x128xf32, #tpu.memory_space<vmem>>, vector<1x128xf32>
    %mul3A_144 = vector.broadcast %get3A_143 : vector<1x128xf32> to vector<1024x128xf32>
    %mul3A_145 = arith.mulf %mul3A_140, %mul3A_144 : vector<1024x128xf32>
    %get3A_146 = arith.constant 2 : index
    %get3A_147 = arith.constant 0 : index
    %get3A_148 = vector.load %arg3[%get3A_146, %get3A_147] : memref<3x128xf32, #tpu.memory_space<vmem>>, vector<1x128xf32>
    %add3A_149 = vector.broadcast %get3A_148 : vector<1x128xf32> to vector<1024x128xf32>
    %add3A_150 = arith.addf %mul3A_145, %add3A_149 : vector<1024x128xf32>
    %get3A_151 = arith.constant 0 : index
    %get3A_152 = arith.constant 0 : index
    %get3A_153 = arith.constant 0 : index
    %get3A_154 = vector.load %arg4[%get3A_151, %get3A_152, %get3A_153] : memref<3x128x128xf32, #tpu.memory_space<vmem>>, vector<1x128x128xf32>
    %get3A_155 = vector.shape_cast %get3A_154 : vector<1x128x128xf32> to vector<128x128xf32>
    %dot_general3A = arith.constant dense<0.000000e+00> : vector<1024x128xf32>
    %dot_general3A_156 = tpu.matmul %add3A_126, %get3A_155, %dot_general3A {dimension_numbers = #tpu.dot_dimension_numbers<[1], [0], [0], [1], [0, 0, 1, 1], [], []>, transpose_lhs_hint = false} : vector<1024x128xf32>, vector<128x128xf32>, vector<1024x128xf32> -> vector<1024x128xf32>
    %get3A_157 = arith.constant 1 : index
    %get3A_158 = arith.constant 0 : index
    %get3A_159 = arith.constant 0 : index
    %get3A_160 = vector.load %arg4[%get3A_157, %get3A_158, %get3A_159] : memref<3x128x128xf32, #tpu.memory_space<vmem>>, vector<1x128x128xf32>
    %get3A_161 = vector.shape_cast %get3A_160 : vector<1x128x128xf32> to vector<128x128xf32>
    %dot_general3A_162 = arith.constant dense<0.000000e+00> : vector<1024x128xf32>
    %dot_general3A_163 = tpu.matmul %add3A_138, %get3A_161, %dot_general3A_162 {dimension_numbers = #tpu.dot_dimension_numbers<[1], [0], [0], [1], [0, 0, 1, 1], [], []>, transpose_lhs_hint = false} : vector<1024x128xf32>, vector<128x128xf32>, vector<1024x128xf32> -> vector<1024x128xf32>
    %add3A_164 = arith.addf %dot_general3A_156, %dot_general3A_163 : vector<1024x128xf32>
    %get3A_165 = arith.constant 2 : index
    %get3A_166 = arith.constant 0 : index
    %get3A_167 = arith.constant 0 : index
    %get3A_168 = vector.load %arg4[%get3A_165, %get3A_166, %get3A_167] : memref<3x128x128xf32, #tpu.memory_space<vmem>>, vector<1x128x128xf32>
    %get3A_169 = vector.shape_cast %get3A_168 : vector<1x128x128xf32> to vector<128x128xf32>
    %dot_general3A_170 = arith.constant dense<0.000000e+00> : vector<1024x128xf32>
    %dot_general3A_171 = tpu.matmul %add3A_150, %get3A_169, %dot_general3A_170 {dimension_numbers = #tpu.dot_dimension_numbers<[1], [0], [0], [1], [0, 0, 1, 1], [], []>, transpose_lhs_hint = false} : vector<1024x128xf32>, vector<128x128xf32>, vector<1024x128xf32> -> vector<1024x128xf32>
    %add3A_172 = arith.addf %add3A_164, %dot_general3A_171 : vector<1024x128xf32>
    %get3A_173 = arith.constant 0 : index
    %get3A_174 = arith.constant 0 : index
    %get3A_175 = vector.load %arg5[%get3A_173, %get3A_174] : memref<1x128xf32, #tpu.memory_space<vmem>>, vector<1x128xf32>
    %add3A_176 = vector.broadcast %get3A_175 : vector<1x128xf32> to vector<1024x128xf32>
    %add3A_177 = arith.addf %add3A_172, %add3A_176 : vector<1024x128xf32>
    %neg3A = arith.constant 0.000000e+00 : f32
    %neg3A_178 = vector.broadcast %neg3A : f32 to vector<1024x128xf32>
    %neg3A_179 = arith.subf %neg3A_178, %add3A_177 : vector<1024x128xf32>
    %exp3A = math.exp %neg3A_179 : vector<1024x128xf32>
    %add3A_180 = arith.constant 1.000000e+00 : f32
    %add3A_181 = vector.broadcast %add3A_180 : f32 to vector<1024x128xf32>
    %add3A_182 = arith.addf %add3A_181, %exp3A : vector<1024x128xf32>
    %div3A = arith.constant 1.000000e+00 : f32
    %div3A_183 = vector.broadcast %div3A : f32 to vector<1024x128xf32>
    %div3A_184 = arith.divf %div3A_183, %add3A_182 : vector<1024x128xf32>
    %mul3A_185 = arith.mulf %add3A_177, %div3A_184 : vector<1024x128xf32>
    %get3A_186 = arith.constant 0 : index
    %get3A_187 = arith.constant 0 : index
    %get3A_188 = vector.load %arg6[%get3A_186, %get3A_187] : memref<128x32xf32, #tpu.memory_space<vmem>>, vector<128x32xf32>
    %dot_general3A_189 = arith.constant dense<0.000000e+00> : vector<1024x32xf32>
    %dot_general3A_190 = tpu.matmul %mul3A_185, %get3A_188, %dot_general3A_189 {dimension_numbers = #tpu.dot_dimension_numbers<[1], [0], [0], [1], [0, 0, 1, 1], [], []>, transpose_lhs_hint = false} : vector<1024x128xf32>, vector<128x32xf32>, vector<1024x32xf32> -> vector<1024x32xf32>
    %get3A_191 = arith.constant 0 : index
    %get3A_192 = arith.constant 0 : index
    %get3A_193 = vector.load %arg7[%get3A_191, %get3A_192] : memref<1x32xf32, #tpu.memory_space<vmem>>, vector<1x32xf32>
    %add3A_194 = vector.broadcast %get3A_193 : vector<1x32xf32> to vector<1024x32xf32>
    %add3A_195 = arith.addf %dot_general3A_190, %add3A_194 : vector<1024x32xf32>
    %iota3A = tpu.iota {dimensions = array<i32: 1>} : vector<1024x32xi32>
    %ge3A = arith.constant 16 : i32
    %ge3A_196 = vector.broadcast %ge3A : i32 to vector<1024x32xi32>
    %ge3A_197 = arith.cmpi sge, %iota3A, %ge3A_196 : vector<1024x32xi32>
    %mul3A_198 = arith.mulf %add3A_195, %add3A_195 : vector<1024x32xf32>
    %select_n3A = arith.select %ge3A_197, %mul3A_198, %add3A_195 : vector<1024x32xi1>, vector<1024x32xf32>
    %swap3A = arith.constant 0 : index
    %swap3A_199 = arith.constant 0 : index
    %swap3A_200 = vector.load %arg8[%swap3A, %swap3A_199] : memref<1024x32xf32, #tpu.memory_space<vmem>>, vector<1024x32xf32>
    tpu.vector_store %arg8[%swap3A, %swap3A_199], %select_n3A {strides = array<i32>} : memref<1024x32xf32, #tpu.memory_space<vmem>>, vector<1024x32xf32>,
    return
  }
  func.func @transform_0(%arg0: i32) -> (i32, i32, i32) {
    %c0_i32 = arith.constant 0 : i32
    %c0_i32_0 = arith.constant 0 : i32
    %c0_i32_1 = arith.constant 0 : i32
    return %c0_i32, %arg0, %c0_i32_0 : i32, i32, i32
  }
  func.func @transform_1(%arg0: i32) -> (i32, i32) {
    %c0_i32 = arith.constant 0 : i32
    %c0_i32_0 = arith.constant 0 : i32
    %c0_i32_1 = arith.constant 0 : i32
    return %c0_i32, %c0_i32_0 : i32, i32
  }
  func.func @transform_2(%arg0: i32) -> (i32, i32) {
    %c0_i32 = arith.constant 0 : i32
    %c0_i32_0 = arith.constant 0 : i32
    %c0_i32_1 = arith.constant 0 : i32
    return %c0_i32, %c0_i32_0 : i32, i32
  }
  func.func @transform_3(%arg0: i32) -> (i32, i32, i32) {
    %c0_i32 = arith.constant 0 : i32
    %c0_i32_0 = arith.constant 0 : i32
    %c0_i32_1 = arith.constant 0 : i32
    %c0_i32_2 = arith.constant 0 : i32
    return %c0_i32, %c0_i32_0, %c0_i32_1 : i32, i32, i32
  }
  func.func @transform_4(%arg0: i32) -> (i32, i32) {
    %c0_i32 = arith.constant 0 : i32
    %c0_i32_0 = arith.constant 0 : i32
    %c0_i32_1 = arith.constant 0 : i32
    return %c0_i32, %c0_i32_0 : i32, i32
  }
  func.func @transform_5(%arg0: i32) -> (i32, i32) {
    %c0_i32 = arith.constant 0 : i32
    %c0_i32_0 = arith.constant 0 : i32
    %c0_i32_1 = arith.constant 0 : i32
    return %c0_i32, %c0_i32_0 : i32, i32
  }
  func.func @transform_6(%arg0: i32) -> (i32, i32) {
    %c0_i32 = arith.constant 0 : i32
    %c0_i32_0 = arith.constant 0 : i32
    %c0_i32_1 = arith.constant 0 : i32
    return %c0_i32, %c0_i32_0 : i32, i32
  }
  func.func @transform_7(%arg0: i32) -> (i32, i32) {
    %c0_i32 = arith.constant 0 : i32
    %c0_i32_0 = arith.constant 0 : i32
    return %arg0, %c0_i32 : i32, i32
  }
}

</mosaic_0001>

<sc_bundles>
// kernel: kernel.5.cloned.1.call-start
scs
__scs_entry_jumppad:
0x0: {  	(pc) =	sbr.rel $0x88, $3  }
0x1: {  	(tag) =	ssettag $0x0;
	lr =	simm.s32 $0x1  }
0x2: {  	[smem:$0x3F98] =	sst lr;
	_ =	strace $0xD0000000  }
0x3: {  	_ = 	snop  }
0x4: {  	_ = 	snop  }
0x5: {  	_ = 	snop  }
0x6: {  	_ = 	snop  }
0x7: {  	_ = 	snop  }
__scs_overlays_trampoline_lowered:
0x8: {  	[smem:$0x3FA7] =	sst s0  }
0x9: {  	[smem:$0x3FA8] =	sst s1  }
0xa: {  	[smem:$0x3FA9] =	sst s2  }
0xb: {  	[smem:$0x3FAA] =	sst s3  }
0xc: {  	[smem:$0x3FAB] =	sst s4  }
0xd: {  	[smem:$0x3FAC] =	sst s5  }
0xe: {  	[smem:$0x3FAD] =	sst s6  }
0xf: {  	[smem:$0x3FAE] =	sst s7  }
0x10: {  	[smem:$0x3FAF] =	sst s8  }
0x11: {  	[smem:$0x3FB0] =	sst s9;
	s0 =	simm.s32 @!p0 $0x0  }
0x12: {  	s1 =	sld [smem:$0x3F96];
	s0 =	simm.s32 @p0 $0x1  }
0x13: {  	[smem:$0x3FB1] =	sst s0;
	s0 =	simm.s32 @!p1 $0x0  }
0x14: {  	s2 =	sld [smem:$0x3F95];
	s0 =	simm.s32 @p1 $0x1  }
0x15: {  	[smem:$0x3FB2] =	sst s0;
	s0 =	simm.s32 @!p2 $0x0  }
0x16: {  	s3 =	sld [smem:$0x3FDB];
	s0 =	simm.s32 @p2 $0x1  }
0x17: {  	s4 =	simm.s32 $0x1BF5;
	[smem:$0x3FB4] =	sst s0  }
0x18: {  	s0 =	sld [smem:$0x3F97];
	_ =	swait.ge [sflag:s4], $0x0  }
0x19: {  	s7 =	sld [smem:$0x3F98]  }
0x1a: {  	s8 =	sadd.s32 $0xFFFFE003, lr  }
0x1b: {  	s9 =	sadd.s32 $0xFFFFFEF7, lr;
	s5 =	simm.s32 $0xFFFFFFFF;
	p2 =	slt.u32 s8, $0xFFFFF086  }
0x1c: {  	p1 =	slt.u32 s9, $0xF7A;
	s5 =	simm.s32 @!p2 $0x0  }
0x1d: {  	s5 =	simm.s32 @p1 $0x1;
	p0 =	seq.s32 s7, s2  }
0x1e: {  	s7 =	smul.u32 @!p0 $0xF7A, s2;
	p2 =	seq.s32 @!p0 s5, $0x0  }
0x1f: {  	s9 =	smul.u32 $0xF7A, s1;
	s8 =	simm.s32 @!p0 $0x1BF5;
	p2 =	por !p2, p0  }
0x20: {  	[sflag:s8] =	ssyncset.s32 @!p0 $0xFFFFF086;
	s6 =	sadd.s32 @!p0 s3, s7;
	s7 =	simm.s32 @!p0 $0x108  }
0x21: {  	s3 =	sadd.s32 s3, s9;
	s6 =	sadd.s32 @!p0 $0x88, s6;
	s7 =	simm.s32 @p2 $0x1082  }
0x22: {  	[simem:s7], [sflag:s8] =	dma.local @!p0 [hbm:s6], $0xF7A  }
0x23: {  	s9 =	sor.u32 $0xD0000000, s2;
	s6 =	simm.s32 $0x108;
	_ =	swait.ge @!p0 [sflag:s8], $0x0  }
0x24: {  	s3 =	sadd.s32 $0x88, s3;
	s6 =	simm.s32 @!p1 $0x1082;
	[sflag:s4] =	ssyncset.s32 $0xFFFFF086  }
0x25: {  	[simem:s6], [sflag:s4] =	dma.local [hbm:s3], $0xF7A  }
0x26: {  	[smem:$0x3F98] =	sst s1;
	(tag) =	ssettag s2;
	_ =	strace s9  }
0x27: {  	s1 =	sld [smem:$0x3FA8]  }
0x28: {  	s2 =	sld [smem:$0x3FA9]  }
0x29: {  	s4 =	sld [smem:$0x3FAB]  }
0x2a: {  	p0 =	seq.s32 s5, $0x0;
	s5 =	sld [smem:$0x3FAC]  }
0x2b: {  	s6 =	sld [smem:$0x3FAD]  }
0x2c: {  	s7 =	sld [smem:$0x3FAE]  }
0x2d: {  	s3 =	simm.s32 $0x108;
	s8 =	sld [smem:$0x3FAF]  }
0x2e: {  	s3 =	simm.s32 @!p0 $0x1082;
	s9 =	sld [smem:$0x3FB0]  }
0x2f: {  	lr =	sadd.s32 s0, s3;
	s0 =	sld [smem:$0x3FA7]  }
0x30: {  	s3 =	sld [smem:$0x3FAA]  }
0x31: {  	[smem:$0x3FB3] =	sst s10  }
0x32: {  	s10 =	sld [smem:$0x3FB1];
	_ =	sdelay $0x3  }
0x33: {  	p0 =	seq.s32 s10, $0x1;
	s10 =	sld [smem:$0x3FB3];
	_ =	sdelay $0x3  }
0x34: {  	[smem:$0x3FB3] =	sst s10  }
0x35: {  	s10 =	sld [smem:$0x3FB2];
	_ =	sdelay $0x3  }
0x36: {  	p1 =	seq.s32 s10, $0x1;
	s10 =	sld [smem:$0x3FB3];
	_ =	sdelay $0x3  }
0x37: {  	[smem:$0x3FB3] =	sst s10  }
0x38: {  	s10 =	sld [smem:$0x3FB4]  }
0x39: {  	_ = 	snop;
	(pc) =	sbr.ind lr, $3  }
0x3a: {  	_ = 	snop  }
0x3b: {  	_ = 	snop  }
0x3c: {  	p2 =	seq.s32 s10, $0x1;
	s10 =	sld [smem:$0x3FB3]  }
0x3d: {  	_ =	shalt  }
0x3e: {  	_ =	shalt  }
0x3f: {  	_ =	shalt  }
0x40: {  	_ =	shalt  }
0x41: {  	_ =	shalt  }
0x42: {  	_ =	shalt  }
0x43: {  	_ =	shalt  }
0x44: {  	_ =	shalt  }
0x45: {  	_ =	shalt  }
0x46: {  	_ =	shalt  }
0x47: {  	_ =	shalt  }
0x48: {  	_ =	shalt  }
0x49: {  	_ =	shalt  }
0x4a: {  	_ =	shalt  }
0x4b: {  	_ =	shalt  }
0x4c: {  	_ =	shalt  }
0x4d: {  	_ =	shalt  }
0x4e: {  	_ =	shalt  }
0x4f: {  	_ =	shalt  }
0x50: {  	_ =	shalt  }
0x51: {  	_ =	shalt  }
0x52: {  	_ =	shalt  }
0x53: {  	_ =	shalt  }
0x54: {  	_ =	shalt  }
0x55: {  	_ =	shalt  }
0x56: {  	_ =	shalt  }
0x57: {  	_ =	shalt  }
0x58: {  	_ =	shalt  }
0x59: {  	_ =	shalt  }
0x5a: {  	_ =	shalt  }
0x5b: {  	_ =	shalt  }
0x5c: {  	_ =	shalt  }
0x5d: {  	_ =	shalt  }
0x5e: {  	_ =	shalt  }
0x5f: {  	_ =	shalt  }
0x60: {  	_ =	shalt  }
0x61: {  	_ =	shalt  }
0x62: {  	_ =	shalt  }
0x63: {  	_ =	shalt  }
0x64: {  	_ =	shalt  }
0x65: {  	_ =	shalt  }
0x66: {  	_ =	shalt  }
0x67: {  	_ =	shalt  }
0x68: {  	_ =	shalt  }
0x69: {  	_ =	shalt  }
0x6a: {  	_ =	shalt  }
0x6b: {  	_ =	shalt  }
0x6c: {  	_ =	shalt  }
0x6d: {  	_ =	shalt  }
0x6e: {  	_ =	shalt  }
0x6f: {  	_ =	shalt  }
0x70: {  	_ =	shalt  }
0x71: {  	_ =	shalt  }
0x72: {  	_ =	shalt  }
0x73: {  	_ =	shalt  }
0x74: {  	_ =	shalt  }
0x75: {  	_ =	shalt  }
0x76: {  	_ =	shalt  }
0x77: {  	_ =	shalt  }
0x78: {  	_ =	shalt  }
0x79: {  	_ =	shalt  }
0x7a: {  	_ =	shalt  }
0x7b: {  	_ =	shalt  }
0x7c: {  	_ =	shalt  }
0x7d: {  	_ =	shalt  }
0x7e: {  	_ =	shalt  }
0x7f: {  	_ =	shalt  }
0x80: {  	_ =	shalt  }
0x81: {  	_ =	shalt  }
0x82: {  	_ =	shalt  }
0x83: {  	_ =	shalt  }
0x84: {  	_ =	shalt  }
0x85: {  	_ =	shalt  }
0x86: {  	_ =	shalt  }
0x87: {  	_ =	shalt  }
.Lfunc_end0:
.L_simem_size_0:
called_computation_lowered:
.L_overlay_start_0:
0x88: {  	s2 =	sld [smem:$0x3FD9]  }
0x89: {  	s3 =	sld [smem:$0x3FFE];
	_ =	sdelay $0x1  }
0x8a: {  	s1 =	srdreg.scid  }
0x8b: {  	s0 =	sand.u32 $0x1, s1  }
0x8c: {  	s17 =	sshll.u32 s0, $0xA;
	s2 =	sadd.s32 s3, s2  }
0x8d: {  	s2 =	sadd.s32 s2, s17  }
0x8e: {  	[smem:$0x3FBF] =	sst s2  }
0x8f: {  	_ = 	snop  }
0x90: {  	s2 =	sld [smem:$0x3FD0];
	(tm) =	ssettm $0x1  }
0x91: {  	s18 =	sld [smem:$0x3FFB];
	_ =	sdelay $0x3  }
0x92: {  	_ =	strace s18  }
0x93: {  	s3 =	sld [smem:$0x3FFC];
	_ =	sdelay $0x3  }
0x94: {  	_ =	strace s3  }
0x95: {  	s3 =	sld [smem:$0x3FFD];
	_ =	sdelay $0x3  }
0x96: {  	_ =	strace s3  }
0x97: {  	_ =	strace $0x8FFFFFFF  }
0x98: {  	s19 =	sld [smem:$0x3FDB];
	_ =	sdelay $0x1  }
0x99: {  	s4 =	simm.s32 $_scs_section_size  }
0x9a: {  	s5 =	simm.s32 $_size__tile_overlayer_lowered;
	s6 =	simm.s32 $_tile_overlayer_lowered  }
0x9b: {  	s22 =	simm.s32 $0x1BFF;
	s21 =	sshll.u32 s6, $0x1;
	s3 =	sadd.s32 s4, s19  }
0x9c: {  	s7 =	simm.s32 $0x0;
	s20 =	sshll.u32 s5, $0x1;
	s5 =	sadd.s32 s21, s3  }
0x9d: {  	[timem:s7], [sflag:s22] =	dma.local [hbm:s5], s20  }
0x9e: {  	_ =	swait.ge [sflag:s22], s20  }
0x9f: {  	s4 =	ssub.s32 $0x0, s20;
	[sflag:s22] =	ssyncset.done $0x0  }
0xa0: {  	[sflag:s22] =	ssyncadd.s32 s4;
	_ =	sdelay $0x1  }
0xa1: {  	s23 =	simm.s32 $0x1B8B  }
0xa2: {  	_ =	swait.ge [sflag:s23], $0x1  }
0xa3: {  	[sflag:s23] =	ssyncset.done $0x0  }
0xa4: {  	s25 =	simm.s32 $0x1B8E;
	s24 =	sld [smem:$0x3FFE];
	[sflag:s23] =	ssyncadd.s32 $0xFFFFFFFF  }
0xa5: {  	s26 =	simm.s32 $execute0_lowered;
	[smem:$0x3FD2] =	sst s25  }
0xa6: {  	s5 =	sshll.u32 s26, $0x1;
	_ =	strace $0x80000046;
	[dreg:$0x1] =	wrdreg $0xFFFFFFFF  }
0xa7: {  	s28 =	simm.s32 $_size_execute0_lowered;
	s3 =	sadd.s32 s3, s5;
	[dreg:$0x0] =	wrdreg $0x0  }
0xa8: {  	s5 =	sshll.u32 s28, $0x1;
	[dreg:$0x2] =	wrdreg s3  }
0xa9: {  	[dreg:$0x3] =	wrdreg s5  }
0xaa: {  	[dreg:$0x4] =	wrdreg $0xC0  }
0xab: {  	_ =	task [dreg:s7], $0x5FFFF  }
0xac: {  	[dreg:$0x1] =	wrdreg $0xFFFFFFFF  }
0xad: {  	[dreg:$0x0] =	wrdreg $0x60  }
0xae: {  	[dreg:$0x2] =	wrdreg s24  }
0xaf: {  	[dreg:$0x3] =	wrdreg s2  }
0xb0: {  	[dreg:$0x4] =	wrdreg $0xD2800  }
0xb1: {  	[dreg:$0x5] =	wrdreg $0x9  }
0xb2: {  	_ =	task.clear_ibuf [dreg:s7], $0x6FFFF;
	_ =	strace $0x90000046  }
0xb3: {  	s29 =	simm.s32 $0x9;
	_ =	strace $0x80000048  }
0xb4: {  	_ =	swait.ge [sflag:s29], $0x1  }
0xb5: {  	[sflag:s29] =	ssyncadd.s32 $0xFFFFFFFF  }
0xb6: {  	_ =	strace $0x90000048  }
0xb7: {  	_ =	sfence  }
0xb8: {  	s30 =	sld [smem:$0x0];
	_ =	sdelay $0x2  }
0xb9: {  	s31 =	sshll.u32 s1, $0xD;
	s1 =	sshrl.u32 s1, $0x2  }
0xba: {  	s3 =	sand.u32 $0x4000, s31;
	s1 =	sadd.s32 s1, s30  }
0xbb: {  	s0 =	sor.u32 s3, s0;
	s1 =	sshll.u32 s1, $0x11  }
0xbc: {  	s0 =	sor.u32 s1, s0  }
0xbd: {  	s0 =	sadd.s32 $0x8F2B, s0  }
0xbe: {  	[sflag:s0] =	ssyncadd.remote.s32 $0x1  }
0xbf: {  	_ =	sfence.sel $0xFFFF  }
0xc0: {  	[dreg:$0x0] =	wrdreg $0xFFFFFFFF;
	(pc) =	sbr.abs _section_cstart, $3  }
0xc1: {  	[dreg:$0x1] =	wrdreg $0xFFFFFFFF  }
0xc2: {  	_ =	task.clear_ibuf [dreg:s7], $0x2FFFF;
	_ =	strace $0x9FFFFFFF  }
0xc3: {  	(tm) =	ssettm $0x7FFFFFFF  }
tec
execute0_lowered:
.L_overlay_start_1:
0x0: {  	(tag) =	ssettag $0x1  }
0x1: {  	s0 =	rddreg [dreg:$0x0]  }
0x2: {  	s2 =	rddreg [dreg:$0x1]  }
0x3: {  	s6 =	rddreg [dreg:$0x2]  }
0x4: {  	s1 =	simm.s32 $0x0;
	s3 =	srdreg.scid;
	s10 =	stileid.u32  }
0x5: {  	s28 =	simm.s32 $0x1;
	s29 =	simm.s32 $0xC000;
	s30 =	simm.s32 $0xC280  }
0x6: {  	s31 =	simm.s32 $0xCA80;
	[smem:$0x7FF] =	sst s1;
	s7 =	sand.u32 $0x1, s3  }
0x7: {  	s3 =	sadd.s32 $0xC5A00, s0;
	s4 =	sadd.s32 $0x1A00, s0;
	s19 =	sshll.u32 s10, $0xB  }
0x8: {  	s9 =	sshll.u32 s10, $0x1;
	s10 =	sshll.u32 s10, $0xF;
	s5 =	ssub.s32 $0x2, s7  }
0x9: {  	s0 =	simm.s32 $0x0;
	_ =	strace $0x80000047;
	s8 =	sshrl.u32 s5, $0x1  }
0xa: {  	s11 =	ssub.s32 s5, s8;
	s5 =	sadd.s32 s19, s6;
	s6 =	sadd.s32 s10, s6  }
0xb: {  	s25 =	sshll.u32 s7, $0xF;
	[dreg:$0x4] =	wrdreg s6;
	s20 =	sadd.s32 $0x8000, s5  }
0xc: {  	s21 =	sadd.s32 $0x10000, s5;
	s22 =	sadd.s32 $0x18000, s5;
	s23 =	sadd.s32 $0x20000, s5  }
0xd: {  	s24 =	sadd.s32 $0x28000, s5;
	s12 =	sadd.s32 $0x30000, s5;
	s13 =	sadd.s32 $0x38000, s5  }
0xe: {  	s14 =	sadd.s32 $0x40000, s5;
	s15 =	sadd.s32 $0x48000, s5;
	[dreg:$0x5] =	wrdreg s20  }
0xf: {  	s16 =	sadd.s32 $0x50000, s5;
	s17 =	sadd.s32 $0x58000, s5;
	[dreg:$0x6] =	wrdreg s21  }
0x10: {  	s18 =	sadd.s32 $0x60000, s5;
	s6 =	sor.u32 s19, s25;
	[dreg:$0x7] =	wrdreg s22  }
0x11: {  	s19 =	sadd.s32 $0x68000, s5;
	s25 =	smax.u32 s11, $0x1;
	[dreg:$0x8] =	wrdreg s23  }
0x12: {  	[dreg:$0x9] =	wrdreg s24;
	s6 =	sshrl.u32 s6, $0x3;
	s20 =	sor.u32 s9, s7  }
0x13: {  	s21 =	sadd.s32 $0x70000, s5;
	s23 =	sadd.s32 $0x78000, s5;
	s26 =	ssub.s32 $0x61, s20  }
0x14: {  	v0 =	vimm.f32 $0.0e+00;
	s22 =	sadd.s32 s2, s6;
	s24 =	sshrl.u32 s26, $0x5;
	s26 =	simm.s32 $0x8000  }
.LBB2_1:
0x15: {  	s2 =	simm.s32 $0x0  }
.LBB2_2:
0x16: {  	p0 =	sne.s32 s2, $0x1FFC0  }
.Ltmp0:
0x17: {  	_ = 	snop;
	(pc) =	sbr.rel @p0 .LBB2_2-.Ltmp0, $3  }
0x18: {  	_ =	sdelay $0x1  }
0x19: {  	s6 =	sshra.s32 s2, $0x2  }
0x1a: {  	s2 =	sadd.s32 $0x40, s2;
	[tilespmem:s6+$0x0] =	vst v0  }
0x1b: {  	s2 =	simm.s32 $0x0  }
.LBB2_4:
0x1c: {  	s6 =	sshll.u32 s2, $0x5  }
0x1d: {  	s6 =	sor.u32 s20, s6  }
0x1e: {  	s7 =	sshll.u32 s6, $0xB  }
0x1f: {  	s7 =	sand.u32 $0x1FFFF800, s7  }
0x20: {  	s7 =	sadd.s32 s3, s7  }
0x21: {  	[tilespmem:s26], [sflag:$0x1] =	stream.linear.gather [hbm4b:s7+s1], $0x4000, $0x38;
	[tilespmem:$0x15280] =	vst v63  }
0x22: {  	s6 =	sshll.u32 s6, $0x6;
	_ =	swait.ge [sflag:s28], $0x4000  }
0x23: {  	s6 =	sand.u32 $0x1FFFFFC0, s6;
	[sflag:s28] =	ssyncset.done $0x0  }
0x24: {  	s6 =	sadd.s32 s4, s6;
	[sflag:s28] =	ssyncadd.s32 $0xFFFFC000  }
0x25: {  	[tilespmem:s29], [sflag:$0x1] =	stream.linear.gather [hbm4b:s6+s1], $0x200, $0x38;
	[tilespmem:$0x15280] =	vst v63  }
0x26: {  	_ =	swait.ge [sflag:s28], $0x200  }
0x27: {  	[sflag:s28] =	ssyncset.done $0x0  }
0x28: {  	s6 =	simm.s32 $0xC004;
	[sflag:s28] =	ssyncadd.s32 $0xFFFFFE00  }
0x29: {  	v1 =	vld [tilespmem:s6+$0xFFFFFFFC];
	_ =	sdelay $0x4  }
0x2a: {  	(v2sf) =	vpush v1, $0x0;
	_ =	sdelay $0xe  }
0x2b: {  	s9 =	simm.s32 $0x8080;
	s8 =	spop (v2sf)  }
0x2c: {  	v2 =	vld [tilespmem:s9+$0xFFFFFF80];
	s7 =	sshll.u32 s8, $0x7  }
0x2d: {  	v1 =	vld [tilespmem:s9+$0xFFFFFF90];
	s7 =	sshra.s32 s7, $0x2  }
0x2e: {  	v3 =	vld [tilespmem:s7+$0x0]  }
0x2f: {  	v4 =	vld [tilespmem:s7+$0x10];
	_ =	sdelay $0x3  }
0x30: {  	v2 =	vadd.f32 v3, v2  }
0x31: {  	v1 =	vadd.f32 v4, v1  }
0x32: {  	[tilespmem:s7+$0x0] =	vst v2  }
0x33: {  	[tilespmem:s7+$0x10] =	vst v1  }
0x34: {  	v1 =	vld [tilespmem:s6+$0xFFFFFFFD];
	_ =	sdelay $0x4  }
0x35: {  	(v2sf) =	vpush v1, $0x0;
	_ =	sdelay $0xe  }
0x36: {  	s10 =	simm.s32 $0x20;
	s8 =	spop (v2sf)  }
0x37: {  	s7 =	sor.u32 $0x30, s10;
	v2 =	vld [tilespmem:s9+$0xFFFFFFA0];
	s11 =	sshll.u32 s8, $0x7  }
0x38: {  	v1 =	vld [tilespmem:s7+$0x8000];
	s7 =	sshra.s32 s11, $0x2  }
0x39: {  	v3 =	vld [tilespmem:s7+$0x0]  }
0x3a: {  	v58 =	vld [tilespmem:s7+$0x10];
	_ =	sdelay $0x3  }
0x3b: {  	v2 =	vadd.f32 v3, v2  }
0x3c: {  	v1 =	vadd.f32 v58, v1  }
0x3d: {  	[tilespmem:s7+$0x0] =	vst v2  }
0x3e: {  	[tilespmem:s7+$0x10] =	vst v1  }
0x3f: {  	v1 =	vld [tilespmem:s6+$0xFFFFFFFE];
	_ =	sdelay $0x4  }
0x40: {  	(v2sf) =	vpush v1, $0x0;
	_ =	sdelay $0xe  }
0x41: {  	s8 =	simm.s32 $0x40;
	s10 =	spop (v2sf)  }
0x42: {  	s7 =	sor.u32 $0x50, s8;
	v2 =	vld [tilespmem:s9+$0xFFFFFFC0];
	s11 =	sshll.u32 s10, $0x7  }
0x43: {  	v1 =	vld [tilespmem:s7+$0x8000];
	s7 =	sshra.s32 s11, $0x2  }
0x44: {  	v3 =	vld [tilespmem:s7+$0x0]  }
0x45: {  	v59 =	vld [tilespmem:s7+$0x10];
	_ =	sdelay $0x3  }
0x46: {  	v2 =	vadd.f32 v3, v2  }
0x47: {  	v1 =	vadd.f32 v59, v1  }
0x48: {  	[tilespmem:s7+$0x0] =	vst v2  }
0x49: {  	[tilespmem:s7+$0x10] =	vst v1  }
0x4a: {  	v1 =	vld [tilespmem:s6+$0xFFFFFFFF];
	_ =	sdelay $0x4  }
0x4b: {  	(v2sf) =	vpush v1, $0x0;
	_ =	sdelay $0xe  }
0x4c: {  	s8 =	simm.s32 $0x60;
	s10 =	spop (v2sf)  }
0x4d: {  	s7 =	sor.u32 $0x70, s8;
	v2 =	vld [tilespmem:s9+$0xFFFFFFE0];
	s11 =	sshll.u32 s10, $0x7  }
0x4e: {  	v1 =	vld [tilespmem:s7+$0x8000];
	s7 =	sshra.s32 s11, $0x2  }
0x4f: {  	v3 =	vld [tilespmem:s7+$0x0]  }
0x50: {  	v60 =	vld [tilespmem:s7+$0x10];
	_ =	sdelay $0x3  }
0x51: {  	v2 =	vadd.f32 v3, v2  }
0x52: {  	v1 =	vadd.f32 v60, v1  }
0x53: {  	[tilespmem:s7+$0x0] =	vst v2  }
0x54: {  	[tilespmem:s7+$0x10] =	vst v1  }
0x55: {  	v1 =	vld [tilespmem:s6+$0x0];
	_ =	sdelay $0x4  }
0x56: {  	(v2sf) =	vpush v1, $0x0;
	_ =	sdelay $0xe  }
0x57: {  	s8 =	spop (v2sf)  }
0x58: {  	v2 =	vld [tilespmem:s9+$0x0];
	s7 =	sshll.u32 s8, $0x7  }
0x59: {  	v1 =	vld [tilespmem:s9+$0x10];
	s7 =	sshra.s32 s7, $0x2  }
0x5a: {  	v3 =	vld [tilespmem:s7+$0x0]  }
0x5b: {  	v61 =	vld [tilespmem:s7+$0x10];
	_ =	sdelay $0x3  }
0x5c: {  	v2 =	vadd.f32 v3, v2  }
0x5d: {  	v1 =	vadd.f32 v61, v1  }
0x5e: {  	[tilespmem:s7+$0x0] =	vst v2  }
0x5f: {  	[tilespmem:s7+$0x10] =	vst v1  }
0x60: {  	v1 =	vld [tilespmem:s6+$0x1];
	_ =	sdelay $0x4  }
0x61: {  	(v2sf) =	vpush v1, $0x0;
	_ =	sdelay $0xd  }
0x62: {  	s10 =	simm.s32 $0xA0  }
0x63: {  	s7 =	sor.u32 $0x30, s10;
	s11 =	spop (v2sf)  }
0x64: {  	v2 =	vld [tilespmem:s7+$0x8000];
	s8 =	sshll.u32 s11, $0x7  }
0x65: {  	v1 =	vld [tilespmem:s9+$0x20];
	s10 =	sshra.s32 s8, $0x2  }
0x66: {  	v3 =	vld [tilespmem:s10+$0x0]  }
0x67: {  	v62 =	vld [tilespmem:s10+$0x10];
	_ =	sdelay $0x3  }
0x68: {  	v1 =	vadd.f32 v3, v1  }
0x69: {  	v2 =	vadd.f32 v62, v2  }
0x6a: {  	[tilespmem:s10+$0x0] =	vst v1  }
0x6b: {  	[tilespmem:s10+$0x10] =	vst v2  }
0x6c: {  	v1 =	vld [tilespmem:s6+$0x2];
	_ =	sdelay $0x4  }
0x6d: {  	(v2sf) =	vpush v1, $0x0;
	_ =	sdelay $0xd  }
0x6e: {  	s7 =	simm.s32 $0xC0  }
0x6f: {  	s10 =	sor.u32 $0x50, s7;
	s11 =	spop (v2sf)  }
0x70: {  	v2 =	vld [tilespmem:s10+$0x8000];
	s8 =	sshll.u32 s11, $0x7  }
0x71: {  	v1 =	vld [tilespmem:s9+$0x40];
	s8 =	sshra.s32 s8, $0x2  }
0x72: {  	v3 =	vld [tilespmem:s8+$0x0]  }
0x73: {  	v63 =	vld [tilespmem:s8+$0x10];
	_ =	sdelay $0x3  }
0x74: {  	v1 =	vadd.f32 v3, v1  }
0x75: {  	v2 =	vadd.f32 v63, v2  }
0x76: {  	[tilespmem:s8+$0x0] =	vst v1  }
0x77: {  	[tilespmem:s8+$0x10] =	vst v2  }
0x78: {  	v1 =	vld [tilespmem:s6+$0x3];
	_ =	sdelay $0x4  }
0x79: {  	(v2sf) =	vpush v1, $0x0;
	_ =	sdelay $0xe  }
0x7a: {  	s10 =	spop (v2sf)  }
0x7b: {  	v2 =	vld [tilespmem:s9+$0x70];
	s11 =	sshll.u32 s10, $0x7  }
0x7c: {  	s8 =	simm.s32 $0x0;
	v1 =	vld [tilespmem:s9+$0x60];
	s9 =	simm.s32 $0x8180;
	s10 =	sshra.s32 s11, $0x2  }
.LBB2_5:
0x7d: {  	s8 =	sadd.s32 $0x8, s8;
	v3 =	vld [tilespmem:s10+$0x0];
	s7 =	sadd.s32 $0x100, s7;
	s6 =	sadd.s32 $0x8, s6  }
0x7e: {  	p0 =	slt.u32 s8, $0x1F8;
	v4 =	vld [tilespmem:s10+$0x10];
	_ =	sdelay $0x3  }
0x7f: {  	v1 =	vadd.f32 v3, v1  }
0x80: {  	v2 =	vadd.f32 v4, v2  }
0x81: {  	[tilespmem:s10+$0x0] =	vst v1  }
0x82: {  	[tilespmem:s10+$0x10] =	vst v2  }
0x83: {  	v1 =	vld [tilespmem:s6+$0xFFFFFFFC];
	_ =	sdelay $0x4  }
0x84: {  	(v2sf) =	vpush v1, $0x0;
	_ =	sdelay $0xe  }
0x85: {  	s10 =	spop (v2sf)  }
0x86: {  	v1 =	vld [tilespmem:s9+$0xFFFFFF90];
	s10 =	sshll.u32 s10, $0x7  }
0x87: {  	v2 =	vld [tilespmem:s9+$0xFFFFFF80];
	s10 =	sshra.s32 s10, $0x2  }
0x88: {  	v3 =	vld [tilespmem:s10+$0x0]  }
0x89: {  	v4 =	vld [tilespmem:s10+$0x10];
	_ =	sdelay $0x3  }
0x8a: {  	v2 =	vadd.f32 v3, v2  }
0x8b: {  	v1 =	vadd.f32 v4, v1  }
0x8c: {  	[tilespmem:s10+$0x0] =	vst v2  }
0x8d: {  	[tilespmem:s10+$0x10] =	vst v1  }
0x8e: {  	v1 =	vld [tilespmem:s6+$0xFFFFFFFD];
	_ =	sdelay $0x4  }
0x8f: {  	(v2sf) =	vpush v1, $0x0;
	_ =	sdelay $0xd  }
0x90: {  	s10 =	sadd.s32 $0xFFFFFF60, s7  }
0x91: {  	s10 =	sor.u32 $0x30, s10;
	s11 =	spop (v2sf)  }
0x92: {  	v1 =	vld [tilespmem:s10+$0x8000];
	s10 =	sshll.u32 s11, $0x7  }
0x93: {  	v2 =	vld [tilespmem:s9+$0xFFFFFFA0];
	s10 =	sshra.s32 s10, $0x2  }
0x94: {  	v3 =	vld [tilespmem:s10+$0x0]  }
0x95: {  	v4 =	vld [tilespmem:s10+$0x10];
	_ =	sdelay $0x3  }
0x96: {  	v2 =	vadd.f32 v3, v2  }
0x97: {  	v1 =	vadd.f32 v4, v1  }
0x98: {  	[tilespmem:s10+$0x0] =	vst v2  }
0x99: {  	[tilespmem:s10+$0x10] =	vst v1  }
0x9a: {  	v1 =	vld [tilespmem:s6+$0xFFFFFFFE];
	_ =	sdelay $0x4  }
0x9b: {  	(v2sf) =	vpush v1, $0x0;
	_ =	sdelay $0xc  }
0x9c: {  	s10 =	sadd.s32 $0xFFFFFF80, s7  }
0x9d: {  	s10 =	sor.u32 $0x50, s10  }
0x9e: {  	v1 =	vld [tilespmem:s10+$0x8000];
	s10 =	spop (v2sf)  }
0x9f: {  	v2 =	vld [tilespmem:s9+$0xFFFFFFC0];
	s10 =	sshll.u32 s10, $0x7  }
0xa0: {  	s10 =	sshra.s32 s10, $0x2  }
0xa1: {  	v3 =	vld [tilespmem:s10+$0x0]  }
0xa2: {  	v4 =	vld [tilespmem:s10+$0x10];
	_ =	sdelay $0x3  }
0xa3: {  	v2 =	vadd.f32 v3, v2  }
0xa4: {  	v1 =	vadd.f32 v4, v1  }
0xa5: {  	[tilespmem:s10+$0x0] =	vst v2  }
0xa6: {  	[tilespmem:s10+$0x10] =	vst v1  }
0xa7: {  	v1 =	vld [tilespmem:s6+$0xFFFFFFFF];
	_ =	sdelay $0x4  }
0xa8: {  	(v2sf) =	vpush v1, $0x0;
	_ =	sdelay $0xb  }
0xa9: {  	s10 =	sadd.s32 $0xFFFFFFA0, s7  }
0xaa: {  	s10 =	sor.u32 $0x70, s10  }
0xab: {  	v1 =	vld [tilespmem:s10+$0x8000]  }
0xac: {  	v2 =	vld [tilespmem:s9+$0xFFFFFFE0];
	s10 =	spop (v2sf)  }
0xad: {  	s10 =	sshll.u32 s10, $0x7  }
0xae: {  	s10 =	sshra.s32 s10, $0x2  }
0xaf: {  	v3 =	vld [tilespmem:s10+$0x0]  }
0xb0: {  	v4 =	vld [tilespmem:s10+$0x10];
	_ =	sdelay $0x3  }
0xb1: {  	v2 =	vadd.f32 v3, v2  }
0xb2: {  	v1 =	vadd.f32 v4, v1  }
0xb3: {  	[tilespmem:s10+$0x0] =	vst v2  }
0xb4: {  	[tilespmem:s10+$0x10] =	vst v1  }
0xb5: {  	v1 =	vld [tilespmem:s6+$0x0];
	_ =	sdelay $0x4  }
0xb6: {  	(v2sf) =	vpush v1, $0x0;
	_ =	sdelay $0xc  }
0xb7: {  	v1 =	vld [tilespmem:s9+$0x10]  }
0xb8: {  	v2 =	vld [tilespmem:s9+$0x0]  }
0xb9: {  	s10 =	spop (v2sf)  }
0xba: {  	s10 =	sshll.u32 s10, $0x7  }
0xbb: {  	s10 =	sshra.s32 s10, $0x2  }
0xbc: {  	v3 =	vld [tilespmem:s10+$0x0]  }
0xbd: {  	v4 =	vld [tilespmem:s10+$0x10];
	_ =	sdelay $0x3  }
0xbe: {  	v2 =	vadd.f32 v3, v2  }
0xbf: {  	v1 =	vadd.f32 v4, v1  }
0xc0: {  	[tilespmem:s10+$0x0] =	vst v2  }
0xc1: {  	[tilespmem:s10+$0x10] =	vst v1  }
0xc2: {  	s10 =	sadd.s32 $0xFFFFFFE0, s7;
	v1 =	vld [tilespmem:s6+$0x1]  }
0xc3: {  	s10 =	sor.u32 $0x30, s10;
	v2 =	vld [tilespmem:s9+$0x20]  }
0xc4: {  	v3 =	vld [tilespmem:s10+$0x8000];
	_ =	sdelay $0x2  }
0xc5: {  	(v2sf) =	vpush v1, $0x0;
	_ =	sdelay $0xe  }
0xc6: {  	s10 =	spop (v2sf)  }
0xc7: {  	s10 =	sshll.u32 s10, $0x7  }
0xc8: {  	s10 =	sshra.s32 s10, $0x2  }
0xc9: {  	v1 =	vld [tilespmem:s10+$0x0]  }
0xca: {  	v4 =	vld [tilespmem:s10+$0x10];
	_ =	sdelay $0x3  }
0xcb: {  	v1 =	vadd.f32 v1, v2  }
0xcc: {  	v2 =	vadd.f32 v4, v3  }
0xcd: {  	[tilespmem:s10+$0x0] =	vst v1  }
0xce: {  	[tilespmem:s10+$0x10] =	vst v2  }
0xcf: {  	v1 =	vld [tilespmem:s6+$0x2]  }
0xd0: {  	s10 =	sor.u32 $0x50, s7;
	v2 =	vld [tilespmem:s9+$0x40]  }
0xd1: {  	v3 =	vld [tilespmem:s10+$0x8000];
	_ =	sdelay $0x2  }
0xd2: {  	(v2sf) =	vpush v1, $0x0;
	_ =	sdelay $0xe  }
0xd3: {  	s10 =	spop (v2sf)  }
0xd4: {  	s10 =	sshll.u32 s10, $0x7  }
0xd5: {  	s10 =	sshra.s32 s10, $0x2  }
0xd6: {  	v1 =	vld [tilespmem:s10+$0x0]  }
0xd7: {  	v4 =	vld [tilespmem:s10+$0x10];
	_ =	sdelay $0x3  }
0xd8: {  	v1 =	vadd.f32 v1, v2  }
0xd9: {  	v2 =	vadd.f32 v4, v3  }
0xda: {  	[tilespmem:s10+$0x0] =	vst v1  }
0xdb: {  	[tilespmem:s10+$0x10] =	vst v2  }
0xdc: {  	v3 =	vld [tilespmem:s6+$0x3]  }
0xdd: {  	v1 =	vld [tilespmem:s9+$0x60]  }
0xde: {  	v2 =	vld [tilespmem:s9+$0x70];
	_ =	sdelay $0x2  }
0xdf: {  	(v2sf) =	vpush v3, $0x0;
	_ =	sdelay $0xc  }
.Ltmp1:
0xe0: {  	(pc) =	sbr.rel @p0 .LBB2_5-.Ltmp1, $4  }
0xe1: {  	_ = 	snop  }
0xe2: {  	s10 =	spop (v2sf)  }
0xe3: {  	s10 =	sshll.u32 s10, $0x7  }
0xe4: {  	s9 =	sadd.s32 $0x100, s9;
	s10 =	sshra.s32 s10, $0x2  }
0xe5: {  	v3 =	vld [tilespmem:s10+$0x0]  }
0xe6: {  	v4 =	vld [tilespmem:s10+$0x10];
	_ =	sdelay $0x1  }
0xe7: {  	p0 =	sne.s32 s2, s24  }
.Ltmp2:
0xe8: {  	_ = 	snop;
	(pc) =	sbr.rel @p0 .LBB2_4-.Ltmp2, $4  }
0xe9: {  	v1 =	vadd.f32 v3, v1  }
0xea: {  	v2 =	vadd.f32 v4, v2  }
0xeb: {  	s6 =	sadd.s32 $0x1, s2;
	[tilespmem:s10+$0x0] =	vst v1  }
0xec: {  	s2 =	smov.u32 s6;
	[tilespmem:s10+$0x10] =	vst v2  }
0xed: {  	s2 =	simm.s32 $0x0;
	s6 =	rddreg [dreg:$0x4]  }
0xee: {  	[spmem:s6] =	stream.linear.scatter [tilespmem:s2], [sflag:$0x1], $0x8000, $0x38;
	[tilespmem:$0x15280] =	vst v63  }
0xef: {  	_ =	swait.ge [sflag:s28], $0x8000  }
0xf0: {  	[sflag:s28] =	ssyncset.done $0x0  }
0xf1: {  	[sflag:s28] =	ssyncadd.s32 $0xFFFF8000  }
0xf2: {  	[bflag:$0x0] =	sbarrier.arrive $0xFFFF  }
0xf3: {  	[tilespmem:s30], [sflag:$0x1] =	stream.linear.gather [spmem:s5], $0x800, $0x38;
	[tilespmem:$0x15280] =	vst v63  }
0xf4: {  	_ =	swait.ge [sflag:s28], $0x800  }
0xf5: {  	[sflag:s28] =	ssyncset.done $0x0  }
0xf6: {  	s11 =	rddreg [dreg:$0x5];
	[sflag:s28] =	ssyncadd.s32 $0xFFFFF800  }
0xf7: {  	[tilespmem:s31], [sflag:$0x1] =	stream.linear.gather [spmem:s11], $0x800, $0x38;
	[tilespmem:$0x15280] =	vst v63  }
0xf8: {  	_ =	swait.ge [sflag:s28], $0x800  }
0xf9: {  	[sflag:s28] =	ssyncset.done $0x0  }
0xfa: {  	s2 =	simm.s32 $0x0;
	[sflag:s28] =	ssyncadd.s32 $0xFFFFF800  }
0xfb: {  	s6 =	simm.s32 $0x40;
	v1 =	vld [tilespmem:s2+$0xCA80]  }
.LBB2_8:
0xfc: {  	p0 =	sne.s32 s6, $0x1FC0;
	v2 =	vld [tilespmem:s2+$0xC280];
	_ =	sdelay $0x2  }
.Ltmp3:
0xfd: {  	(pc) =	sbr.rel @p0 .LBB2_8-.Ltmp3, $4  }
0xfe: {  	_ = 	snop  }
0xff: {  	v2 =	vadd.f32 v1, v2  }
0x100: {  	s7 =	sshra.s32 s6, $0x2  }
0x101: {  	s6 =	sadd.s32 $0x40, s6;
	v1 =	vld [tilespmem:s7+$0xCA80];
	[tilespmem:s2+$0xC280] =	vst v2;
	s2 =	smov.u32 s7  }
0x102: {  	v2 =	vld [tilespmem:s2+$0xC280];
	_ =	sdelay $0x4  }
0x103: {  	v1 =	vadd.f32 v1, v2;
	_ =	sdelay $0x1  }
0x104: {  	s11 =	rddreg [dreg:$0x6];
	[tilespmem:s2+$0xC280] =	vst v1  }
0x105: {  	[tilespmem:s31], [sflag:$0x1] =	stream.linear.gather [spmem:s11], $0x800, $0x38;
	[tilespmem:$0x15280] =	vst v63  }
0x106: {  	_ =	swait.ge [sflag:s28], $0x800  }
0x107: {  	[sflag:s28] =	ssyncset.done $0x0  }
0x108: {  	s2 =	simm.s32 $0x0;
	[sflag:s28] =	ssyncadd.s32 $0xFFFFF800  }
0x109: {  	s6 =	simm.s32 $0x40;
	v1 =	vld [tilespmem:s2+$0xCA80]  }
.LBB2_10:
0x10a: {  	p0 =	sne.s32 s6, $0x1FC0;
	v2 =	vld [tilespmem:s2+$0xC280];
	_ =	sdelay $0x2  }
.Ltmp4:
0x10b: {  	(pc) =	sbr.rel @p0 .LBB2_10-.Ltmp4, $4  }
0x10c: {  	_ = 	snop  }
0x10d: {  	v2 =	vadd.f32 v1, v2  }
0x10e: {  	s7 =	sshra.s32 s6, $0x2  }
0x10f: {  	s6 =	sadd.s32 $0x40, s6;
	v1 =	vld [tilespmem:s7+$0xCA80];
	[tilespmem:s2+$0xC280] =	vst v2;
	s2 =	smov.u32 s7  }
0x110: {  	v2 =	vld [tilespmem:s2+$0xC280];
	_ =	sdelay $0x4  }
0x111: {  	v1 =	vadd.f32 v1, v2;
	_ =	sdelay $0x1  }
0x112: {  	s11 =	rddreg [dreg:$0x7];
	[tilespmem:s2+$0xC280] =	vst v1  }
0x113: {  	[tilespmem:s31], [sflag:$0x1] =	stream.linear.gather [spmem:s11], $0x800, $0x38;
	[tilespmem:$0x15280] =	vst v63  }
0x114: {  	_ =	swait.ge [sflag:s28], $0x800  }
0x115: {  	[sflag:s28] =	ssyncset.done $0x0  }
0x116: {  	s2 =	simm.s32 $0x0;
	[sflag:s28] =	ssyncadd.s32 $0xFFFFF800  }
0x117: {  	s6 =	simm.s32 $0x40;
	v1 =	vld [tilespmem:s2+$0xCA80]  }
.LBB2_12:
0x118: {  	p0 =	sne.s32 s6, $0x1FC0;
	v2 =	vld [tilespmem:s2+$0xC280];
	_ =	sdelay $0x2  }
.Ltmp5:
0x119: {  	(pc) =	sbr.rel @p0 .LBB2_12-.Ltmp5, $4  }
0x11a: {  	_ = 	snop  }
0x11b: {  	v2 =	vadd.f32 v1, v2  }
0x11c: {  	s7 =	sshra.s32 s6, $0x2  }
0x11d: {  	s6 =	sadd.s32 $0x40, s6;
	v1 =	vld [tilespmem:s7+$0xCA80];
	[tilespmem:s2+$0xC280] =	vst v2;
	s2 =	smov.u32 s7  }
0x11e: {  	v2 =	vld [tilespmem:s2+$0xC280];
	_ =	sdelay $0x4  }
0x11f: {  	v1 =	vadd.f32 v1, v2;
	_ =	sdelay $0x1  }
0x120: {  	s11 =	rddreg [dreg:$0x8];
	[tilespmem:s2+$0xC280] =	vst v1  }
0x121: {  	[tilespmem:s31], [sflag:$0x1] =	stream.linear.gather [spmem:s11], $0x800, $0x38;
	[tilespmem:$0x15280] =	vst v63  }
0x122: {  	_ =	swait.ge [sflag:s28], $0x800  }
0x123: {  	[sflag:s28] =	ssyncset.done $0x0  }
0x124: {  	s2 =	simm.s32 $0x0;
	[sflag:s28] =	ssyncadd.s32 $0xFFFFF800  }
0x125: {  	s6 =	simm.s32 $0x40;
	v1 =	vld [tilespmem:s2+$0xCA80]  }
.LBB2_14:
0x126: {  	p0 =	sne.s32 s6, $0x1FC0;
	v2 =	vld [tilespmem:s2+$0xC280];
	_ =	sdelay $0x2  }
.Ltmp6:
0x127: {  	(pc) =	sbr.rel @p0 .LBB2_14-.Ltmp6, $4  }
0x128: {  	_ = 	snop  }
0x129: {  	v2 =	vadd.f32 v1, v2  }
0x12a: {  	s7 =	sshra.s32 s6, $0x2  }
0x12b: {  	s6 =	sadd.s32 $0x40, s6;
	v1 =	vld [tilespmem:s7+$0xCA80];
	[tilespmem:s2+$0xC280] =	vst v2;
	s2 =	smov.u32 s7  }
0x12c: {  	v2 =	vld [tilespmem:s2+$0xC280];
	_ =	sdelay $0x4  }
0x12d: {  	v1 =	vadd.f32 v1, v2;
	_ =	sdelay $0x1  }
0x12e: {  	s11 =	rddreg [dreg:$0x9];
	[tilespmem:s2+$0xC280] =	vst v1  }
0x12f: {  	[tilespmem:s31], [sflag:$0x1] =	stream.linear.gather [spmem:s11], $0x800, $0x38;
	[tilespmem:$0x15280] =	vst v63  }
0x130: {  	_ =	swait.ge [sflag:s28], $0x800  }
0x131: {  	[sflag:s28] =	ssyncset.done $0x0  }
0x132: {  	s2 =	simm.s32 $0x0;
	[sflag:s28] =	ssyncadd.s32 $0xFFFFF800  }
0x133: {  	s6 =	simm.s32 $0x40;
	v1 =	vld [tilespmem:s2+$0xCA80]  }
.LBB2_16:
0x134: {  	p0 =	sne.s32 s6, $0x1FC0;
	v2 =	vld [tilespmem:s2+$0xC280];
	_ =	sdelay $0x2  }
.Ltmp7:
0x135: {  	(pc) =	sbr.rel @p0 .LBB2_16-.Ltmp7, $4  }
0x136: {  	_ = 	snop  }
0x137: {  	v2 =	vadd.f32 v1, v2  }
0x138: {  	s7 =	sshra.s32 s6, $0x2  }
0x139: {  	s6 =	sadd.s32 $0x40, s6;
	v1 =	vld [tilespmem:s7+$0xCA80];
	[tilespmem:s2+$0xC280] =	vst v2;
	s2 =	smov.u32 s7  }
0x13a: {  	v2 =	vld [tilespmem:s2+$0xC280];
	_ =	sdelay $0x4  }
0x13b: {  	v1 =	vadd.f32 v1, v2;
	_ =	sdelay $0x1  }
0x13c: {  	[tilespmem:s2+$0xC280] =	vst v1  }
0x13d: {  	[tilespmem:s31], [sflag:$0x1] =	stream.linear.gather [spmem:s12], $0x800, $0x38;
	[tilespmem:$0x15280] =	vst v63  }
0x13e: {  	_ =	swait.ge [sflag:s28], $0x800  }
0x13f: {  	[sflag:s28] =	ssyncset.done $0x0  }
0x140: {  	s2 =	simm.s32 $0x0;
	[sflag:s28] =	ssyncadd.s32 $0xFFFFF800  }
0x141: {  	s6 =	simm.s32 $0x40;
	v1 =	vld [tilespmem:s2+$0xCA80]  }
.LBB2_18:
0x142: {  	p0 =	sne.s32 s6, $0x1FC0;
	v2 =	vld [tilespmem:s2+$0xC280];
	_ =	sdelay $0x2  }
.Ltmp8:
0x143: {  	(pc) =	sbr.rel @p0 .LBB2_18-.Ltmp8, $4  }
0x144: {  	_ = 	snop  }
0x145: {  	v2 =	vadd.f32 v1, v2  }
0x146: {  	s7 =	sshra.s32 s6, $0x2  }
0x147: {  	s6 =	sadd.s32 $0x40, s6;
	v1 =	vld [tilespmem:s7+$0xCA80];
	[tilespmem:s2+$0xC280] =	vst v2;
	s2 =	smov.u32 s7  }
0x148: {  	v2 =	vld [tilespmem:s2+$0xC280];
	_ =	sdelay $0x4  }
0x149: {  	v1 =	vadd.f32 v1, v2;
	_ =	sdelay $0x1  }
0x14a: {  	[tilespmem:s2+$0xC280] =	vst v1  }
0x14b: {  	[tilespmem:s31], [sflag:$0x1] =	stream.linear.gather [spmem:s13], $0x800, $0x38;
	[tilespmem:$0x15280] =	vst v63  }
0x14c: {  	_ =	swait.ge [sflag:s28], $0x800  }
0x14d: {  	[sflag:s28] =	ssyncset.done $0x0  }
0x14e: {  	s2 =	simm.s32 $0x0;
	[sflag:s28] =	ssyncadd.s32 $0xFFFFF800  }
0x14f: {  	s6 =	simm.s32 $0x40;
	v1 =	vld [tilespmem:s2+$0xCA80]  }
.LBB2_20:
0x150: {  	p0 =	sne.s32 s6, $0x1FC0;
	v2 =	vld [tilespmem:s2+$0xC280];
	_ =	sdelay $0x2  }
.Ltmp9:
0x151: {  	(pc) =	sbr.rel @p0 .LBB2_20-.Ltmp9, $4  }
0x152: {  	_ = 	snop  }
0x153: {  	v2 =	vadd.f32 v1, v2  }
0x154: {  	s7 =	sshra.s32 s6, $0x2  }
0x155: {  	s6 =	sadd.s32 $0x40, s6;
	v1 =	vld [tilespmem:s7+$0xCA80];
	[tilespmem:s2+$0xC280] =	vst v2;
	s2 =	smov.u32 s7  }
0x156: {  	v2 =	vld [tilespmem:s2+$0xC280];
	_ =	sdelay $0x4  }
0x157: {  	v1 =	vadd.f32 v1, v2;
	_ =	sdelay $0x1  }
0x158: {  	[tilespmem:s2+$0xC280] =	vst v1  }
0x159: {  	[tilespmem:s31], [sflag:$0x1] =	stream.linear.gather [spmem:s14], $0x800, $0x38;
	[tilespmem:$0x15280] =	vst v63  }
0x15a: {  	_ =	swait.ge [sflag:s28], $0x800  }
0x15b: {  	[sflag:s28] =	ssyncset.done $0x0  }
0x15c: {  	s2 =	simm.s32 $0x0;
	[sflag:s28] =	ssyncadd.s32 $0xFFFFF800  }
0x15d: {  	s6 =	simm.s32 $0x40;
	v1 =	vld [tilespmem:s2+$0xCA80]  }
.LBB2_22:
0x15e: {  	p0 =	sne.s32 s6, $0x1FC0;
	v2 =	vld [tilespmem:s2+$0xC280];
	_ =	sdelay $0x2  }
.Ltmp10:
0x15f: {  	(pc) =	sbr.rel @p0 .LBB2_22-.Ltmp10, $4  }
0x160: {  	_ = 	snop  }
0x161: {  	v2 =	vadd.f32 v1, v2  }
0x162: {  	s7 =	sshra.s32 s6, $0x2  }
0x163: {  	s6 =	sadd.s32 $0x40, s6;
	v1 =	vld [tilespmem:s7+$0xCA80];
	[tilespmem:s2+$0xC280] =	vst v2;
	s2 =	smov.u32 s7  }
0x164: {  	v2 =	vld [tilespmem:s2+$0xC280];
	_ =	sdelay $0x4  }
0x165: {  	v1 =	vadd.f32 v1, v2;
	_ =	sdelay $0x1  }
0x166: {  	[tilespmem:s2+$0xC280] =	vst v1  }
0x167: {  	[tilespmem:s31], [sflag:$0x1] =	stream.linear.gather [spmem:s15], $0x800, $0x38;
	[tilespmem:$0x15280] =	vst v63  }
0x168: {  	_ =	swait.ge [sflag:s28], $0x800  }
0x169: {  	[sflag:s28] =	ssyncset.done $0x0  }
0x16a: {  	s2 =	simm.s32 $0x0;
	[sflag:s28] =	ssyncadd.s32 $0xFFFFF800  }
0x16b: {  	s6 =	simm.s32 $0x40;
	v1 =	vld [tilespmem:s2+$0xCA80]  }
.LBB2_24:
0x16c: {  	p0 =	sne.s32 s6, $0x1FC0;
	v2 =	vld [tilespmem:s2+$0xC280];
	_ =	sdelay $0x2  }
.Ltmp11:
0x16d: {  	(pc) =	sbr.rel @p0 .LBB2_24-.Ltmp11, $4  }
0x16e: {  	_ = 	snop  }
0x16f: {  	v2 =	vadd.f32 v1, v2  }
0x170: {  	s7 =	sshra.s32 s6, $0x2  }
0x171: {  	s6 =	sadd.s32 $0x40, s6;
	v1 =	vld [tilespmem:s7+$0xCA80];
	[tilespmem:s2+$0xC280] =	vst v2;
	s2 =	smov.u32 s7  }
0x172: {  	v2 =	vld [tilespmem:s2+$0xC280];
	_ =	sdelay $0x4  }
0x173: {  	v1 =	vadd.f32 v1, v2;
	_ =	sdelay $0x1  }
0x174: {  	[tilespmem:s2+$0xC280] =	vst v1  }
0x175: {  	[tilespmem:s31], [sflag:$0x1] =	stream.linear.gather [spmem:s16], $0x800, $0x38;
	[tilespmem:$0x15280] =	vst v63  }
0x176: {  	_ =	swait.ge [sflag:s28], $0x800  }
0x177: {  	[sflag:s28] =	ssyncset.done $0x0  }
0x178: {  	s2 =	simm.s32 $0x0;
	[sflag:s28] =	ssyncadd.s32 $0xFFFFF800  }
0x179: {  	s6 =	simm.s32 $0x40;
	v1 =	vld [tilespmem:s2+$0xCA80]  }
.LBB2_26:
0x17a: {  	p0 =	sne.s32 s6, $0x1FC0;
	v2 =	vld [tilespmem:s2+$0xC280];
	_ =	sdelay $0x2  }
.Ltmp12:
0x17b: {  	(pc) =	sbr.rel @p0 .LBB2_26-.Ltmp12, $4  }
0x17c: {  	_ = 	snop  }
0x17d: {  	v2 =	vadd.f32 v1, v2  }
0x17e: {  	s7 =	sshra.s32 s6, $0x2  }
0x17f: {  	s6 =	sadd.s32 $0x40, s6;
	v1 =	vld [tilespmem:s7+$0xCA80];
	[tilespmem:s2+$0xC280] =	vst v2;
	s2 =	smov.u32 s7  }
0x180: {  	v2 =	vld [tilespmem:s2+$0xC280];
	_ =	sdelay $0x4  }
0x181: {  	v1 =	vadd.f32 v1, v2;
	_ =	sdelay $0x1  }
0x182: {  	[tilespmem:s2+$0xC280] =	vst v1  }
0x183: {  	[tilespmem:s31], [sflag:$0x1] =	stream.linear.gather [spmem:s17], $0x800, $0x38;
	[tilespmem:$0x15280] =	vst v63  }
0x184: {  	_ =	swait.ge [sflag:s28], $0x800  }
0x185: {  	[sflag:s28] =	ssyncset.done $0x0  }
0x186: {  	s2 =	simm.s32 $0x0;
	[sflag:s28] =	ssyncadd.s32 $0xFFFFF800  }
0x187: {  	s6 =	simm.s32 $0x40;
	v1 =	vld [tilespmem:s2+$0xCA80]  }
.LBB2_28:
0x188: {  	p0 =	sne.s32 s6, $0x1FC0;
	v2 =	vld [tilespmem:s2+$0xC280];
	_ =	sdelay $0x2  }
.Ltmp13:
0x189: {  	(pc) =	sbr.rel @p0 .LBB2_28-.Ltmp13, $4  }
0x18a: {  	_ = 	snop  }
0x18b: {  	v2 =	vadd.f32 v1, v2  }
0x18c: {  	s7 =	sshra.s32 s6, $0x2  }
0x18d: {  	s6 =	sadd.s32 $0x40, s6;
	v1 =	vld [tilespmem:s7+$0xCA80];
	[tilespmem:s2+$0xC280] =	vst v2;
	s2 =	smov.u32 s7  }
0x18e: {  	v2 =	vld [tilespmem:s2+$0xC280];
	_ =	sdelay $0x4  }
0x18f: {  	v1 =	vadd.f32 v1, v2;
	_ =	sdelay $0x1  }
0x190: {  	[tilespmem:s2+$0xC280] =	vst v1  }
0x191: {  	[tilespmem:s31], [sflag:$0x1] =	stream.linear.gather [spmem:s18], $0x800, $0x38;
	[tilespmem:$0x15280] =	vst v63  }
0x192: {  	_ =	swait.ge [sflag:s28], $0x800  }
0x193: {  	[sflag:s28] =	ssyncset.done $0x0  }
0x194: {  	s2 =	simm.s32 $0x0;
	[sflag:s28] =	ssyncadd.s32 $0xFFFFF800  }
0x195: {  	s6 =	simm.s32 $0x40;
	v1 =	vld [tilespmem:s2+$0xCA80]  }
.LBB2_30:
0x196: {  	p0 =	sne.s32 s6, $0x1FC0;
	v2 =	vld [tilespmem:s2+$0xC280];
	_ =	sdelay $0x2  }
.Ltmp14:
0x197: {  	(pc) =	sbr.rel @p0 .LBB2_30-.Ltmp14, $4  }
0x198: {  	_ = 	snop  }
0x199: {  	v2 =	vadd.f32 v1, v2  }
0x19a: {  	s7 =	sshra.s32 s6, $0x2  }
0x19b: {  	s6 =	sadd.s32 $0x40, s6;
	v1 =	vld [tilespmem:s7+$0xCA80];
	[tilespmem:s2+$0xC280] =	vst v2;
	s2 =	smov.u32 s7  }
0x19c: {  	v2 =	vld [tilespmem:s2+$0xC280];
	_ =	sdelay $0x4  }
0x19d: {  	v1 =	vadd.f32 v1, v2;
	_ =	sdelay $0x1  }
0x19e: {  	[tilespmem:s2+$0xC280] =	vst v1  }
0x19f: {  	[tilespmem:s31], [sflag:$0x1] =	stream.linear.gather [spmem:s19], $0x800, $0x38;
	[tilespmem:$0x15280] =	vst v63  }
0x1a0: {  	_ =	swait.ge [sflag:s28], $0x800  }
0x1a1: {  	[sflag:s28] =	ssyncset.done $0x0  }
0x1a2: {  	s2 =	simm.s32 $0x0;
	[sflag:s28] =	ssyncadd.s32 $0xFFFFF800  }
0x1a3: {  	s6 =	simm.s32 $0x40;
	v1 =	vld [tilespmem:s2+$0xCA80]  }
.LBB2_32:
0x1a4: {  	p0 =	sne.s32 s6, $0x1FC0;
	v2 =	vld [tilespmem:s2+$0xC280];
	_ =	sdelay $0x2  }
.Ltmp15:
0x1a5: {  	(pc) =	sbr.rel @p0 .LBB2_32-.Ltmp15, $4  }
0x1a6: {  	_ = 	snop  }
0x1a7: {  	v2 =	vadd.f32 v1, v2  }
0x1a8: {  	s7 =	sshra.s32 s6, $0x2  }
0x1a9: {  	s6 =	sadd.s32 $0x40, s6;
	v1 =	vld [tilespmem:s7+$0xCA80];
	[tilespmem:s2+$0xC280] =	vst v2;
	s2 =	smov.u32 s7  }
0x1aa: {  	v2 =	vld [tilespmem:s2+$0xC280];
	_ =	sdelay $0x4  }
0x1ab: {  	v1 =	vadd.f32 v1, v2;
	_ =	sdelay $0x1  }
0x1ac: {  	[tilespmem:s2+$0xC280] =	vst v1  }
0x1ad: {  	[tilespmem:s31], [sflag:$0x1] =	stream.linear.gather [spmem:s21], $0x800, $0x38;
	[tilespmem:$0x15280] =	vst v63  }
0x1ae: {  	_ =	swait.ge [sflag:s28], $0x800  }
0x1af: {  	[sflag:s28] =	ssyncset.done $0x0  }
0x1b0: {  	s2 =	simm.s32 $0x0;
	[sflag:s28] =	ssyncadd.s32 $0xFFFFF800  }
0x1b1: {  	s6 =	simm.s32 $0x40;
	v1 =	vld [tilespmem:s2+$0xCA80]  }
.LBB2_34:
0x1b2: {  	p0 =	sne.s32 s6, $0x1FC0;
	v2 =	vld [tilespmem:s2+$0xC280];
	_ =	sdelay $0x2  }
.Ltmp16:
0x1b3: {  	(pc) =	sbr.rel @p0 .LBB2_34-.Ltmp16, $4  }
0x1b4: {  	_ = 	snop  }
0x1b5: {  	v2 =	vadd.f32 v1, v2  }
0x1b6: {  	s7 =	sshra.s32 s6, $0x2  }
0x1b7: {  	s6 =	sadd.s32 $0x40, s6;
	v1 =	vld [tilespmem:s7+$0xCA80];
	[tilespmem:s2+$0xC280] =	vst v2;
	s2 =	smov.u32 s7  }
0x1b8: {  	v2 =	vld [tilespmem:s2+$0xC280];
	_ =	sdelay $0x4  }
0x1b9: {  	v1 =	vadd.f32 v1, v2;
	_ =	sdelay $0x1  }
0x1ba: {  	[tilespmem:s2+$0xC280] =	vst v1  }
0x1bb: {  	[tilespmem:s31], [sflag:$0x1] =	stream.linear.gather [spmem:s23], $0x800, $0x38;
	[tilespmem:$0x15280] =	vst v63  }
0x1bc: {  	_ =	swait.ge [sflag:s28], $0x800  }
0x1bd: {  	[sflag:s28] =	ssyncset.done $0x0  }
0x1be: {  	s2 =	simm.s32 $0x0;
	[sflag:s28] =	ssyncadd.s32 $0xFFFFF800  }
0x1bf: {  	s6 =	simm.s32 $0x40;
	v1 =	vld [tilespmem:s2+$0xCA80]  }
.LBB2_36:
0x1c0: {  	p0 =	sne.s32 s6, $0x1FC0;
	v2 =	vld [tilespmem:s2+$0xC280];
	_ =	sdelay $0x2  }
.Ltmp17:
0x1c1: {  	(pc) =	sbr.rel @p0 .LBB2_36-.Ltmp17, $4  }
0x1c2: {  	_ = 	snop  }
0x1c3: {  	v2 =	vadd.f32 v1, v2  }
0x1c4: {  	s7 =	sshra.s32 s6, $0x2  }
0x1c5: {  	s6 =	sadd.s32 $0x40, s6;
	v1 =	vld [tilespmem:s7+$0xCA80];
	[tilespmem:s2+$0xC280] =	vst v2;
	s2 =	smov.u32 s7  }
0x1c6: {  	v2 =	vld [tilespmem:s2+$0xC280];
	_ =	sdelay $0x4  }
0x1c7: {  	s0 =	sadd.s32 $0x1, s0;
	v1 =	vadd.f32 v1, v2  }
0x1c8: {  	p0 =	sne.s32 s0, s25  }
.Ltmp18:
0x1c9: {  	[tilespmem:s2+$0xC280] =	vst v1;
	(pc) =	sbr.rel @p0 .LBB2_1-.Ltmp18, $4  }
0x1ca: {  	[hbm4b:s22+s1] =	stream.linear.scatter [tilespmem:s30], [sflag:$0x1], $0x800, $0x38;
	[tilespmem:$0x15280] =	vst v63  }
0x1cb: {  	_ =	swait.ge [sflag:s28], $0x800  }
0x1cc: {  	[sflag:s28] =	ssyncset.done $0x0  }
0x1cd: {  	[sflag:s28] =	ssyncadd.s32 $0xFFFFF800  }
0x1ce: {  	_ =	sfence.sel $0x180000  }
0x1cf: {  	[bflag:$0x0] =	sbarrier.arrive $0xFFFF  }
0x1d0: {  	_ =	strace $0x90000047  }
0x1d1: {  	s0 =	stileid.u32;
	[bflag:$0x2] =	sbarrier.arrive $0xFFFF  }
0x1d2: {  	p0 =	sne.s32 s0, $0x0;
	s0 =	rddreg [dreg:$0x3]  }
0x1d3: {  	s0 =	sadd.s32 @!p0 $0x100000, s0  }
0x1d4: {  	[sflag:s0] =	ssyncadd.tile.s32 @!p0 $0x1;
	_ =	shalt  }
.Lfunc_end2:
_tile_overlayer_lowered:
.L_overlay_start_2:
0x1d5: {  	(tag) =	ssettag $0x2  }
0x1d6: {  	s0 =	rddreg [dreg:$0x0];
	s2 =	stileid.u32  }
0x1d7: {  	s1 =	rddreg [dreg:$0x1];
	p0 =	sne.s32 s2, $0x0  }
0x1d8: {  	s3 =	rddreg [dreg:$0x2];
	[bflag:$0x3] =	sbarrier.arrive $0xFFFF;
	s2 =	simm.s32 @!p0 $0x1C01  }
0x1d9: {  	[timem:s3], [sflag:s2] =	dma.local @!p0 [hbm:s0], s1  }
0x1da: {  	s0 =	simm.s32 @!p0 $0x1  }
0x1db: {  	_ =	swait.ge @!p0 [sflag:s0], s1  }
0x1dc: {  	s1 =	ssub.s32 @!p0 $0x0, s1;
	[sflag:s0] =	ssyncset.done @!p0 $0x0  }
0x1dd: {  	[sflag:s0] =	ssyncadd.s32 @!p0 s1  }
0x1de: {  	[bflag:$0x3] =	sbarrier.arrive $0xFFFF  }
0x1df: {  	_ =	shalt  }

// kernel: kernel.8.cloned.1.call-start
scs
__scs_entry_jumppad:
0x0: {  	(pc) =	sbr.rel $0x88, $3  }
0x1: {  	(tag) =	ssettag $0x0;
	lr =	simm.s32 $0x1  }
0x2: {  	[smem:$0x3F98] =	sst lr;
	_ =	strace $0xD0000000  }
0x3: {  	_ = 	snop  }
0x4: {  	_ = 	snop  }
0x5: {  	_ = 	snop  }
0x6: {  	_ = 	snop  }
0x7: {  	_ = 	snop  }
__scs_overlays_trampoline_lowered:
0x8: {  	[smem:$0x3FA7] =	sst s0  }
0x9: {  	[smem:$0x3FA8] =	sst s1  }
0xa: {  	[smem:$0x3FA9] =	sst s2  }
0xb: {  	[smem:$0x3FAA] =	sst s3  }
0xc: {  	[smem:$0x3FAB] =	sst s4  }
0xd: {  	[smem:$0x3FAC] =	sst s5  }
0xe: {  	[smem:$0x3FAD] =	sst s6  }
0xf: {  	[smem:$0x3FAE] =	sst s7  }
0x10: {  	[smem:$0x3FAF] =	sst s8  }
0x11: {  	[smem:$0x3FB0] =	sst s9;
	s0 =	simm.s32 @!p0 $0x0  }
0x12: {  	s1 =	sld [smem:$0x3F96];
	s0 =	simm.s32 @p0 $0x1  }
0x13: {  	[smem:$0x3FB1] =	sst s0;
	s0 =	simm.s32 @!p1 $0x0  }
0x14: {  	s2 =	sld [smem:$0x3F95];
	s0 =	simm.s32 @p1 $0x1  }
0x15: {  	[smem:$0x3FB2] =	sst s0;
	s0 =	simm.s32 @!p2 $0x0  }
0x16: {  	s3 =	sld [smem:$0x3FDB];
	s0 =	simm.s32 @p2 $0x1  }
0x17: {  	s4 =	simm.s32 $0x1BF5;
	[smem:$0x3FB4] =	sst s0  }
0x18: {  	s0 =	sld [smem:$0x3F97];
	_ =	swait.ge [sflag:s4], $0x0  }
0x19: {  	s7 =	sld [smem:$0x3F98]  }
0x1a: {  	s8 =	sadd.s32 $0xFFFFE003, lr  }
0x1b: {  	s9 =	sadd.s32 $0xFFFFFEF7, lr;
	s5 =	simm.s32 $0xFFFFFFFF;
	p2 =	slt.u32 s8, $0xFFFFF086  }
0x1c: {  	p1 =	slt.u32 s9, $0xF7A;
	s5 =	simm.s32 @!p2 $0x0  }
0x1d: {  	s5 =	simm.s32 @p1 $0x1;
	p0 =	seq.s32 s7, s2  }
0x1e: {  	s7 =	smul.u32 @!p0 $0xF7A, s2;
	p2 =	seq.s32 @!p0 s5, $0x0  }
0x1f: {  	s9 =	smul.u32 $0xF7A, s1;
	s8 =	simm.s32 @!p0 $0x1BF5;
	p2 =	por !p2, p0  }
0x20: {  	[sflag:s8] =	ssyncset.s32 @!p0 $0xFFFFF086;
	s6 =	sadd.s32 @!p0 s3, s7;
	s7 =	simm.s32 @!p0 $0x108  }
0x21: {  	s3 =	sadd.s32 s3, s9;
	s6 =	sadd.s32 @!p0 $0x88, s6;
	s7 =	simm.s32 @p2 $0x1082  }
0x22: {  	[simem:s7], [sflag:s8] =	dma.local @!p0 [hbm:s6], $0xF7A  }
0x23: {  	s9 =	sor.u32 $0xD0000000, s2;
	s6 =	simm.s32 $0x108;
	_ =	swait.ge @!p0 [sflag:s8], $0x0  }
0x24: {  	s3 =	sadd.s32 $0x88, s3;
	s6 =	simm.s32 @!p1 $0x1082;
	[sflag:s4] =	ssyncset.s32 $0xFFFFF086  }
0x25: {  	[simem:s6], [sflag:s4] =	dma.local [hbm:s3], $0xF7A  }
0x26: {  	[smem:$0x3F98] =	sst s1;
	(tag) =	ssettag s2;
	_ =	strace s9  }
0x27: {  	s1 =	sld [smem:$0x3FA8]  }
0x28: {  	s2 =	sld [smem:$0x3FA9]  }
0x29: {  	s4 =	sld [smem:$0x3FAB]  }
0x2a: {  	p0 =	seq.s32 s5, $0x0;
	s5 =	sld [smem:$0x3FAC]  }
0x2b: {  	s6 =	sld [smem:$0x3FAD]  }
0x2c: {  	s7 =	sld [smem:$0x3FAE]  }
0x2d: {  	s3 =	simm.s32 $0x108;
	s8 =	sld [smem:$0x3FAF]  }
0x2e: {  	s3 =	simm.s32 @!p0 $0x1082;
	s9 =	sld [smem:$0x3FB0]  }
0x2f: {  	lr =	sadd.s32 s0, s3;
	s0 =	sld [smem:$0x3FA7]  }
0x30: {  	s3 =	sld [smem:$0x3FAA]  }
0x31: {  	[smem:$0x3FB3] =	sst s10  }
0x32: {  	s10 =	sld [smem:$0x3FB1];
	_ =	sdelay $0x3  }
0x33: {  	p0 =	seq.s32 s10, $0x1;
	s10 =	sld [smem:$0x3FB3];
	_ =	sdelay $0x3  }
0x34: {  	[smem:$0x3FB3] =	sst s10  }
0x35: {  	s10 =	sld [smem:$0x3FB2];
	_ =	sdelay $0x3  }
0x36: {  	p1 =	seq.s32 s10, $0x1;
	s10 =	sld [smem:$0x3FB3];
	_ =	sdelay $0x3  }
0x37: {  	[smem:$0x3FB3] =	sst s10  }
0x38: {  	s10 =	sld [smem:$0x3FB4]  }
0x39: {  	_ = 	snop;
	(pc) =	sbr.ind lr, $3  }
0x3a: {  	_ = 	snop  }
0x3b: {  	_ = 	snop  }
0x3c: {  	p2 =	seq.s32 s10, $0x1;
	s10 =	sld [smem:$0x3FB3]  }
0x3d: {  	_ =	shalt  }
0x3e: {  	_ =	shalt  }
0x3f: {  	_ =	shalt  }
0x40: {  	_ =	shalt  }
0x41: {  	_ =	shalt  }
0x42: {  	_ =	shalt  }
0x43: {  	_ =	shalt  }
0x44: {  	_ =	shalt  }
0x45: {  	_ =	shalt  }
0x46: {  	_ =	shalt  }
0x47: {  	_ =	shalt  }
0x48: {  	_ =	shalt  }
0x49: {  	_ =	shalt  }
0x4a: {  	_ =	shalt  }
0x4b: {  	_ =	shalt  }
0x4c: {  	_ =	shalt  }
0x4d: {  	_ =	shalt  }
0x4e: {  	_ =	shalt  }
0x4f: {  	_ =	shalt  }
0x50: {  	_ =	shalt  }
0x51: {  	_ =	shalt  }
0x52: {  	_ =	shalt  }
0x53: {  	_ =	shalt  }
0x54: {  	_ =	shalt  }
0x55: {  	_ =	shalt  }
0x56: {  	_ =	shalt  }
0x57: {  	_ =	shalt  }
0x58: {  	_ =	shalt  }
0x59: {  	_ =	shalt  }
0x5a: {  	_ =	shalt  }
0x5b: {  	_ =	shalt  }
0x5c: {  	_ =	shalt  }
0x5d: {  	_ =	shalt  }
0x5e: {  	_ =	shalt  }
0x5f: {  	_ =	shalt  }
0x60: {  	_ =	shalt  }
0x61: {  	_ =	shalt  }
0x62: {  	_ =	shalt  }
0x63: {  	_ =	shalt  }
0x64: {  	_ =	shalt  }
0x65: {  	_ =	shalt  }
0x66: {  	_ =	shalt  }
0x67: {  	_ =	shalt  }
0x68: {  	_ =	shalt  }
0x69: {  	_ =	shalt  }
0x6a: {  	_ =	shalt  }
0x6b: {  	_ =	shalt  }
0x6c: {  	_ =	shalt  }
0x6d: {  	_ =	shalt  }
0x6e: {  	_ =	shalt  }
0x6f: {  	_ =	shalt  }
0x70: {  	_ =	shalt  }
0x71: {  	_ =	shalt  }
0x72: {  	_ =	shalt  }
0x73: {  	_ =	shalt  }
0x74: {  	_ =	shalt  }
0x75: {  	_ =	shalt  }
0x76: {  	_ =	shalt  }
0x77: {  	_ =	shalt  }
0x78: {  	_ =	shalt  }
0x79: {  	_ =	shalt  }
0x7a: {  	_ =	shalt  }
0x7b: {  	_ =	shalt  }
0x7c: {  	_ =	shalt  }
0x7d: {  	_ =	shalt  }
0x7e: {  	_ =	shalt  }
0x7f: {  	_ =	shalt  }
0x80: {  	_ =	shalt  }
0x81: {  	_ =	shalt  }
0x82: {  	_ =	shalt  }
0x83: {  	_ =	shalt  }
0x84: {  	_ =	shalt  }
0x85: {  	_ =	shalt  }
0x86: {  	_ =	shalt  }
0x87: {  	_ =	shalt  }
.Lfunc_end0:
.L_simem_size_0:
called_computation.1_lowered:
.L_overlay_start_0:
0x88: {  	s2 =	sld [smem:$0x3FD9]  }
0x89: {  	s3 =	sld [smem:$0x3FFE];
	_ =	sdelay $0x1  }
0x8a: {  	s1 =	srdreg.scid  }
0x8b: {  	s0 =	sand.u32 $0x1, s1  }
0x8c: {  	s17 =	sshll.u32 s0, $0xA;
	s2 =	sadd.s32 s3, s2  }
0x8d: {  	s2 =	sadd.s32 s2, s17  }
0x8e: {  	[smem:$0x3FBF] =	sst s2  }
0x8f: {  	_ = 	snop  }
0x90: {  	s2 =	sld [smem:$0x3FD0];
	(tm) =	ssettm $0x1  }
0x91: {  	s18 =	sld [smem:$0x3FFB];
	_ =	sdelay $0x3  }
0x92: {  	_ =	strace s18  }
0x93: {  	s3 =	sld [smem:$0x3FFC];
	_ =	sdelay $0x3  }
0x94: {  	_ =	strace s3  }
0x95: {  	s3 =	sld [smem:$0x3FFD];
	_ =	sdelay $0x3  }
0x96: {  	_ =	strace s3  }
0x97: {  	_ =	strace $0x8FFFFFFF  }
0x98: {  	s19 =	sld [smem:$0x3FDB];
	_ =	sdelay $0x1  }
0x99: {  	s4 =	simm.s32 $_scs_section_size  }
0x9a: {  	s5 =	simm.s32 $_size__tile_overlayer_lowered;
	s6 =	simm.s32 $_tile_overlayer_lowered  }
0x9b: {  	s22 =	simm.s32 $0x1BFF;
	s21 =	sshll.u32 s6, $0x1;
	s3 =	sadd.s32 s4, s19  }
0x9c: {  	s7 =	simm.s32 $0x0;
	s20 =	sshll.u32 s5, $0x1;
	s5 =	sadd.s32 s21, s3  }
0x9d: {  	[timem:s7], [sflag:s22] =	dma.local [hbm:s5], s20  }
0x9e: {  	_ =	swait.ge [sflag:s22], s20  }
0x9f: {  	s4 =	ssub.s32 $0x0, s20;
	[sflag:s22] =	ssyncset.done $0x0  }
0xa0: {  	[sflag:s22] =	ssyncadd.s32 s4;
	_ =	sdelay $0x1  }
0xa1: {  	s23 =	simm.s32 $0x1B8B  }
0xa2: {  	_ =	swait.ge [sflag:s23], $0x1  }
0xa3: {  	[sflag:s23] =	ssyncset.done $0x0  }
0xa4: {  	s25 =	simm.s32 $0x1B8E;
	s24 =	sld [smem:$0x3FFE];
	[sflag:s23] =	ssyncadd.s32 $0xFFFFFFFF  }
0xa5: {  	s26 =	simm.s32 $execute0_lowered;
	[smem:$0x3FD2] =	sst s25  }
0xa6: {  	s5 =	sshll.u32 s26, $0x1;
	_ =	strace $0x80000049;
	[dreg:$0x1] =	wrdreg $0xFFFFFFFF  }
0xa7: {  	s28 =	simm.s32 $_size_execute0_lowered;
	s3 =	sadd.s32 s3, s5;
	[dreg:$0x0] =	wrdreg $0x0  }
0xa8: {  	s5 =	sshll.u32 s28, $0x1;
	[dreg:$0x2] =	wrdreg s3  }
0xa9: {  	[dreg:$0x3] =	wrdreg s5  }
0xaa: {  	[dreg:$0x4] =	wrdreg $0xC0  }
0xab: {  	_ =	task [dreg:s7], $0x5FFFF  }
0xac: {  	[dreg:$0x1] =	wrdreg $0xFFFFFFFF  }
0xad: {  	[dreg:$0x0] =	wrdreg $0x60  }
0xae: {  	[dreg:$0x2] =	wrdreg s24  }
0xaf: {  	[dreg:$0x3] =	wrdreg s2  }
0xb0: {  	[dreg:$0x4] =	wrdreg $0x9  }
0xb1: {  	_ =	task.clear_ibuf [dreg:s7], $0x5FFFF;
	_ =	strace $0x90000049  }
0xb2: {  	s29 =	simm.s32 $0x9;
	_ =	strace $0x8000004B  }
0xb3: {  	_ =	swait.ge [sflag:s29], $0x1  }
0xb4: {  	[sflag:s29] =	ssyncadd.s32 $0xFFFFFFFF  }
0xb5: {  	_ =	strace $0x9000004B  }
0xb6: {  	_ =	sfence  }
0xb7: {  	s30 =	sld [smem:$0x0];
	_ =	sdelay $0x2  }
0xb8: {  	s31 =	sshll.u32 s1, $0xD;
	s1 =	sshrl.u32 s1, $0x2  }
0xb9: {  	s3 =	sand.u32 $0x4000, s31;
	s1 =	sadd.s32 s1, s30  }
0xba: {  	s0 =	sor.u32 s3, s0;
	s1 =	sshll.u32 s1, $0x11  }
0xbb: {  	s0 =	sor.u32 s1, s0  }
0xbc: {  	s0 =	sadd.s32 $0x8F2B, s0  }
0xbd: {  	[sflag:s0] =	ssyncadd.remote.s32 $0x1  }
0xbe: {  	_ =	sfence.sel $0xFFFF  }
0xbf: {  	[dreg:$0x0] =	wrdreg $0xFFFFFFFF;
	(pc) =	sbr.abs _section_cstart, $3  }
0xc0: {  	[dreg:$0x1] =	wrdreg $0xFFFFFFFF  }
0xc1: {  	_ =	task.clear_ibuf [dreg:s7], $0x2FFFF;
	_ =	strace $0x9FFFFFFF  }
0xc2: {  	(tm) =	ssettm $0x7FFFFFFF  }
0xc3: {  	_ =	shalt  }
tec
execute0_lowered:
.L_overlay_start_1:
0x0: {  	(tag) =	ssettag $0x1  }
0x1: {  	s7 =	rddreg [dreg:$0x0]  }
0x2: {  	s1 =	rddreg [dreg:$0x1]  }
0x3: {  	s0 =	rddreg [dreg:$0x2];
	s2 =	simm.s32 $0x0;
	s6 =	srdreg.scid  }
0x4: {  	s3 =	stileid.u32;
	s12 =	simm.s32 $0x1;
	s13 =	simm.s32 $0x8000  }
0x5: {  	s14 =	simm.s32 $0x10000;
	s15 =	simm.s32 $0x14000;
	s16 =	simm.s32 $0x14280  }
0x6: {  	s17 =	simm.s32 $0x14500;
	s18 =	simm.s32 $0x0;
	[smem:$0x7FF] =	sst s2  }
0x7: {  	s4 =	sadd.s32 $0xC5A00, s7;
	s5 =	sadd.s32 $0x1A00, s7;
	s8 =	sand.u32 $0x1, s6  }
0x8: {  	s6 =	sadd.s32 $0x3400, s7;
	s10 =	sshll.u32 s3, $0x1;
	s9 =	ssub.s32 $0x2, s8  }
0x9: {  	s7 =	sadd.s32 $0x4E00, s7;
	s8 =	sor.u32 s10, s8;
	s11 =	sshrl.u32 s9, $0x1  }
0xa: {  	_ =	strace $0x8000004A;
	s10 =	ssub.s32 $0x61, s8;
	s11 =	ssub.s32 s9, s11  }
0xb: {  	s9 =	sadd.s32 $0x1000, s1;
	s10 =	sshrl.u32 s10, $0x5;
	s11 =	smax.u32 s11, $0x1  }
.LBB2_1:
0xc: {  	[tilespmem:s2], [sflag:$0x1] =	stream.linear.gather [hbm4b:s1+s2], $0x8000, $0x38;
	[tilespmem:$0x16500] =	vst v63  }
0xd: {  	_ =	swait.ge [sflag:s12], $0x8000  }
0xe: {  	[sflag:s12] =	ssyncset.done $0x0  }
0xf: {  	[sflag:s12] =	ssyncadd.s32 $0xFFFF8000  }
0x10: {  	[tilespmem:s13], [sflag:$0x1] =	stream.linear.gather [hbm4b:s9+s2], $0x8000, $0x38;
	[tilespmem:$0x16500] =	vst v63  }
0x11: {  	_ =	swait.ge [sflag:s12], $0x8000  }
0x12: {  	[sflag:s12] =	ssyncset.done $0x0  }
0x13: {  	s19 =	simm.s32 $0x0;
	[sflag:s12] =	ssyncadd.s32 $0xFFFF8000  }
0x14: {  	s20 =	simm.s32 $0x40;
	v0 =	vld [tilespmem:s19+$0x8000]  }
.LBB2_2:
0x15: {  	p0 =	sne.s32 s20, $0x1FFC0;
	v1 =	vld [tilespmem:s19+$0x0];
	_ =	sdelay $0x2  }
.Ltmp0:
0x16: {  	(pc) =	sbr.rel @p0 .LBB2_2-.Ltmp0, $4  }
0x17: {  	_ = 	snop  }
0x18: {  	v1 =	vadd.f32 v0, v1  }
0x19: {  	s21 =	sshra.s32 s20, $0x2  }
0x1a: {  	s20 =	sadd.s32 $0x40, s20;
	v0 =	vld [tilespmem:s21+$0x8000];
	[tilespmem:s19+$0x0] =	vst v1;
	s19 =	smov.u32 s21  }
0x1b: {  	v1 =	vld [tilespmem:s19+$0x0];
	_ =	sdelay $0x4  }
0x1c: {  	v0 =	vadd.f32 v0, v1;
	_ =	sdelay $0x1  }
0x1d: {  	[tilespmem:s19+$0x0] =	vst v0;
	s19 =	simm.s32 $0x0  }
.LBB2_4:
0x1e: {  	s20 =	sshll.u32 s19, $0x5  }
0x1f: {  	s20 =	sor.u32 s8, s20  }
0x20: {  	s21 =	sshll.u32 s20, $0xB  }
0x21: {  	s21 =	sand.u32 $0x1FFFF800, s21  }
0x22: {  	s21 =	sadd.s32 s4, s21  }
0x23: {  	[tilespmem:s14], [sflag:$0x1] =	stream.linear.gather [hbm4b:s21+s2], $0x4000, $0x38;
	[tilespmem:$0x16500] =	vst v63  }
0x24: {  	s31 =	sshll.u32 s20, $0x6;
	_ =	swait.ge [sflag:s12], $0x4000  }
0x25: {  	s21 =	sand.u32 $0x1FFFFFC0, s31;
	[sflag:s12] =	ssyncset.done $0x0  }
0x26: {  	s22 =	sadd.s32 s5, s21;
	[sflag:s12] =	ssyncadd.s32 $0xFFFFC000  }
0x27: {  	[tilespmem:s15], [sflag:$0x1] =	stream.linear.gather [hbm4b:s22+s2], $0x200, $0x38;
	[tilespmem:$0x16500] =	vst v63  }
0x28: {  	_ =	swait.ge [sflag:s12], $0x200  }
0x29: {  	[sflag:s12] =	ssyncset.done $0x0  }
0x2a: {  	s21 =	sadd.s32 s6, s21;
	[sflag:s12] =	ssyncadd.s32 $0xFFFFFE00  }
0x2b: {  	[tilespmem:s16], [sflag:$0x1] =	stream.linear.gather [hbm4b:s21+s2], $0x200, $0x38;
	[tilespmem:$0x16500] =	vst v63  }
0x2c: {  	s23 =	simm.s32 $0xC0;
	s24 =	simm.s32 $0x14284;
	_ =	swait.ge [sflag:s12], $0x200  }
0x2d: {  	s25 =	simm.s32 $0x14004;
	s26 =	simm.s32 $0x10080;
	[sflag:s12] =	ssyncset.done $0x0  }
0x2e: {  	s22 =	simm.s32 $0x14540;
	s21 =	simm.s32 $0xFFFFFFF8;
	[sflag:s12] =	ssyncadd.s32 $0xFFFFFE00  }
.LBB2_5:
0x2f: {  	v0 =	vld [tilespmem:s25+$0xFFFFFFFC];
	_ =	sdelay $0x4  }
0x30: {  	(v2sf) =	vpush v0, $0x0;
	_ =	sdelay $0xe  }
0x31: {  	s28 =	spop (v2sf)  }
0x32: {  	s28 =	sshll.u32 s28, $0x7  }
0x33: {  	s28 =	sshra.s32 s28, $0x2  }
0x34: {  	v20 =	vld [tilespmem:s28+$0x10];
	_ =	sdelay $0x4  }
0x35: {  	v0 =	vadd.f32 $9.999999970e-07, v20;
	_ =	sdelay $0x1  }
0x36: {  	(erf) = vrcp.f32 v0;
	_ =	sdelay $0x2  }
0x37: {  	v1 =	vld [tilespmem:s26+$0xFFFFFF90]  }
0x38: {  	v2 =	vld.msk [tilespmem:s24+$0xFFFFFFFC ss:$0x0], $0xffff  }
0x39: {  	v21 =	vld [tilespmem:s28+$0x0];
	_ =	sdelay $0x3  }
0x3a: {  	v3 =	vld [tilespmem:s26+$0xFFFFFF80];
	v4 =	vpop (erf)  }
0x3b: {  	v0 =	vsub.f32 v2, v21;
	v1 =	vmul.f32 v1, v4;
	_ =	sdelay $0x1  }
0x3c: {  	v0 =	vmul.f32 v1, v0;
	_ =	sdelay $0x1  }
0x3d: {  	v0 =	vadd.f32 v0, v3;
	_ =	sdelay $0x1  }
0x3e: {  	[tilespmem:s22+$0xFFFFFFC0] =	vst v0  }
0x3f: {  	v0 =	vld [tilespmem:s25+$0xFFFFFFFD];
	_ =	sdelay $0x4  }
0x40: {  	(v2sf) =	vpush v0, $0x0;
	_ =	sdelay $0xe  }
0x41: {  	s31 =	spop (v2sf)  }
0x42: {  	s28 =	sshll.u32 s31, $0x7  }
0x43: {  	s28 =	sshra.s32 s28, $0x2  }
0x44: {  	v22 =	vld [tilespmem:s28+$0x10];
	_ =	sdelay $0x4  }
0x45: {  	v0 =	vadd.f32 $9.999999970e-07, v22;
	_ =	sdelay $0x1  }
0x46: {  	(erf) = vrcp.f32 v0  }
0x47: {  	s29 =	sadd.s32 $0xFFFFFF60, s23  }
0x48: {  	s29 =	sor.u32 $0x30, s29  }
0x49: {  	v24 =	vld [tilespmem:s29+$0x10000]  }
0x4a: {  	v25 =	vld.msk [tilespmem:s24+$0xFFFFFFFD ss:$0x0], $0xffff  }
0x4b: {  	v23 =	vld [tilespmem:s28+$0x0];
	_ =	sdelay $0x3  }
0x4c: {  	v26 =	vld [tilespmem:s26+$0xFFFFFFA0];
	v27 =	vpop (erf)  }
0x4d: {  	v0 =	vsub.f32 v25, v23;
	v1 =	vmul.f32 v24, v27;
	_ =	sdelay $0x1  }
0x4e: {  	v0 =	vmul.f32 v1, v0;
	_ =	sdelay $0x1  }
0x4f: {  	v0 =	vadd.f32 v0, v26;
	_ =	sdelay $0x1  }
0x50: {  	[tilespmem:s22+$0xFFFFFFD0] =	vst v0  }
0x51: {  	v0 =	vld [tilespmem:s25+$0xFFFFFFFE];
	_ =	sdelay $0x4  }
0x52: {  	(v2sf) =	vpush v0, $0x0;
	_ =	sdelay $0xe  }
0x53: {  	s30 =	spop (v2sf)  }
0x54: {  	s28 =	sshll.u32 s30, $0x7  }
0x55: {  	s28 =	sshra.s32 s28, $0x2  }
0x56: {  	v28 =	vld [tilespmem:s28+$0x10];
	_ =	sdelay $0x4  }
0x57: {  	v0 =	vadd.f32 $9.999999970e-07, v28;
	_ =	sdelay $0x1  }
0x58: {  	(erf) = vrcp.f32 v0  }
0x59: {  	s31 =	sadd.s32 $0xFFFFFF80, s23  }
0x5a: {  	s29 =	sor.u32 $0x50, s31  }
0x5b: {  	v30 =	vld [tilespmem:s29+$0x10000]  }
0x5c: {  	v31 =	vld.msk [tilespmem:s24+$0xFFFFFFFE ss:$0x0], $0xffff  }
0x5d: {  	v29 =	vld [tilespmem:s28+$0x0];
	_ =	sdelay $0x3  }
0x5e: {  	v32 =	vld [tilespmem:s26+$0xFFFFFFC0];
	v33 =	vpop (erf)  }
0x5f: {  	v0 =	vsub.f32 v31, v29;
	v1 =	vmul.f32 v30, v33;
	_ =	sdelay $0x1  }
0x60: {  	v0 =	vmul.f32 v1, v0;
	_ =	sdelay $0x1  }
0x61: {  	v0 =	vadd.f32 v0, v32;
	_ =	sdelay $0x1  }
0x62: {  	[tilespmem:s22+$0xFFFFFFE0] =	vst v0  }
0x63: {  	v0 =	vld [tilespmem:s25+$0xFFFFFFFF];
	_ =	sdelay $0x4  }
0x64: {  	(v2sf) =	vpush v0, $0x0;
	_ =	sdelay $0xe  }
0x65: {  	s30 =	spop (v2sf)  }
0x66: {  	s28 =	sshll.u32 s30, $0x7  }
0x67: {  	s28 =	sshra.s32 s28, $0x2  }
0x68: {  	v34 =	vld [tilespmem:s28+$0x10];
	_ =	sdelay $0x4  }
0x69: {  	v0 =	vadd.f32 $9.999999970e-07, v34;
	_ =	sdelay $0x1  }
0x6a: {  	(erf) = vrcp.f32 v0;
	_ =	sdelay $0x1  }
0x6b: {  	s31 =	sadd.s32 $0xFFFFFFA0, s23  }
0x6c: {  	v37 =	vld.msk [tilespmem:s24+$0xFFFFFFFF ss:$0x0], $0xffff;
	s30 =	sor.u32 $0x70, s31  }
0x6d: {  	v36 =	vld [tilespmem:s30+$0x10000]  }
0x6e: {  	v35 =	vld [tilespmem:s28+$0x0];
	_ =	sdelay $0x3  }
0x6f: {  	v38 =	vld [tilespmem:s26+$0xFFFFFFE0];
	v39 =	vpop (erf)  }
0x70: {  	v0 =	vsub.f32 v37, v35;
	v1 =	vmul.f32 v36, v39;
	_ =	sdelay $0x1  }
0x71: {  	v0 =	vmul.f32 v1, v0;
	_ =	sdelay $0x1  }
0x72: {  	v0 =	vadd.f32 v0, v38;
	_ =	sdelay $0x1  }
0x73: {  	[tilespmem:s22+$0xFFFFFFF0] =	vst v0  }
0x74: {  	v0 =	vld [tilespmem:s25+$0x0];
	_ =	sdelay $0x4  }
0x75: {  	(v2sf) =	vpush v0, $0x0;
	_ =	sdelay $0xe  }
0x76: {  	s31 =	spop (v2sf)  }
0x77: {  	s28 =	sshll.u32 s31, $0x7  }
0x78: {  	s28 =	sshra.s32 s28, $0x2  }
0x79: {  	v40 =	vld [tilespmem:s28+$0x10];
	_ =	sdelay $0x4  }
0x7a: {  	v0 =	vadd.f32 $9.999999970e-07, v40;
	_ =	sdelay $0x1  }
0x7b: {  	(erf) = vrcp.f32 v0;
	_ =	sdelay $0x2  }
0x7c: {  	v42 =	vld [tilespmem:s26+$0x10]  }
0x7d: {  	v43 =	vld.msk [tilespmem:s24+$0x0 ss:$0x0], $0xffff  }
0x7e: {  	v41 =	vld [tilespmem:s28+$0x0];
	_ =	sdelay $0x3  }
0x7f: {  	v44 =	vld [tilespmem:s26+$0x0];
	v45 =	vpop (erf)  }
0x80: {  	v0 =	vsub.f32 v43, v41;
	v1 =	vmul.f32 v42, v45;
	_ =	sdelay $0x1  }
0x81: {  	v0 =	vmul.f32 v1, v0;
	_ =	sdelay $0x1  }
0x82: {  	v0 =	vadd.f32 v0, v44;
	_ =	sdelay $0x1  }
0x83: {  	[tilespmem:s22+$0x0] =	vst v0  }
0x84: {  	v0 =	vld [tilespmem:s25+$0x1];
	_ =	sdelay $0x4  }
0x85: {  	(v2sf) =	vpush v0, $0x0;
	_ =	sdelay $0xe  }
0x86: {  	s29 =	spop (v2sf)  }
0x87: {  	s28 =	sshll.u32 s29, $0x7  }
0x88: {  	s28 =	sshra.s32 s28, $0x2  }
0x89: {  	v46 =	vld [tilespmem:s28+$0x10];
	_ =	sdelay $0x4  }
0x8a: {  	v0 =	vadd.f32 $9.999999970e-07, v46;
	_ =	sdelay $0x1  }
0x8b: {  	(erf) = vrcp.f32 v0  }
0x8c: {  	s30 =	sadd.s32 $0xFFFFFFE0, s23  }
0x8d: {  	s31 =	sor.u32 $0x30, s30  }
0x8e: {  	v48 =	vld [tilespmem:s31+$0x10000]  }
0x8f: {  	v49 =	vld.msk [tilespmem:s24+$0x1 ss:$0x0], $0xffff  }
0x90: {  	v47 =	vld [tilespmem:s28+$0x0];
	_ =	sdelay $0x3  }
0x91: {  	v50 =	vld [tilespmem:s26+$0x20];
	v51 =	vpop (erf)  }
0x92: {  	v0 =	vsub.f32 v49, v47;
	v1 =	vmul.f32 v48, v51;
	_ =	sdelay $0x1  }
0x93: {  	v0 =	vmul.f32 v1, v0;
	_ =	sdelay $0x1  }
0x94: {  	v0 =	vadd.f32 v0, v50;
	_ =	sdelay $0x1  }
0x95: {  	[tilespmem:s22+$0x10] =	vst v0  }
0x96: {  	v0 =	vld [tilespmem:s25+$0x2];
	_ =	sdelay $0x4  }
0x97: {  	(v2sf) =	vpush v0, $0x0;
	_ =	sdelay $0xe  }
0x98: {  	s29 =	spop (v2sf)  }
0x99: {  	s28 =	sshll.u32 s29, $0x7  }
0x9a: {  	s28 =	sshra.s32 s28, $0x2  }
0x9b: {  	v52 =	vld [tilespmem:s28+$0x10];
	_ =	sdelay $0x4  }
0x9c: {  	v0 =	vadd.f32 $9.999999970e-07, v52;
	_ =	sdelay $0x1  }
0x9d: {  	(erf) = vrcp.f32 v0;
	_ =	sdelay $0x1  }
0x9e: {  	s30 =	sor.u32 $0x50, s23  }
0x9f: {  	v54 =	vld [tilespmem:s30+$0x10000]  }
0xa0: {  	v55 =	vld.msk [tilespmem:s24+$0x2 ss:$0x0], $0xffff  }
0xa1: {  	v53 =	vld [tilespmem:s28+$0x0];
	_ =	sdelay $0x3  }
0xa2: {  	v56 =	vld [tilespmem:s26+$0x40];
	v57 =	vpop (erf)  }
0xa3: {  	v0 =	vsub.f32 v55, v53;
	v1 =	vmul.f32 v54, v57;
	_ =	sdelay $0x1  }
0xa4: {  	v0 =	vmul.f32 v1, v0;
	_ =	sdelay $0x1  }
0xa5: {  	v0 =	vadd.f32 v0, v56;
	_ =	sdelay $0x1  }
0xa6: {  	[tilespmem:s22+$0x20] =	vst v0  }
0xa7: {  	v0 =	vld [tilespmem:s25+$0x3];
	_ =	sdelay $0x4  }
0xa8: {  	(v2sf) =	vpush v0, $0x0;
	_ =	sdelay $0xe  }
0xa9: {  	s31 =	spop (v2sf)  }
0xaa: {  	s28 =	sshll.u32 s31, $0x7  }
0xab: {  	s28 =	sshra.s32 s28, $0x2  }
0xac: {  	v58 =	vld [tilespmem:s28+$0x10];
	_ =	sdelay $0x4  }
0xad: {  	v0 =	vadd.f32 $9.999999970e-07, v58;
	_ =	sdelay $0x1  }
0xae: {  	(erf) = vrcp.f32 v0;
	_ =	sdelay $0x2  }
0xaf: {  	v60 =	vld [tilespmem:s26+$0x70]  }
0xb0: {  	v61 =	vld.msk [tilespmem:s24+$0x3 ss:$0x0], $0xffff  }
0xb1: {  	v59 =	vld [tilespmem:s28+$0x0];
	_ =	sdelay $0x3  }
0xb2: {  	v62 =	vld [tilespmem:s26+$0x60];
	v63 =	vpop (erf)  }
0xb3: {  	s21 =	sadd.s32 $0x8, s21;
	v0 =	vsub.f32 v61, v59;
	v1 =	vmul.f32 v60, v63  }
0xb4: {  	p0 =	slt.u32 s21, $0x1F8  }
.Ltmp1:
0xb5: {  	v0 =	vmul.f32 v1, v0;
	(pc) =	sbr.rel @p0 .LBB2_5-.Ltmp1, $4  }
0xb6: {  	_ = 	snop  }
0xb7: {  	v0 =	vadd.f32 v0, v62  }
0xb8: {  	s23 =	sadd.s32 $0x100, s23;
	s24 =	sadd.s32 $0x8, s24  }
0xb9: {  	s25 =	sadd.s32 $0x8, s25;
	s26 =	sadd.s32 $0x100, s26;
	[tilespmem:s22+$0x30] =	vst v0;
	s22 =	sadd.s32 $0x80, s22  }
0xba: {  	s20 =	sshll.u32 s20, $0xA  }
0xbb: {  	p0 =	sne.s32 s19, s10;
	s20 =	sand.u32 $0x1FFFFC00, s20  }
.Ltmp2:
0xbc: {  	s20 =	sadd.s32 s7, s20;
	(pc) =	sbr.rel @p0 .LBB2_4-.Ltmp2, $4  }
0xbd: {  	[hbm4b:s20+s2] =	stream.linear.scatter [tilespmem:s17], [sflag:$0x1], $0x2000, $0x38;
	[tilespmem:$0x16500] =	vst v63  }
0xbe: {  	_ =	swait.ge [sflag:s12], $0x2000  }
0xbf: {  	s31 =	sadd.s32 $0x1, s19;
	[sflag:s12] =	ssyncset.done $0x0  }
0xc0: {  	s19 =	smov.u32 s31;
	[sflag:s12] =	ssyncadd.s32 $0xFFFFE000  }
0xc1: {  	s18 =	sadd.s32 $0x1, s18  }
0xc2: {  	p0 =	sne.s32 s18, s11  }
.Ltmp3:
0xc3: {  	_ = 	snop;
	(pc) =	sbr.rel @p0 .LBB2_1-.Ltmp3, $1  }
0xc4: {  	_ =	sdelay $0x3  }
0xc5: {  	_ =	sfence.sel $0x180000  }
0xc6: {  	[bflag:$0x0] =	sbarrier.arrive $0xFFFF  }
0xc7: {  	p0 =	sne.s32 s3, $0x0;
	_ =	strace $0x9000004A  }
0xc8: {  	s0 =	sadd.s32 @!p0 $0x100000, s0;
	[bflag:$0x2] =	sbarrier.arrive $0xFFFF  }
0xc9: {  	[sflag:s0] =	ssyncadd.tile.s32 @!p0 $0x1;
	_ =	shalt  }
.Lfunc_end2:
_tile_overlayer_lowered:
.L_overlay_start_2:
0xca: {  	(tag) =	ssettag $0x2  }
0xcb: {  	s0 =	rddreg [dreg:$0x0];
	s2 =	stileid.u32  }
0xcc: {  	s1 =	rddreg [dreg:$0x1];
	p0 =	sne.s32 s2, $0x0  }
0xcd: {  	s3 =	rddreg [dreg:$0x2];
	[bflag:$0x3] =	sbarrier.arrive $0xFFFF;
	s2 =	simm.s32 @!p0 $0x1C01  }
0xce: {  	[timem:s3], [sflag:s2] =	dma.local @!p0 [hbm:s0], s1  }
0xcf: {  	s0 =	simm.s32 @!p0 $0x1  }
0xd0: {  	_ =	swait.ge @!p0 [sflag:s0], s1  }
0xd1: {  	s1 =	ssub.s32 @!p0 $0x0, s1;
	[sflag:s0] =	ssyncset.done @!p0 $0x0  }
0xd2: {  	[sflag:s0] =	ssyncadd.s32 @!p0 s1  }
0xd3: {  	[bflag:$0x3] =	sbarrier.arrive $0xFFFF  }
0xd4: {  	_ =	shalt  }

</sc_bundles>
